<compile_context>
chip_gen: v7x
topology: tpu7x:2x2x1
jax: 0.10.2.dev20260603
libtpu: 0.0.44.dev20260713+nightly
codegen_flags: <defaults>
</compile_context>

<pallas_src>
import jax
import jax.numpy as jnp
from jax import lax
from jax.experimental import pallas as pl
from jax.experimental.pallas import tpu as pltpu
from jax.experimental.pallas import tpu_sc as plsc

BATCH = 16384
INP_DIM = 39
N_CONT = 13
N_CAT = 26
VOCAB = 100000
EMB_DIM = 32
EMB_TOT = N_CAT * EMB_DIM
OUT_DIM = N_CONT + EMB_TOT

NC, NS, L = 2, 16, 16
NW = NC * NS
ROWS_PER_W = EMB_TOT // NW
QTR = BATCH // 4
NQ = 4
UNROLL = 16
KQ = QTR // (L * UNROLL)


def _sc_body(xt_hbm, t2_hbm, out_hbm, rowb, idxb, outb, osem):
    wid = lax.axis_index("s") * NC + lax.axis_index("c")

    def out_qtr(row, q):
        return pltpu.make_async_copy(
            outb.at[pl.ds((q % 2) * QTR, QTR)],
            out_hbm.at[row, pl.ds(q * QTR, QTR)],
            osem.at[q % 2],
        )

    @pl.when(wid < N_CONT)
    def _cont():
        pltpu.sync_copy(xt_hbm.at[wid, :], idxb)
        for q in range(NQ):
            def conv_body(k, _):
                for u in range(UNROLL):
                    o = k * L * UNROLL + u * L
                    v = idxb[pl.ds(q * QTR + o, L)]
                    outb[pl.ds((q % 2) * QTR + o, L)] = v.astype(jnp.float32)
                return _
            lax.fori_loop(0, KQ, conv_body, None)
            pltpu.sync_copy(
                outb.at[pl.ds((q % 2) * QTR, QTR)],
                out_hbm.at[wid, pl.ds(q * QTR, QTR)],
            )

    def row_body(i, c_prev):
        r = wid * ROWS_PER_W + i
        c = lax.div(r, EMB_DIM)

        @pl.when(c != c_prev)
        def _load_idx():
            pltpu.sync_copy(xt_hbm.at[N_CONT + c, :], idxb)

        pltpu.sync_copy(t2_hbm.at[r, :], rowb)
        for q in range(NQ):
            @pl.when(jnp.logical_or(i > 0, q >= 2))
            def _drain():
                out_qtr(N_CONT + r, q).wait()

            def gat_body(k, _):
                for u in range(UNROLL):
                    o = k * L * UNROLL + u * L
                    iv = idxb[pl.ds(q * QTR + o, L)]
                    outb[pl.ds((q % 2) * QTR + o, L)] = plsc.load_gather(
                        rowb, [iv]
                    )
                return _
            lax.fori_loop(0, KQ, gat_body, None)
            out_qtr(N_CONT + r, q).start()
        return c

    lax.fori_loop(0, ROWS_PER_W, row_body, jnp.int32(-1))

    last = wid * ROWS_PER_W + ROWS_PER_W - 1
    for q in range(2):
        out_qtr(N_CONT + last, q).wait()


@jax.jit
def _run(xt, t2):
    mesh = plsc.VectorSubcoreMesh(
        core_axis_name="c", subcore_axis_name="s", num_cores=NC, num_subcores=NS
    )
    out_t = pl.kernel(
        _sc_body,
        out_type=jax.ShapeDtypeStruct((OUT_DIM, BATCH), jnp.float32),
        mesh=mesh,
        compiler_params=pltpu.CompilerParams(needs_layout_passes=False),
        scratch_types=[
            pltpu.VMEM((VOCAB,), jnp.float32),
            pltpu.VMEM((BATCH,), jnp.int32),
            pltpu.VMEM((2 * QTR,), jnp.float32),
            pltpu.SemaphoreType.DMA((2,)),
        ],
    )(xt, t2)
    return out_t.T


def kernel(x, tables):
    xt = x.astype(jnp.int32).T
    t2 = tables.transpose(0, 2, 1).reshape(EMB_TOT, VOCAB)
    return _run(xt, t2)

# --- scband reference (transcript-rebuilt; emitter-appended) ---
"""Pipeline reference for scband-embedding-creator-27324581937458 (READ-ONLY COPY).

The authoritative reference and input builder live on the scoring server;
editing this copy changes nothing except your own understanding.
"""

import jax, jax.numpy as jnp
import numpy as np

BATCH = 16384
INP_DIM = 39
N_CONT = 13
N_CAT = 26
VOCAB = 100000
EMB_DIM = 32


def setup_inputs(seed: int = 0) -> dict:
    key = jax.random.key(seed)
    kx, kt = jax.random.split(key)
    # x holds both continuous columns (interpreted via .astype(float)) and
    # categorical index columns; all int as in the torch module's usage.
    x = jax.random.randint(kx, (BATCH, INP_DIM), 0, VOCAB)
    # 26 embedding tables of identical shape, stacked: [26, 100000, 32]
    tables = jax.random.normal(kt, (N_CAT, VOCAB, EMB_DIM), dtype=jnp.float32) * 0.02
    return {"x": x, "tables": tables}


def reference(x, tables):
    # col_type_tracker: columns 0..12 continuous (True), 13..38 categorical (False)
    cols = []
    cat_col_tracker = 0
    for idx in range(INP_DIM):
        if idx < N_CONT:
            cols.append(x[:, idx].astype(jnp.float32).reshape(-1, 1))
        else:
            # embedding lookup: gather rows from table cat_col_tracker
            cols.append(jnp.take(tables[cat_col_tracker], x[:, idx], axis=0))
            cat_col_tracker += 1
    return jnp.concatenate(cols, axis=1)

if __name__ == "__main__":
    import jax
    _d = setup_inputs()
    print(jax.jit(kernel)(*tuple(_d.values())))

</pallas_src>

<mosaic_0001>
#map = affine_map<(d0, d1) -> (0, 0)>
module attributes {stable_mosaic.version = 14 : i64} {
  func.func @_sc_body(%arg0: i32, %arg1: i32, %arg2: memref<39x16384xi32, #tpu.memory_space<hbm>>, %arg3: memref<832x100000xf32, #tpu.memory_space<hbm>>, %arg4: memref<845x16384xf32, #tpu.memory_space<hbm>>, %arg5: memref<100000xf32, #tpu.memory_space<vmem>>, %arg6: memref<16384xi32, #tpu.memory_space<vmem>>, %arg7: memref<8192xf32, #tpu.memory_space<vmem>>, %arg8: memref<2x!tpu.dma_semaphore, #tpu.memory_space<semaphore_mem>>) attributes {dimension_semantics = [#tpu.dimension_semantics<core_parallel>, #tpu.dimension_semantics<subcore_parallel>], iteration_bounds = array<i64: 2, 16>, scalar_prefetch = 0 : i64, scratch_operands = 4 : i64, tpu.core_type = #tpu.core_type<sc_vector_subcore>, window_params = [{transform_indices = #map}, {transform_indices = #map}, {transform_indices = #map}]} {
    %mul3A = arith.constant 2 : i32
    %mul3A_0 = arith.muli %arg1, %mul3A : i32
    %add3A = arith.addi %mul3A_0, %arg0 : i32
    %lt3A = arith.constant 13 : i32
    %lt3A_1 = arith.cmpi slt, %add3A, %lt3A : i32
    %convert_element_type3A = arith.extui %lt3A_1 : i1 to i32
    %cond3A = arith.constant 0 : i32
    %cond3A_2 = arith.cmpi ne, %convert_element_type3A, %cond3A : i32
    scf.if %cond3A_2 {
      "tpu.region"() ({
        %run_scoped3A = tpu.sem_alloc : memref<!tpu.dma_semaphore, #tpu.memory_space<semaphore_mem>>
        %dma_start3A = arith.constant 0 : i32
        %dma_start3A_63 = tpu.memref_slice %arg2[%add3A, %dma_start3A] : memref<39x16384xi32, #tpu.memory_space<hbm>> -> memref<1x16384xi32, #tpu.memory_space<hbm>>
        %dma_start3A_64 = tpu.memref_squeeze %dma_start3A_63 : memref<1x16384xi32, #tpu.memory_space<hbm>> -> memref<16384xi32, #tpu.memory_space<hbm>>
        %dma_start3A_65 = arith.constant 0 : i32
        %dma_start3A_66 = tpu.memref_slice %arg2[%add3A, %dma_start3A_65] : memref<39x16384xi32, #tpu.memory_space<hbm>> -> memref<1x16384xi32, #tpu.memory_space<hbm>>
        %dma_start3A_67 = tpu.memref_squeeze %dma_start3A_66 : memref<1x16384xi32, #tpu.memory_space<hbm>> -> memref<16384xi32, #tpu.memory_space<hbm>>
        tpu.enqueue_dma source(%dma_start3A_67 : memref<16384xi32, #tpu.memory_space<hbm>>) target(%arg6 : memref<16384xi32, #tpu.memory_space<vmem>>) target_semaphore(%run_scoped3A : memref<!tpu.dma_semaphore, #tpu.memory_space<semaphore_mem>>)
        %dma_wait3A_68 = arith.constant 0 : i32
        %dma_wait3A_69 = tpu.memref_slice %arg2[%add3A, %dma_wait3A_68] : memref<39x16384xi32, #tpu.memory_space<hbm>> -> memref<1x16384xi32, #tpu.memory_space<hbm>>
        %dma_wait3A_70 = tpu.memref_squeeze %dma_wait3A_69 : memref<1x16384xi32, #tpu.memory_space<hbm>> -> memref<16384xi32, #tpu.memory_space<hbm>>
        %dma_wait3A_71 = arith.constant 0 : i32
        %dma_wait3A_72 = tpu.memref_slice %arg2[%add3A, %dma_wait3A_71] : memref<39x16384xi32, #tpu.memory_space<hbm>> -> memref<1x16384xi32, #tpu.memory_space<hbm>>
        %dma_wait3A_73 = tpu.memref_squeeze %dma_wait3A_72 : memref<1x16384xi32, #tpu.memory_space<hbm>> -> memref<16384xi32, #tpu.memory_space<hbm>>
        tpu.wait_dma2 semaphore(%run_scoped3A : memref<!tpu.dma_semaphore, #tpu.memory_space<semaphore_mem>>) src(%dma_wait3A_73 : memref<16384xi32, #tpu.memory_space<hbm>>) dst(%arg6 : memref<16384xi32, #tpu.memory_space<vmem>>)
        tpu.yield
      }) : () -> ()
      %scan3A_43 = arith.constant 0 : i32
      %scan3A_44 = arith.constant 16 : i32
      %scan3A_45 = arith.addi %scan3A_43, %scan3A_44 : i32
      %scan3A_46 = arith.constant 1 : i32
      scf.for %scan3A_63 = %scan3A_43 to %scan3A_45 step %scan3A_46  : i32 {
        %mul3A_64 = arith.constant 16 : i32
        %mul3A_65 = arith.muli %scan3A_63, %mul3A_64 : i32
        %mul3A_66 = arith.constant 16 : i32
        %mul3A_67 = arith.muli %mul3A_65, %mul3A_66 : i32
        %add3A_68 = arith.constant 0 : i32
        %add3A_69 = arith.addi %mul3A_67, %add3A_68 : i32
        %add3A_70 = arith.constant 0 : i32
        %add3A_71 = arith.addi %add3A_70, %add3A_69 : i32
        %get3A = arith.index_cast %add3A_71 : i32 to index
        %get3A_72 = tpu.vector_load %arg6[%get3A] {strides = array<i32>} : memref<16384xi32, #tpu.memory_space<vmem>>, vector<16xi32>,
        %convert_element_type3A_73 = arith.sitofp %get3A_72 : vector<16xi32> to vector<16xf32>
        %add3A_74 = arith.constant 0 : i32
        %add3A_75 = arith.addi %add3A_74, %add3A_69 : i32
        %swap3A = arith.index_cast %add3A_75 : i32 to index
        %swap3A_76 = tpu.vector_load %arg7[%swap3A] {strides = array<i32>} : memref<8192xf32, #tpu.memory_space<vmem>>, vector<16xf32>,
        tpu.vector_store %arg7[%swap3A], %convert_element_type3A_73 {strides = array<i32>} : memref<8192xf32, #tpu.memory_space<vmem>>, vector<16xf32>,
        %mul3A_77 = arith.constant 16 : i32
        %mul3A_78 = arith.muli %scan3A_63, %mul3A_77 : i32
        %mul3A_79 = arith.constant 16 : i32
        %mul3A_80 = arith.muli %mul3A_78, %mul3A_79 : i32
        %add3A_81 = arith.constant 16 : i32
        %add3A_82 = arith.addi %mul3A_80, %add3A_81 : i32
        %add3A_83 = arith.constant 0 : i32
        %add3A_84 = arith.addi %add3A_83, %add3A_82 : i32
        %get3A_85 = arith.index_cast %add3A_84 : i32 to index
        %get3A_86 = tpu.vector_load %arg6[%get3A_85] {strides = array<i32>} : memref<16384xi32, #tpu.memory_space<vmem>>, vector<16xi32>,
        %convert_element_type3A_87 = arith.sitofp %get3A_86 : vector<16xi32> to vector<16xf32>
        %add3A_88 = arith.constant 0 : i32
        %add3A_89 = arith.addi %add3A_88, %add3A_82 : i32
        %swap3A_90 = arith.index_cast %add3A_89 : i32 to index
        %swap3A_91 = tpu.vector_load %arg7[%swap3A_90] {strides = array<i32>} : memref<8192xf32, #tpu.memory_space<vmem>>, vector<16xf32>,
        tpu.vector_store %arg7[%swap3A_90], %convert_element_type3A_87 {strides = array<i32>} : memref<8192xf32, #tpu.memory_space<vmem>>, vector<16xf32>,
        %mul3A_92 = arith.constant 16 : i32
        %mul3A_93 = arith.muli %scan3A_63, %mul3A_92 : i32
        %mul3A_94 = arith.constant 16 : i32
        %mul3A_95 = arith.muli %mul3A_93, %mul3A_94 : i32
        %add3A_96 = arith.constant 32 : i32
        %add3A_97 = arith.addi %mul3A_95, %add3A_96 : i32
        %add3A_98 = arith.constant 0 : i32
        %add3A_99 = arith.addi %add3A_98, %add3A_97 : i32
        %get3A_100 = arith.index_cast %add3A_99 : i32 to index
        %get3A_101 = tpu.vector_load %arg6[%get3A_100] {strides = array<i32>} : memref<16384xi32, #tpu.memory_space<vmem>>, vector<16xi32>,
        %convert_element_type3A_102 = arith.sitofp %get3A_101 : vector<16xi32> to vector<16xf32>
        %add3A_103 = arith.constant 0 : i32
        %add3A_104 = arith.addi %add3A_103, %add3A_97 : i32
        %swap3A_105 = arith.index_cast %add3A_104 : i32 to index
        %swap3A_106 = tpu.vector_load %arg7[%swap3A_105] {strides = array<i32>} : memref<8192xf32, #tpu.memory_space<vmem>>, vector<16xf32>,
        tpu.vector_store %arg7[%swap3A_105], %convert_element_type3A_102 {strides = array<i32>} : memref<8192xf32, #tpu.memory_space<vmem>>, vector<16xf32>,
        %mul3A_107 = arith.constant 16 : i32
        %mul3A_108 = arith.muli %scan3A_63, %mul3A_107 : i32
        %mul3A_109 = arith.constant 16 : i32
        %mul3A_110 = arith.muli %mul3A_108, %mul3A_109 : i32
        %add3A_111 = arith.constant 48 : i32
        %add3A_112 = arith.addi %mul3A_110, %add3A_111 : i32
        %add3A_113 = arith.constant 0 : i32
        %add3A_114 = arith.addi %add3A_113, %add3A_112 : i32
        %get3A_115 = arith.index_cast %add3A_114 : i32 to index
        %get3A_116 = tpu.vector_load %arg6[%get3A_115] {strides = array<i32>} : memref<16384xi32, #tpu.memory_space<vmem>>, vector<16xi32>,
        %convert_element_type3A_117 = arith.sitofp %get3A_116 : vector<16xi32> to vector<16xf32>
        %add3A_118 = arith.constant 0 : i32
        %add3A_119 = arith.addi %add3A_118, %add3A_112 : i32
        %swap3A_120 = arith.index_cast %add3A_119 : i32 to index
        %swap3A_121 = tpu.vector_load %arg7[%swap3A_120] {strides = array<i32>} : memref<8192xf32, #tpu.memory_space<vmem>>, vector<16xf32>,
        tpu.vector_store %arg7[%swap3A_120], %convert_element_type3A_117 {strides = array<i32>} : memref<8192xf32, #tpu.memory_space<vmem>>, vector<16xf32>,
        %mul3A_122 = arith.constant 16 : i32
        %mul3A_123 = arith.muli %scan3A_63, %mul3A_122 : i32
        %mul3A_124 = arith.constant 16 : i32
        %mul3A_125 = arith.muli %mul3A_123, %mul3A_124 : i32
        %add3A_126 = arith.constant 64 : i32
        %add3A_127 = arith.addi %mul3A_125, %add3A_126 : i32
        %add3A_128 = arith.constant 0 : i32
        %add3A_129 = arith.addi %add3A_128, %add3A_127 : i32
        %get3A_130 = arith.index_cast %add3A_129 : i32 to index
        %get3A_131 = tpu.vector_load %arg6[%get3A_130] {strides = array<i32>} : memref<16384xi32, #tpu.memory_space<vmem>>, vector<16xi32>,
        %convert_element_type3A_132 = arith.sitofp %get3A_131 : vector<16xi32> to vector<16xf32>
        %add3A_133 = arith.constant 0 : i32
        %add3A_134 = arith.addi %add3A_133, %add3A_127 : i32
        %swap3A_135 = arith.index_cast %add3A_134 : i32 to index
        %swap3A_136 = tpu.vector_load %arg7[%swap3A_135] {strides = array<i32>} : memref<8192xf32, #tpu.memory_space<vmem>>, vector<16xf32>,
        tpu.vector_store %arg7[%swap3A_135], %convert_element_type3A_132 {strides = array<i32>} : memref<8192xf32, #tpu.memory_space<vmem>>, vector<16xf32>,
        %mul3A_137 = arith.constant 16 : i32
        %mul3A_138 = arith.muli %scan3A_63, %mul3A_137 : i32
        %mul3A_139 = arith.constant 16 : i32
        %mul3A_140 = arith.muli %mul3A_138, %mul3A_139 : i32
        %add3A_141 = arith.constant 80 : i32
        %add3A_142 = arith.addi %mul3A_140, %add3A_141 : i32
        %add3A_143 = arith.constant 0 : i32
        %add3A_144 = arith.addi %add3A_143, %add3A_142 : i32
        %get3A_145 = arith.index_cast %add3A_144 : i32 to index
        %get3A_146 = tpu.vector_load %arg6[%get3A_145] {strides = array<i32>} : memref<16384xi32, #tpu.memory_space<vmem>>, vector<16xi32>,
        %convert_element_type3A_147 = arith.sitofp %get3A_146 : vector<16xi32> to vector<16xf32>
        %add3A_148 = arith.constant 0 : i32
        %add3A_149 = arith.addi %add3A_148, %add3A_142 : i32
        %swap3A_150 = arith.index_cast %add3A_149 : i32 to index
        %swap3A_151 = tpu.vector_load %arg7[%swap3A_150] {strides = array<i32>} : memref<8192xf32, #tpu.memory_space<vmem>>, vector<16xf32>,
        tpu.vector_store %arg7[%swap3A_150], %convert_element_type3A_147 {strides = array<i32>} : memref<8192xf32, #tpu.memory_space<vmem>>, vector<16xf32>,
        %mul3A_152 = arith.constant 16 : i32
        %mul3A_153 = arith.muli %scan3A_63, %mul3A_152 : i32
        %mul3A_154 = arith.constant 16 : i32
        %mul3A_155 = arith.muli %mul3A_153, %mul3A_154 : i32
        %add3A_156 = arith.constant 96 : i32
        %add3A_157 = arith.addi %mul3A_155, %add3A_156 : i32
        %add3A_158 = arith.constant 0 : i32
        %add3A_159 = arith.addi %add3A_158, %add3A_157 : i32
        %get3A_160 = arith.index_cast %add3A_159 : i32 to index
        %get3A_161 = tpu.vector_load %arg6[%get3A_160] {strides = array<i32>} : memref<16384xi32, #tpu.memory_space<vmem>>, vector<16xi32>,
        %convert_element_type3A_162 = arith.sitofp %get3A_161 : vector<16xi32> to vector<16xf32>
        %add3A_163 = arith.constant 0 : i32
        %add3A_164 = arith.addi %add3A_163, %add3A_157 : i32
        %swap3A_165 = arith.index_cast %add3A_164 : i32 to index
        %swap3A_166 = tpu.vector_load %arg7[%swap3A_165] {strides = array<i32>} : memref<8192xf32, #tpu.memory_space<vmem>>, vector<16xf32>,
        tpu.vector_store %arg7[%swap3A_165], %convert_element_type3A_162 {strides = array<i32>} : memref<8192xf32, #tpu.memory_space<vmem>>, vector<16xf32>,
        %mul3A_167 = arith.constant 16 : i32
        %mul3A_168 = arith.muli %scan3A_63, %mul3A_167 : i32
        %mul3A_169 = arith.constant 16 : i32
        %mul3A_170 = arith.muli %mul3A_168, %mul3A_169 : i32
        %add3A_171 = arith.constant 112 : i32
        %add3A_172 = arith.addi %mul3A_170, %add3A_171 : i32
        %add3A_173 = arith.constant 0 : i32
        %add3A_174 = arith.addi %add3A_173, %add3A_172 : i32
        %get3A_175 = arith.index_cast %add3A_174 : i32 to index
        %get3A_176 = tpu.vector_load %arg6[%get3A_175] {strides = array<i32>} : memref<16384xi32, #tpu.memory_space<vmem>>, vector<16xi32>,
        %convert_element_type3A_177 = arith.sitofp %get3A_176 : vector<16xi32> to vector<16xf32>
        %add3A_178 = arith.constant 0 : i32
        %add3A_179 = arith.addi %add3A_178, %add3A_172 : i32
        %swap3A_180 = arith.index_cast %add3A_179 : i32 to index
        %swap3A_181 = tpu.vector_load %arg7[%swap3A_180] {strides = array<i32>} : memref<8192xf32, #tpu.memory_space<vmem>>, vector<16xf32>,
        tpu.vector_store %arg7[%swap3A_180], %convert_element_type3A_177 {strides = array<i32>} : memref<8192xf32, #tpu.memory_space<vmem>>, vector<16xf32>,
        %mul3A_182 = arith.constant 16 : i32
        %mul3A_183 = arith.muli %scan3A_63, %mul3A_182 : i32
        %mul3A_184 = arith.constant 16 : i32
        %mul3A_185 = arith.muli %mul3A_183, %mul3A_184 : i32
        %add3A_186 = arith.constant 128 : i32
        %add3A_187 = arith.addi %mul3A_185, %add3A_186 : i32
        %add3A_188 = arith.constant 0 : i32
        %add3A_189 = arith.addi %add3A_188, %add3A_187 : i32
        %get3A_190 = arith.index_cast %add3A_189 : i32 to index
        %get3A_191 = tpu.vector_load %arg6[%get3A_190] {strides = array<i32>} : memref<16384xi32, #tpu.memory_space<vmem>>, vector<16xi32>,
        %convert_element_type3A_192 = arith.sitofp %get3A_191 : vector<16xi32> to vector<16xf32>
        %add3A_193 = arith.constant 0 : i32
        %add3A_194 = arith.addi %add3A_193, %add3A_187 : i32
        %swap3A_195 = arith.index_cast %add3A_194 : i32 to index
        %swap3A_196 = tpu.vector_load %arg7[%swap3A_195] {strides = array<i32>} : memref<8192xf32, #tpu.memory_space<vmem>>, vector<16xf32>,
        tpu.vector_store %arg7[%swap3A_195], %convert_element_type3A_192 {strides = array<i32>} : memref<8192xf32, #tpu.memory_space<vmem>>, vector<16xf32>,
        %mul3A_197 = arith.constant 16 : i32
        %mul3A_198 = arith.muli %scan3A_63, %mul3A_197 : i32
        %mul3A_199 = arith.constant 16 : i32
        %mul3A_200 = arith.muli %mul3A_198, %mul3A_199 : i32
        %add3A_201 = arith.constant 144 : i32
        %add3A_202 = arith.addi %mul3A_200, %add3A_201 : i32
        %add3A_203 = arith.constant 0 : i32
        %add3A_204 = arith.addi %add3A_203, %add3A_202 : i32
        %get3A_205 = arith.index_cast %add3A_204 : i32 to index
        %get3A_206 = tpu.vector_load %arg6[%get3A_205] {strides = array<i32>} : memref<16384xi32, #tpu.memory_space<vmem>>, vector<16xi32>,
        %convert_element_type3A_207 = arith.sitofp %get3A_206 : vector<16xi32> to vector<16xf32>
        %add3A_208 = arith.constant 0 : i32
        %add3A_209 = arith.addi %add3A_208, %add3A_202 : i32
        %swap3A_210 = arith.index_cast %add3A_209 : i32 to index
        %swap3A_211 = tpu.vector_load %arg7[%swap3A_210] {strides = array<i32>} : memref<8192xf32, #tpu.memory_space<vmem>>, vector<16xf32>,
        tpu.vector_store %arg7[%swap3A_210], %convert_element_type3A_207 {strides = array<i32>} : memref<8192xf32, #tpu.memory_space<vmem>>, vector<16xf32>,
        %mul3A_212 = arith.constant 16 : i32
        %mul3A_213 = arith.muli %scan3A_63, %mul3A_212 : i32
        %mul3A_214 = arith.constant 16 : i32
        %mul3A_215 = arith.muli %mul3A_213, %mul3A_214 : i32
        %add3A_216 = arith.constant 160 : i32
        %add3A_217 = arith.addi %mul3A_215, %add3A_216 : i32
        %add3A_218 = arith.constant 0 : i32
        %add3A_219 = arith.addi %add3A_218, %add3A_217 : i32
        %get3A_220 = arith.index_cast %add3A_219 : i32 to index
        %get3A_221 = tpu.vector_load %arg6[%get3A_220] {strides = array<i32>} : memref<16384xi32, #tpu.memory_space<vmem>>, vector<16xi32>,
        %convert_element_type3A_222 = arith.sitofp %get3A_221 : vector<16xi32> to vector<16xf32>
        %add3A_223 = arith.constant 0 : i32
        %add3A_224 = arith.addi %add3A_223, %add3A_217 : i32
        %swap3A_225 = arith.index_cast %add3A_224 : i32 to index
        %swap3A_226 = tpu.vector_load %arg7[%swap3A_225] {strides = array<i32>} : memref<8192xf32, #tpu.memory_space<vmem>>, vector<16xf32>,
        tpu.vector_store %arg7[%swap3A_225], %convert_element_type3A_222 {strides = array<i32>} : memref<8192xf32, #tpu.memory_space<vmem>>, vector<16xf32>,
        %mul3A_227 = arith.constant 16 : i32
        %mul3A_228 = arith.muli %scan3A_63, %mul3A_227 : i32
        %mul3A_229 = arith.constant 16 : i32
        %mul3A_230 = arith.muli %mul3A_228, %mul3A_229 : i32
        %add3A_231 = arith.constant 176 : i32
        %add3A_232 = arith.addi %mul3A_230, %add3A_231 : i32
        %add3A_233 = arith.constant 0 : i32
        %add3A_234 = arith.addi %add3A_233, %add3A_232 : i32
        %get3A_235 = arith.index_cast %add3A_234 : i32 to index
        %get3A_236 = tpu.vector_load %arg6[%get3A_235] {strides = array<i32>} : memref<16384xi32, #tpu.memory_space<vmem>>, vector<16xi32>,
        %convert_element_type3A_237 = arith.sitofp %get3A_236 : vector<16xi32> to vector<16xf32>
        %add3A_238 = arith.constant 0 : i32
        %add3A_239 = arith.addi %add3A_238, %add3A_232 : i32
        %swap3A_240 = arith.index_cast %add3A_239 : i32 to index
        %swap3A_241 = tpu.vector_load %arg7[%swap3A_240] {strides = array<i32>} : memref<8192xf32, #tpu.memory_space<vmem>>, vector<16xf32>,
        tpu.vector_store %arg7[%swap3A_240], %convert_element_type3A_237 {strides = array<i32>} : memref<8192xf32, #tpu.memory_space<vmem>>, vector<16xf32>,
        %mul3A_242 = arith.constant 16 : i32
        %mul3A_243 = arith.muli %scan3A_63, %mul3A_242 : i32
        %mul3A_244 = arith.constant 16 : i32
        %mul3A_245 = arith.muli %mul3A_243, %mul3A_244 : i32
        %add3A_246 = arith.constant 192 : i32
        %add3A_247 = arith.addi %mul3A_245, %add3A_246 : i32
        %add3A_248 = arith.constant 0 : i32
        %add3A_249 = arith.addi %add3A_248, %add3A_247 : i32
        %get3A_250 = arith.index_cast %add3A_249 : i32 to index
        %get3A_251 = tpu.vector_load %arg6[%get3A_250] {strides = array<i32>} : memref<16384xi32, #tpu.memory_space<vmem>>, vector<16xi32>,
        %convert_element_type3A_252 = arith.sitofp %get3A_251 : vector<16xi32> to vector<16xf32>
        %add3A_253 = arith.constant 0 : i32
        %add3A_254 = arith.addi %add3A_253, %add3A_247 : i32
        %swap3A_255 = arith.index_cast %add3A_254 : i32 to index
        %swap3A_256 = tpu.vector_load %arg7[%swap3A_255] {strides = array<i32>} : memref<8192xf32, #tpu.memory_space<vmem>>, vector<16xf32>,
        tpu.vector_store %arg7[%swap3A_255], %convert_element_type3A_252 {strides = array<i32>} : memref<8192xf32, #tpu.memory_space<vmem>>, vector<16xf32>,
        %mul3A_257 = arith.constant 16 : i32
        %mul3A_258 = arith.muli %scan3A_63, %mul3A_257 : i32
        %mul3A_259 = arith.constant 16 : i32
        %mul3A_260 = arith.muli %mul3A_258, %mul3A_259 : i32
        %add3A_261 = arith.constant 208 : i32
        %add3A_262 = arith.addi %mul3A_260, %add3A_261 : i32
        %add3A_263 = arith.constant 0 : i32
        %add3A_264 = arith.addi %add3A_263, %add3A_262 : i32
        %get3A_265 = arith.index_cast %add3A_264 : i32 to index
        %get3A_266 = tpu.vector_load %arg6[%get3A_265] {strides = array<i32>} : memref<16384xi32, #tpu.memory_space<vmem>>, vector<16xi32>,
        %convert_element_type3A_267 = arith.sitofp %get3A_266 : vector<16xi32> to vector<16xf32>
        %add3A_268 = arith.constant 0 : i32
        %add3A_269 = arith.addi %add3A_268, %add3A_262 : i32
        %swap3A_270 = arith.index_cast %add3A_269 : i32 to index
        %swap3A_271 = tpu.vector_load %arg7[%swap3A_270] {strides = array<i32>} : memref<8192xf32, #tpu.memory_space<vmem>>, vector<16xf32>,
        tpu.vector_store %arg7[%swap3A_270], %convert_element_type3A_267 {strides = array<i32>} : memref<8192xf32, #tpu.memory_space<vmem>>, vector<16xf32>,
        %mul3A_272 = arith.constant 16 : i32
        %mul3A_273 = arith.muli %scan3A_63, %mul3A_272 : i32
        %mul3A_274 = arith.constant 16 : i32
        %mul3A_275 = arith.muli %mul3A_273, %mul3A_274 : i32
        %add3A_276 = arith.constant 224 : i32
        %add3A_277 = arith.addi %mul3A_275, %add3A_276 : i32
        %add3A_278 = arith.constant 0 : i32
        %add3A_279 = arith.addi %add3A_278, %add3A_277 : i32
        %get3A_280 = arith.index_cast %add3A_279 : i32 to index
        %get3A_281 = tpu.vector_load %arg6[%get3A_280] {strides = array<i32>} : memref<16384xi32, #tpu.memory_space<vmem>>, vector<16xi32>,
        %convert_element_type3A_282 = arith.sitofp %get3A_281 : vector<16xi32> to vector<16xf32>
        %add3A_283 = arith.constant 0 : i32
        %add3A_284 = arith.addi %add3A_283, %add3A_277 : i32
        %swap3A_285 = arith.index_cast %add3A_284 : i32 to index
        %swap3A_286 = tpu.vector_load %arg7[%swap3A_285] {strides = array<i32>} : memref<8192xf32, #tpu.memory_space<vmem>>, vector<16xf32>,
        tpu.vector_store %arg7[%swap3A_285], %convert_element_type3A_282 {strides = array<i32>} : memref<8192xf32, #tpu.memory_space<vmem>>, vector<16xf32>,
        %mul3A_287 = arith.constant 16 : i32
        %mul3A_288 = arith.muli %scan3A_63, %mul3A_287 : i32
        %mul3A_289 = arith.constant 16 : i32
        %mul3A_290 = arith.muli %mul3A_288, %mul3A_289 : i32
        %add3A_291 = arith.constant 240 : i32
        %add3A_292 = arith.addi %mul3A_290, %add3A_291 : i32
        %add3A_293 = arith.constant 0 : i32
        %add3A_294 = arith.addi %add3A_293, %add3A_292 : i32
        %get3A_295 = arith.index_cast %add3A_294 : i32 to index
        %get3A_296 = tpu.vector_load %arg6[%get3A_295] {strides = array<i32>} : memref<16384xi32, #tpu.memory_space<vmem>>, vector<16xi32>,
        %convert_element_type3A_297 = arith.sitofp %get3A_296 : vector<16xi32> to vector<16xf32>
        %add3A_298 = arith.constant 0 : i32
        %add3A_299 = arith.addi %add3A_298, %add3A_292 : i32
        %swap3A_300 = arith.index_cast %add3A_299 : i32 to index
        %swap3A_301 = tpu.vector_load %arg7[%swap3A_300] {strides = array<i32>} : memref<8192xf32, #tpu.memory_space<vmem>>, vector<16xf32>,
        tpu.vector_store %arg7[%swap3A_300], %convert_element_type3A_297 {strides = array<i32>} : memref<8192xf32, #tpu.memory_space<vmem>>, vector<16xf32>,
      }
      %scan3A_47 = arith.constant 16 : i32
      "tpu.region"() ({
        %run_scoped3A = tpu.sem_alloc : memref<!tpu.dma_semaphore, #tpu.memory_space<semaphore_mem>>
        %dma_start3A = arith.constant 0 : i32
        %dma_start3A_63 = tpu.memref_slice %arg7[%dma_start3A] : memref<8192xf32, #tpu.memory_space<vmem>> -> memref<4096xf32, #tpu.memory_space<vmem>>
        %dma_start3A_64 = arith.constant 0 : i32
        %dma_start3A_65 = tpu.memref_slice %arg4[%add3A, %dma_start3A_64] : memref<845x16384xf32, #tpu.memory_space<hbm>> -> memref<1x4096xf32, #tpu.memory_space<hbm>>
        %dma_start3A_66 = tpu.memref_squeeze %dma_start3A_65 : memref<1x4096xf32, #tpu.memory_space<hbm>> -> memref<4096xf32, #tpu.memory_space<hbm>>
        %dma_start3A_67 = arith.constant 0 : i32
        %dma_start3A_68 = tpu.memref_slice %arg4[%add3A, %dma_start3A_67] : memref<845x16384xf32, #tpu.memory_space<hbm>> -> memref<1x4096xf32, #tpu.memory_space<hbm>>
        %dma_start3A_69 = tpu.memref_squeeze %dma_start3A_68 : memref<1x4096xf32, #tpu.memory_space<hbm>> -> memref<4096xf32, #tpu.memory_space<hbm>>
        %dma_start3A_70 = arith.constant 0 : i32
        %dma_start3A_71 = tpu.memref_slice %arg7[%dma_start3A_70] : memref<8192xf32, #tpu.memory_space<vmem>> -> memref<4096xf32, #tpu.memory_space<vmem>>
        tpu.enqueue_dma source(%dma_start3A_71 : memref<4096xf32, #tpu.memory_space<vmem>>) target(%dma_start3A_69 : memref<4096xf32, #tpu.memory_space<hbm>>) target_semaphore(%run_scoped3A : memref<!tpu.dma_semaphore, #tpu.memory_space<semaphore_mem>>)
        %dma_wait3A_72 = arith.constant 0 : i32
        %dma_wait3A_73 = tpu.memref_slice %arg7[%dma_wait3A_72] : memref<8192xf32, #tpu.memory_space<vmem>> -> memref<4096xf32, #tpu.memory_space<vmem>>
        %dma_wait3A_74 = arith.constant 0 : i32
        %dma_wait3A_75 = tpu.memref_slice %arg4[%add3A, %dma_wait3A_74] : memref<845x16384xf32, #tpu.memory_space<hbm>> -> memref<1x4096xf32, #tpu.memory_space<hbm>>
        %dma_wait3A_76 = tpu.memref_squeeze %dma_wait3A_75 : memref<1x4096xf32, #tpu.memory_space<hbm>> -> memref<4096xf32, #tpu.memory_space<hbm>>
        %dma_wait3A_77 = arith.constant 0 : i32
        %dma_wait3A_78 = tpu.memref_slice %arg4[%add3A, %dma_wait3A_77] : memref<845x16384xf32, #tpu.memory_space<hbm>> -> memref<1x4096xf32, #tpu.memory_space<hbm>>
        %dma_wait3A_79 = tpu.memref_squeeze %dma_wait3A_78 : memref<1x4096xf32, #tpu.memory_space<hbm>> -> memref<4096xf32, #tpu.memory_space<hbm>>
        %dma_wait3A_80 = arith.constant 0 : i32
        %dma_wait3A_81 = tpu.memref_slice %arg7[%dma_wait3A_80] : memref<8192xf32, #tpu.memory_space<vmem>> -> memref<4096xf32, #tpu.memory_space<vmem>>
        tpu.wait_dma2 semaphore(%run_scoped3A : memref<!tpu.dma_semaphore, #tpu.memory_space<semaphore_mem>>) src(%dma_wait3A_81 : memref<4096xf32, #tpu.memory_space<vmem>>) dst(%dma_wait3A_79 : memref<4096xf32, #tpu.memory_space<hbm>>)
        tpu.yield
      }) : () -> ()
      %scan3A_48 = arith.constant 0 : i32
      %scan3A_49 = arith.constant 16 : i32
      %scan3A_50 = arith.addi %scan3A_48, %scan3A_49 : i32
      %scan3A_51 = arith.constant 1 : i32
      scf.for %scan3A_63 = %scan3A_48 to %scan3A_50 step %scan3A_51  : i32 {
        %mul3A_64 = arith.constant 16 : i32
        %mul3A_65 = arith.muli %scan3A_63, %mul3A_64 : i32
        %mul3A_66 = arith.constant 16 : i32
        %mul3A_67 = arith.muli %mul3A_65, %mul3A_66 : i32
        %add3A_68 = arith.constant 0 : i32
        %add3A_69 = arith.addi %mul3A_67, %add3A_68 : i32
        %add3A_70 = arith.constant 4096 : i32
        %add3A_71 = arith.addi %add3A_70, %add3A_69 : i32
        %get3A = arith.index_cast %add3A_71 : i32 to index
        %get3A_72 = tpu.vector_load %arg6[%get3A] {strides = array<i32>} : memref<16384xi32, #tpu.memory_space<vmem>>, vector<16xi32>,
        %convert_element_type3A_73 = arith.sitofp %get3A_72 : vector<16xi32> to vector<16xf32>
        %add3A_74 = arith.constant 4096 : i32
        %add3A_75 = arith.addi %add3A_74, %add3A_69 : i32
        %swap3A = arith.index_cast %add3A_75 : i32 to index
        %swap3A_76 = tpu.vector_load %arg7[%swap3A] {strides = array<i32>} : memref<8192xf32, #tpu.memory_space<vmem>>, vector<16xf32>,
        tpu.vector_store %arg7[%swap3A], %convert_element_type3A_73 {strides = array<i32>} : memref<8192xf32, #tpu.memory_space<vmem>>, vector<16xf32>,
        %mul3A_77 = arith.constant 16 : i32
        %mul3A_78 = arith.muli %scan3A_63, %mul3A_77 : i32
        %mul3A_79 = arith.constant 16 : i32
        %mul3A_80 = arith.muli %mul3A_78, %mul3A_79 : i32
        %add3A_81 = arith.constant 16 : i32
        %add3A_82 = arith.addi %mul3A_80, %add3A_81 : i32
        %add3A_83 = arith.constant 4096 : i32
        %add3A_84 = arith.addi %add3A_83, %add3A_82 : i32
        %get3A_85 = arith.index_cast %add3A_84 : i32 to index
        %get3A_86 = tpu.vector_load %arg6[%get3A_85] {strides = array<i32>} : memref<16384xi32, #tpu.memory_space<vmem>>, vector<16xi32>,
        %convert_element_type3A_87 = arith.sitofp %get3A_86 : vector<16xi32> to vector<16xf32>
        %add3A_88 = arith.constant 4096 : i32
        %add3A_89 = arith.addi %add3A_88, %add3A_82 : i32
        %swap3A_90 = arith.index_cast %add3A_89 : i32 to index
        %swap3A_91 = tpu.vector_load %arg7[%swap3A_90] {strides = array<i32>} : memref<8192xf32, #tpu.memory_space<vmem>>, vector<16xf32>,
        tpu.vector_store %arg7[%swap3A_90], %convert_element_type3A_87 {strides = array<i32>} : memref<8192xf32, #tpu.memory_space<vmem>>, vector<16xf32>,
        %mul3A_92 = arith.constant 16 : i32
        %mul3A_93 = arith.muli %scan3A_63, %mul3A_92 : i32
        %mul3A_94 = arith.constant 16 : i32
        %mul3A_95 = arith.muli %mul3A_93, %mul3A_94 : i32
        %add3A_96 = arith.constant 32 : i32
        %add3A_97 = arith.addi %mul3A_95, %add3A_96 : i32
        %add3A_98 = arith.constant 4096 : i32
        %add3A_99 = arith.addi %add3A_98, %add3A_97 : i32
        %get3A_100 = arith.index_cast %add3A_99 : i32 to index
        %get3A_101 = tpu.vector_load %arg6[%get3A_100] {strides = array<i32>} : memref<16384xi32, #tpu.memory_space<vmem>>, vector<16xi32>,
        %convert_element_type3A_102 = arith.sitofp %get3A_101 : vector<16xi32> to vector<16xf32>
        %add3A_103 = arith.constant 4096 : i32
        %add3A_104 = arith.addi %add3A_103, %add3A_97 : i32
        %swap3A_105 = arith.index_cast %add3A_104 : i32 to index
        %swap3A_106 = tpu.vector_load %arg7[%swap3A_105] {strides = array<i32>} : memref<8192xf32, #tpu.memory_space<vmem>>, vector<16xf32>,
        tpu.vector_store %arg7[%swap3A_105], %convert_element_type3A_102 {strides = array<i32>} : memref<8192xf32, #tpu.memory_space<vmem>>, vector<16xf32>,
        %mul3A_107 = arith.constant 16 : i32
        %mul3A_108 = arith.muli %scan3A_63, %mul3A_107 : i32
        %mul3A_109 = arith.constant 16 : i32
        %mul3A_110 = arith.muli %mul3A_108, %mul3A_109 : i32
        %add3A_111 = arith.constant 48 : i32
        %add3A_112 = arith.addi %mul3A_110, %add3A_111 : i32
        %add3A_113 = arith.constant 4096 : i32
        %add3A_114 = arith.addi %add3A_113, %add3A_112 : i32
        %get3A_115 = arith.index_cast %add3A_114 : i32 to index
        %get3A_116 = tpu.vector_load %arg6[%get3A_115] {strides = array<i32>} : memref<16384xi32, #tpu.memory_space<vmem>>, vector<16xi32>,
        %convert_element_type3A_117 = arith.sitofp %get3A_116 : vector<16xi32> to vector<16xf32>
        %add3A_118 = arith.constant 4096 : i32
        %add3A_119 = arith.addi %add3A_118, %add3A_112 : i32
        %swap3A_120 = arith.index_cast %add3A_119 : i32 to index
        %swap3A_121 = tpu.vector_load %arg7[%swap3A_120] {strides = array<i32>} : memref<8192xf32, #tpu.memory_space<vmem>>, vector<16xf32>,
        tpu.vector_store %arg7[%swap3A_120], %convert_element_type3A_117 {strides = array<i32>} : memref<8192xf32, #tpu.memory_space<vmem>>, vector<16xf32>,
        %mul3A_122 = arith.constant 16 : i32
        %mul3A_123 = arith.muli %scan3A_63, %mul3A_122 : i32
        %mul3A_124 = arith.constant 16 : i32
        %mul3A_125 = arith.muli %mul3A_123, %mul3A_124 : i32
        %add3A_126 = arith.constant 64 : i32
        %add3A_127 = arith.addi %mul3A_125, %add3A_126 : i32
        %add3A_128 = arith.constant 4096 : i32
        %add3A_129 = arith.addi %add3A_128, %add3A_127 : i32
        %get3A_130 = arith.index_cast %add3A_129 : i32 to index
        %get3A_131 = tpu.vector_load %arg6[%get3A_130] {strides = array<i32>} : memref<16384xi32, #tpu.memory_space<vmem>>, vector<16xi32>,
        %convert_element_type3A_132 = arith.sitofp %get3A_131 : vector<16xi32> to vector<16xf32>
        %add3A_133 = arith.constant 4096 : i32
        %add3A_134 = arith.addi %add3A_133, %add3A_127 : i32
        %swap3A_135 = arith.index_cast %add3A_134 : i32 to index
        %swap3A_136 = tpu.vector_load %arg7[%swap3A_135] {strides = array<i32>} : memref<8192xf32, #tpu.memory_space<vmem>>, vector<16xf32>,
        tpu.vector_store %arg7[%swap3A_135], %convert_element_type3A_132 {strides = array<i32>} : memref<8192xf32, #tpu.memory_space<vmem>>, vector<16xf32>,
        %mul3A_137 = arith.constant 16 : i32
        %mul3A_138 = arith.muli %scan3A_63, %mul3A_137 : i32
        %mul3A_139 = arith.constant 16 : i32
        %mul3A_140 = arith.muli %mul3A_138, %mul3A_139 : i32
        %add3A_141 = arith.constant 80 : i32
        %add3A_142 = arith.addi %mul3A_140, %add3A_141 : i32
        %add3A_143 = arith.constant 4096 : i32
        %add3A_144 = arith.addi %add3A_143, %add3A_142 : i32
        %get3A_145 = arith.index_cast %add3A_144 : i32 to index
        %get3A_146 = tpu.vector_load %arg6[%get3A_145] {strides = array<i32>} : memref<16384xi32, #tpu.memory_space<vmem>>, vector<16xi32>,
        %convert_element_type3A_147 = arith.sitofp %get3A_146 : vector<16xi32> to vector<16xf32>
        %add3A_148 = arith.constant 4096 : i32
        %add3A_149 = arith.addi %add3A_148, %add3A_142 : i32
        %swap3A_150 = arith.index_cast %add3A_149 : i32 to index
        %swap3A_151 = tpu.vector_load %arg7[%swap3A_150] {strides = array<i32>} : memref<8192xf32, #tpu.memory_space<vmem>>, vector<16xf32>,
        tpu.vector_store %arg7[%swap3A_150], %convert_element_type3A_147 {strides = array<i32>} : memref<8192xf32, #tpu.memory_space<vmem>>, vector<16xf32>,
        %mul3A_152 = arith.constant 16 : i32
        %mul3A_153 = arith.muli %scan3A_63, %mul3A_152 : i32
        %mul3A_154 = arith.constant 16 : i32
        %mul3A_155 = arith.muli %mul3A_153, %mul3A_154 : i32
        %add3A_156 = arith.constant 96 : i32
        %add3A_157 = arith.addi %mul3A_155, %add3A_156 : i32
        %add3A_158 = arith.constant 4096 : i32
        %add3A_159 = arith.addi %add3A_158, %add3A_157 : i32
        %get3A_160 = arith.index_cast %add3A_159 : i32 to index
        %get3A_161 = tpu.vector_load %arg6[%get3A_160] {strides = array<i32>} : memref<16384xi32, #tpu.memory_space<vmem>>, vector<16xi32>,
        %convert_element_type3A_162 = arith.sitofp %get3A_161 : vector<16xi32> to vector<16xf32>
        %add3A_163 = arith.constant 4096 : i32
        %add3A_164 = arith.addi %add3A_163, %add3A_157 : i32
        %swap3A_165 = arith.index_cast %add3A_164 : i32 to index
        %swap3A_166 = tpu.vector_load %arg7[%swap3A_165] {strides = array<i32>} : memref<8192xf32, #tpu.memory_space<vmem>>, vector<16xf32>,
        tpu.vector_store %arg7[%swap3A_165], %convert_element_type3A_162 {strides = array<i32>} : memref<8192xf32, #tpu.memory_space<vmem>>, vector<16xf32>,
        %mul3A_167 = arith.constant 16 : i32
        %mul3A_168 = arith.muli %scan3A_63, %mul3A_167 : i32
        %mul3A_169 = arith.constant 16 : i32
        %mul3A_170 = arith.muli %mul3A_168, %mul3A_169 : i32
        %add3A_171 = arith.constant 112 : i32
        %add3A_172 = arith.addi %mul3A_170, %add3A_171 : i32
        %add3A_173 = arith.constant 4096 : i32
        %add3A_174 = arith.addi %add3A_173, %add3A_172 : i32
        %get3A_175 = arith.index_cast %add3A_174 : i32 to index
        %get3A_176 = tpu.vector_load %arg6[%get3A_175] {strides = array<i32>} : memref<16384xi32, #tpu.memory_space<vmem>>, vector<16xi32>,
        %convert_element_type3A_177 = arith.sitofp %get3A_176 : vector<16xi32> to vector<16xf32>
        %add3A_178 = arith.constant 4096 : i32
        %add3A_179 = arith.addi %add3A_178, %add3A_172 : i32
        %swap3A_180 = arith.index_cast %add3A_179 : i32 to index
        %swap3A_181 = tpu.vector_load %arg7[%swap3A_180] {strides = array<i32>} : memref<8192xf32, #tpu.memory_space<vmem>>, vector<16xf32>,
        tpu.vector_store %arg7[%swap3A_180], %convert_element_type3A_177 {strides = array<i32>} : memref<8192xf32, #tpu.memory_space<vmem>>, vector<16xf32>,
        %mul3A_182 = arith.constant 16 : i32
        %mul3A_183 = arith.muli %scan3A_63, %mul3A_182 : i32
        %mul3A_184 = arith.constant 16 : i32
        %mul3A_185 = arith.muli %mul3A_183, %mul3A_184 : i32
        %add3A_186 = arith.constant 128 : i32
        %add3A_187 = arith.addi %mul3A_185, %add3A_186 : i32
        %add3A_188 = arith.constant 4096 : i32
        %add3A_189 = arith.addi %add3A_188, %add3A_187 : i32
        %get3A_190 = arith.index_cast %add3A_189 : i32 to index
        %get3A_191 = tpu.vector_load %arg6[%get3A_190] {strides = array<i32>} : memref<16384xi32, #tpu.memory_space<vmem>>, vector<16xi32>,
        %convert_element_type3A_192 = arith.sitofp %get3A_191 : vector<16xi32> to vector<16xf32>
        %add3A_193 = arith.constant 4096 : i32
        %add3A_194 = arith.addi %add3A_193, %add3A_187 : i32
        %swap3A_195 = arith.index_cast %add3A_194 : i32 to index
        %swap3A_196 = tpu.vector_load %arg7[%swap3A_195] {strides = array<i32>} : memref<8192xf32, #tpu.memory_space<vmem>>, vector<16xf32>,
        tpu.vector_store %arg7[%swap3A_195], %convert_element_type3A_192 {strides = array<i32>} : memref<8192xf32, #tpu.memory_space<vmem>>, vector<16xf32>,
        %mul3A_197 = arith.constant 16 : i32
        %mul3A_198 = arith.muli %scan3A_63, %mul3A_197 : i32
        %mul3A_199 = arith.constant 16 : i32
        %mul3A_200 = arith.muli %mul3A_198, %mul3A_199 : i32
        %add3A_201 = arith.constant 144 : i32
        %add3A_202 = arith.addi %mul3A_200, %add3A_201 : i32
        %add3A_203 = arith.constant 4096 : i32
        %add3A_204 = arith.addi %add3A_203, %add3A_202 : i32
        %get3A_205 = arith.index_cast %add3A_204 : i32 to index
        %get3A_206 = tpu.vector_load %arg6[%get3A_205] {strides = array<i32>} : memref<16384xi32, #tpu.memory_space<vmem>>, vector<16xi32>,
        %convert_element_type3A_207 = arith.sitofp %get3A_206 : vector<16xi32> to vector<16xf32>
        %add3A_208 = arith.constant 4096 : i32
        %add3A_209 = arith.addi %add3A_208, %add3A_202 : i32
        %swap3A_210 = arith.index_cast %add3A_209 : i32 to index
        %swap3A_211 = tpu.vector_load %arg7[%swap3A_210] {strides = array<i32>} : memref<8192xf32, #tpu.memory_space<vmem>>, vector<16xf32>,
        tpu.vector_store %arg7[%swap3A_210], %convert_element_type3A_207 {strides = array<i32>} : memref<8192xf32, #tpu.memory_space<vmem>>, vector<16xf32>,
        %mul3A_212 = arith.constant 16 : i32
        %mul3A_213 = arith.muli %scan3A_63, %mul3A_212 : i32
        %mul3A_214 = arith.constant 16 : i32
        %mul3A_215 = arith.muli %mul3A_213, %mul3A_214 : i32
        %add3A_216 = arith.constant 160 : i32
        %add3A_217 = arith.addi %mul3A_215, %add3A_216 : i32
        %add3A_218 = arith.constant 4096 : i32
        %add3A_219 = arith.addi %add3A_218, %add3A_217 : i32
        %get3A_220 = arith.index_cast %add3A_219 : i32 to index
        %get3A_221 = tpu.vector_load %arg6[%get3A_220] {strides = array<i32>} : memref<16384xi32, #tpu.memory_space<vmem>>, vector<16xi32>,
        %convert_element_type3A_222 = arith.sitofp %get3A_221 : vector<16xi32> to vector<16xf32>
        %add3A_223 = arith.constant 4096 : i32
        %add3A_224 = arith.addi %add3A_223, %add3A_217 : i32
        %swap3A_225 = arith.index_cast %add3A_224 : i32 to index
        %swap3A_226 = tpu.vector_load %arg7[%swap3A_225] {strides = array<i32>} : memref<8192xf32, #tpu.memory_space<vmem>>, vector<16xf32>,
        tpu.vector_store %arg7[%swap3A_225], %convert_element_type3A_222 {strides = array<i32>} : memref<8192xf32, #tpu.memory_space<vmem>>, vector<16xf32>,
        %mul3A_227 = arith.constant 16 : i32
        %mul3A_228 = arith.muli %scan3A_63, %mul3A_227 : i32
        %mul3A_229 = arith.constant 16 : i32
        %mul3A_230 = arith.muli %mul3A_228, %mul3A_229 : i32
        %add3A_231 = arith.constant 176 : i32
        %add3A_232 = arith.addi %mul3A_230, %add3A_231 : i32
        %add3A_233 = arith.constant 4096 : i32
        %add3A_234 = arith.addi %add3A_233, %add3A_232 : i32
        %get3A_235 = arith.index_cast %add3A_234 : i32 to index
        %get3A_236 = tpu.vector_load %arg6[%get3A_235] {strides = array<i32>} : memref<16384xi32, #tpu.memory_space<vmem>>, vector<16xi32>,
        %convert_element_type3A_237 = arith.sitofp %get3A_236 : vector<16xi32> to vector<16xf32>
        %add3A_238 = arith.constant 4096 : i32
        %add3A_239 = arith.addi %add3A_238, %add3A_232 : i32
        %swap3A_240 = arith.index_cast %add3A_239 : i32 to index
        %swap3A_241 = tpu.vector_load %arg7[%swap3A_240] {strides = array<i32>} : memref<8192xf32, #tpu.memory_space<vmem>>, vector<16xf32>,
        tpu.vector_store %arg7[%swap3A_240], %convert_element_type3A_237 {strides = array<i32>} : memref<8192xf32, #tpu.memory_space<vmem>>, vector<16xf32>,
        %mul3A_242 = arith.constant 16 : i32
        %mul3A_243 = arith.muli %scan3A_63, %mul3A_242 : i32
        %mul3A_244 = arith.constant 16 : i32
        %mul3A_245 = arith.muli %mul3A_243, %mul3A_244 : i32
        %add3A_246 = arith.constant 192 : i32
        %add3A_247 = arith.addi %mul3A_245, %add3A_246 : i32
        %add3A_248 = arith.constant 4096 : i32
        %add3A_249 = arith.addi %add3A_248, %add3A_247 : i32
        %get3A_250 = arith.index_cast %add3A_249 : i32 to index
        %get3A_251 = tpu.vector_load %arg6[%get3A_250] {strides = array<i32>} : memref<16384xi32, #tpu.memory_space<vmem>>, vector<16xi32>,
        %convert_element_type3A_252 = arith.sitofp %get3A_251 : vector<16xi32> to vector<16xf32>
        %add3A_253 = arith.constant 4096 : i32
        %add3A_254 = arith.addi %add3A_253, %add3A_247 : i32
        %swap3A_255 = arith.index_cast %add3A_254 : i32 to index
        %swap3A_256 = tpu.vector_load %arg7[%swap3A_255] {strides = array<i32>} : memref<8192xf32, #tpu.memory_space<vmem>>, vector<16xf32>,
        tpu.vector_store %arg7[%swap3A_255], %convert_element_type3A_252 {strides = array<i32>} : memref<8192xf32, #tpu.memory_space<vmem>>, vector<16xf32>,
        %mul3A_257 = arith.constant 16 : i32
        %mul3A_258 = arith.muli %scan3A_63, %mul3A_257 : i32
        %mul3A_259 = arith.constant 16 : i32
        %mul3A_260 = arith.muli %mul3A_258, %mul3A_259 : i32
        %add3A_261 = arith.constant 208 : i32
        %add3A_262 = arith.addi %mul3A_260, %add3A_261 : i32
        %add3A_263 = arith.constant 4096 : i32
        %add3A_264 = arith.addi %add3A_263, %add3A_262 : i32
        %get3A_265 = arith.index_cast %add3A_264 : i32 to index
        %get3A_266 = tpu.vector_load %arg6[%get3A_265] {strides = array<i32>} : memref<16384xi32, #tpu.memory_space<vmem>>, vector<16xi32>,
        %convert_element_type3A_267 = arith.sitofp %get3A_266 : vector<16xi32> to vector<16xf32>
        %add3A_268 = arith.constant 4096 : i32
        %add3A_269 = arith.addi %add3A_268, %add3A_262 : i32
        %swap3A_270 = arith.index_cast %add3A_269 : i32 to index
        %swap3A_271 = tpu.vector_load %arg7[%swap3A_270] {strides = array<i32>} : memref<8192xf32, #tpu.memory_space<vmem>>, vector<16xf32>,
        tpu.vector_store %arg7[%swap3A_270], %convert_element_type3A_267 {strides = array<i32>} : memref<8192xf32, #tpu.memory_space<vmem>>, vector<16xf32>,
        %mul3A_272 = arith.constant 16 : i32
        %mul3A_273 = arith.muli %scan3A_63, %mul3A_272 : i32
        %mul3A_274 = arith.constant 16 : i32
        %mul3A_275 = arith.muli %mul3A_273, %mul3A_274 : i32
        %add3A_276 = arith.constant 224 : i32
        %add3A_277 = arith.addi %mul3A_275, %add3A_276 : i32
        %add3A_278 = arith.constant 4096 : i32
        %add3A_279 = arith.addi %add3A_278, %add3A_277 : i32
        %get3A_280 = arith.index_cast %add3A_279 : i32 to index
        %get3A_281 = tpu.vector_load %arg6[%get3A_280] {strides = array<i32>} : memref<16384xi32, #tpu.memory_space<vmem>>, vector<16xi32>,
        %convert_element_type3A_282 = arith.sitofp %get3A_281 : vector<16xi32> to vector<16xf32>
        %add3A_283 = arith.constant 4096 : i32
        %add3A_284 = arith.addi %add3A_283, %add3A_277 : i32
        %swap3A_285 = arith.index_cast %add3A_284 : i32 to index
        %swap3A_286 = tpu.vector_load %arg7[%swap3A_285] {strides = array<i32>} : memref<8192xf32, #tpu.memory_space<vmem>>, vector<16xf32>,
        tpu.vector_store %arg7[%swap3A_285], %convert_element_type3A_282 {strides = array<i32>} : memref<8192xf32, #tpu.memory_space<vmem>>, vector<16xf32>,
        %mul3A_287 = arith.constant 16 : i32
        %mul3A_288 = arith.muli %scan3A_63, %mul3A_287 : i32
        %mul3A_289 = arith.constant 16 : i32
        %mul3A_290 = arith.muli %mul3A_288, %mul3A_289 : i32
        %add3A_291 = arith.constant 240 : i32
        %add3A_292 = arith.addi %mul3A_290, %add3A_291 : i32
        %add3A_293 = arith.constant 4096 : i32
        %add3A_294 = arith.addi %add3A_293, %add3A_292 : i32
        %get3A_295 = arith.index_cast %add3A_294 : i32 to index
        %get3A_296 = tpu.vector_load %arg6[%get3A_295] {strides = array<i32>} : memref<16384xi32, #tpu.memory_space<vmem>>, vector<16xi32>,
        %convert_element_type3A_297 = arith.sitofp %get3A_296 : vector<16xi32> to vector<16xf32>
        %add3A_298 = arith.constant 4096 : i32
        %add3A_299 = arith.addi %add3A_298, %add3A_292 : i32
        %swap3A_300 = arith.index_cast %add3A_299 : i32 to index
        %swap3A_301 = tpu.vector_load %arg7[%swap3A_300] {strides = array<i32>} : memref<8192xf32, #tpu.memory_space<vmem>>, vector<16xf32>,
        tpu.vector_store %arg7[%swap3A_300], %convert_element_type3A_297 {strides = array<i32>} : memref<8192xf32, #tpu.memory_space<vmem>>, vector<16xf32>,
      }
      %scan3A_52 = arith.constant 16 : i32
      "tpu.region"() ({
        %run_scoped3A = tpu.sem_alloc : memref<!tpu.dma_semaphore, #tpu.memory_space<semaphore_mem>>
        %dma_start3A = arith.constant 4096 : i32
        %dma_start3A_63 = tpu.memref_slice %arg7[%dma_start3A] : memref<8192xf32, #tpu.memory_space<vmem>> -> memref<4096xf32, #tpu.memory_space<vmem>>
        %dma_start3A_64 = arith.constant 4096 : i32
        %dma_start3A_65 = tpu.memref_slice %arg4[%add3A, %dma_start3A_64] : memref<845x16384xf32, #tpu.memory_space<hbm>> -> memref<1x4096xf32, #tpu.memory_space<hbm>>
        %dma_start3A_66 = tpu.memref_squeeze %dma_start3A_65 : memref<1x4096xf32, #tpu.memory_space<hbm>> -> memref<4096xf32, #tpu.memory_space<hbm>>
        %dma_start3A_67 = arith.constant 4096 : i32
        %dma_start3A_68 = tpu.memref_slice %arg4[%add3A, %dma_start3A_67] : memref<845x16384xf32, #tpu.memory_space<hbm>> -> memref<1x4096xf32, #tpu.memory_space<hbm>>
        %dma_start3A_69 = tpu.memref_squeeze %dma_start3A_68 : memref<1x4096xf32, #tpu.memory_space<hbm>> -> memref<4096xf32, #tpu.memory_space<hbm>>
        %dma_start3A_70 = arith.constant 4096 : i32
        %dma_start3A_71 = tpu.memref_slice %arg7[%dma_start3A_70] : memref<8192xf32, #tpu.memory_space<vmem>> -> memref<4096xf32, #tpu.memory_space<vmem>>
        tpu.enqueue_dma source(%dma_start3A_71 : memref<4096xf32, #tpu.memory_space<vmem>>) target(%dma_start3A_69 : memref<4096xf32, #tpu.memory_space<hbm>>) target_semaphore(%run_scoped3A : memref<!tpu.dma_semaphore, #tpu.memory_space<semaphore_mem>>)
        %dma_wait3A_72 = arith.constant 4096 : i32
        %dma_wait3A_73 = tpu.memref_slice %arg7[%dma_wait3A_72] : memref<8192xf32, #tpu.memory_space<vmem>> -> memref<4096xf32, #tpu.memory_space<vmem>>
        %dma_wait3A_74 = arith.constant 4096 : i32
        %dma_wait3A_75 = tpu.memref_slice %arg4[%add3A, %dma_wait3A_74] : memref<845x16384xf32, #tpu.memory_space<hbm>> -> memref<1x4096xf32, #tpu.memory_space<hbm>>
        %dma_wait3A_76 = tpu.memref_squeeze %dma_wait3A_75 : memref<1x4096xf32, #tpu.memory_space<hbm>> -> memref<4096xf32, #tpu.memory_space<hbm>>
        %dma_wait3A_77 = arith.constant 4096 : i32
        %dma_wait3A_78 = tpu.memref_slice %arg4[%add3A, %dma_wait3A_77] : memref<845x16384xf32, #tpu.memory_space<hbm>> -> memref<1x4096xf32, #tpu.memory_space<hbm>>
        %dma_wait3A_79 = tpu.memref_squeeze %dma_wait3A_78 : memref<1x4096xf32, #tpu.memory_space<hbm>> -> memref<4096xf32, #tpu.memory_space<hbm>>
        %dma_wait3A_80 = arith.constant 4096 : i32
        %dma_wait3A_81 = tpu.memref_slice %arg7[%dma_wait3A_80] : memref<8192xf32, #tpu.memory_space<vmem>> -> memref<4096xf32, #tpu.memory_space<vmem>>
        tpu.wait_dma2 semaphore(%run_scoped3A : memref<!tpu.dma_semaphore, #tpu.memory_space<semaphore_mem>>) src(%dma_wait3A_81 : memref<4096xf32, #tpu.memory_space<vmem>>) dst(%dma_wait3A_79 : memref<4096xf32, #tpu.memory_space<hbm>>)
        tpu.yield
      }) : () -> ()
      %scan3A_53 = arith.constant 0 : i32
      %scan3A_54 = arith.constant 16 : i32
      %scan3A_55 = arith.addi %scan3A_53, %scan3A_54 : i32
      %scan3A_56 = arith.constant 1 : i32
      scf.for %scan3A_63 = %scan3A_53 to %scan3A_55 step %scan3A_56  : i32 {
        %mul3A_64 = arith.constant 16 : i32
        %mul3A_65 = arith.muli %scan3A_63, %mul3A_64 : i32
        %mul3A_66 = arith.constant 16 : i32
        %mul3A_67 = arith.muli %mul3A_65, %mul3A_66 : i32
        %add3A_68 = arith.constant 0 : i32
        %add3A_69 = arith.addi %mul3A_67, %add3A_68 : i32
        %add3A_70 = arith.constant 8192 : i32
        %add3A_71 = arith.addi %add3A_70, %add3A_69 : i32
        %get3A = arith.index_cast %add3A_71 : i32 to index
        %get3A_72 = tpu.vector_load %arg6[%get3A] {strides = array<i32>} : memref<16384xi32, #tpu.memory_space<vmem>>, vector<16xi32>,
        %convert_element_type3A_73 = arith.sitofp %get3A_72 : vector<16xi32> to vector<16xf32>
        %add3A_74 = arith.constant 0 : i32
        %add3A_75 = arith.addi %add3A_74, %add3A_69 : i32
        %swap3A = arith.index_cast %add3A_75 : i32 to index
        %swap3A_76 = tpu.vector_load %arg7[%swap3A] {strides = array<i32>} : memref<8192xf32, #tpu.memory_space<vmem>>, vector<16xf32>,
        tpu.vector_store %arg7[%swap3A], %convert_element_type3A_73 {strides = array<i32>} : memref<8192xf32, #tpu.memory_space<vmem>>, vector<16xf32>,
        %mul3A_77 = arith.constant 16 : i32
        %mul3A_78 = arith.muli %scan3A_63, %mul3A_77 : i32
        %mul3A_79 = arith.constant 16 : i32
        %mul3A_80 = arith.muli %mul3A_78, %mul3A_79 : i32
        %add3A_81 = arith.constant 16 : i32
        %add3A_82 = arith.addi %mul3A_80, %add3A_81 : i32
        %add3A_83 = arith.constant 8192 : i32
        %add3A_84 = arith.addi %add3A_83, %add3A_82 : i32
        %get3A_85 = arith.index_cast %add3A_84 : i32 to index
        %get3A_86 = tpu.vector_load %arg6[%get3A_85] {strides = array<i32>} : memref<16384xi32, #tpu.memory_space<vmem>>, vector<16xi32>,
        %convert_element_type3A_87 = arith.sitofp %get3A_86 : vector<16xi32> to vector<16xf32>
        %add3A_88 = arith.constant 0 : i32
        %add3A_89 = arith.addi %add3A_88, %add3A_82 : i32
        %swap3A_90 = arith.index_cast %add3A_89 : i32 to index
        %swap3A_91 = tpu.vector_load %arg7[%swap3A_90] {strides = array<i32>} : memref<8192xf32, #tpu.memory_space<vmem>>, vector<16xf32>,
        tpu.vector_store %arg7[%swap3A_90], %convert_element_type3A_87 {strides = array<i32>} : memref<8192xf32, #tpu.memory_space<vmem>>, vector<16xf32>,
        %mul3A_92 = arith.constant 16 : i32
        %mul3A_93 = arith.muli %scan3A_63, %mul3A_92 : i32
        %mul3A_94 = arith.constant 16 : i32
        %mul3A_95 = arith.muli %mul3A_93, %mul3A_94 : i32
        %add3A_96 = arith.constant 32 : i32
        %add3A_97 = arith.addi %mul3A_95, %add3A_96 : i32
        %add3A_98 = arith.constant 8192 : i32
        %add3A_99 = arith.addi %add3A_98, %add3A_97 : i32
        %get3A_100 = arith.index_cast %add3A_99 : i32 to index
        %get3A_101 = tpu.vector_load %arg6[%get3A_100] {strides = array<i32>} : memref<16384xi32, #tpu.memory_space<vmem>>, vector<16xi32>,
        %convert_element_type3A_102 = arith.sitofp %get3A_101 : vector<16xi32> to vector<16xf32>
        %add3A_103 = arith.constant 0 : i32
        %add3A_104 = arith.addi %add3A_103, %add3A_97 : i32
        %swap3A_105 = arith.index_cast %add3A_104 : i32 to index
        %swap3A_106 = tpu.vector_load %arg7[%swap3A_105] {strides = array<i32>} : memref<8192xf32, #tpu.memory_space<vmem>>, vector<16xf32>,
        tpu.vector_store %arg7[%swap3A_105], %convert_element_type3A_102 {strides = array<i32>} : memref<8192xf32, #tpu.memory_space<vmem>>, vector<16xf32>,
        %mul3A_107 = arith.constant 16 : i32
        %mul3A_108 = arith.muli %scan3A_63, %mul3A_107 : i32
        %mul3A_109 = arith.constant 16 : i32
        %mul3A_110 = arith.muli %mul3A_108, %mul3A_109 : i32
        %add3A_111 = arith.constant 48 : i32
        %add3A_112 = arith.addi %mul3A_110, %add3A_111 : i32
        %add3A_113 = arith.constant 8192 : i32
        %add3A_114 = arith.addi %add3A_113, %add3A_112 : i32
        %get3A_115 = arith.index_cast %add3A_114 : i32 to index
        %get3A_116 = tpu.vector_load %arg6[%get3A_115] {strides = array<i32>} : memref<16384xi32, #tpu.memory_space<vmem>>, vector<16xi32>,
        %convert_element_type3A_117 = arith.sitofp %get3A_116 : vector<16xi32> to vector<16xf32>
        %add3A_118 = arith.constant 0 : i32
        %add3A_119 = arith.addi %add3A_118, %add3A_112 : i32
        %swap3A_120 = arith.index_cast %add3A_119 : i32 to index
        %swap3A_121 = tpu.vector_load %arg7[%swap3A_120] {strides = array<i32>} : memref<8192xf32, #tpu.memory_space<vmem>>, vector<16xf32>,
        tpu.vector_store %arg7[%swap3A_120], %convert_element_type3A_117 {strides = array<i32>} : memref<8192xf32, #tpu.memory_space<vmem>>, vector<16xf32>,
        %mul3A_122 = arith.constant 16 : i32
        %mul3A_123 = arith.muli %scan3A_63, %mul3A_122 : i32
        %mul3A_124 = arith.constant 16 : i32
        %mul3A_125 = arith.muli %mul3A_123, %mul3A_124 : i32
        %add3A_126 = arith.constant 64 : i32
        %add3A_127 = arith.addi %mul3A_125, %add3A_126 : i32
        %add3A_128 = arith.constant 8192 : i32
        %add3A_129 = arith.addi %add3A_128, %add3A_127 : i32
        %get3A_130 = arith.index_cast %add3A_129 : i32 to index
        %get3A_131 = tpu.vector_load %arg6[%get3A_130] {strides = array<i32>} : memref<16384xi32, #tpu.memory_space<vmem>>, vector<16xi32>,
        %convert_element_type3A_132 = arith.sitofp %get3A_131 : vector<16xi32> to vector<16xf32>
        %add3A_133 = arith.constant 0 : i32
        %add3A_134 = arith.addi %add3A_133, %add3A_127 : i32
        %swap3A_135 = arith.index_cast %add3A_134 : i32 to index
        %swap3A_136 = tpu.vector_load %arg7[%swap3A_135] {strides = array<i32>} : memref<8192xf32, #tpu.memory_space<vmem>>, vector<16xf32>,
        tpu.vector_store %arg7[%swap3A_135], %convert_element_type3A_132 {strides = array<i32>} : memref<8192xf32, #tpu.memory_space<vmem>>, vector<16xf32>,
        %mul3A_137 = arith.constant 16 : i32
        %mul3A_138 = arith.muli %scan3A_63, %mul3A_137 : i32
        %mul3A_139 = arith.constant 16 : i32
        %mul3A_140 = arith.muli %mul3A_138, %mul3A_139 : i32
        %add3A_141 = arith.constant 80 : i32
        %add3A_142 = arith.addi %mul3A_140, %add3A_141 : i32
        %add3A_143 = arith.constant 8192 : i32
        %add3A_144 = arith.addi %add3A_143, %add3A_142 : i32
        %get3A_145 = arith.index_cast %add3A_144 : i32 to index
        %get3A_146 = tpu.vector_load %arg6[%get3A_145] {strides = array<i32>} : memref<16384xi32, #tpu.memory_space<vmem>>, vector<16xi32>,
        %convert_element_type3A_147 = arith.sitofp %get3A_146 : vector<16xi32> to vector<16xf32>
        %add3A_148 = arith.constant 0 : i32
        %add3A_149 = arith.addi %add3A_148, %add3A_142 : i32
        %swap3A_150 = arith.index_cast %add3A_149 : i32 to index
        %swap3A_151 = tpu.vector_load %arg7[%swap3A_150] {strides = array<i32>} : memref<8192xf32, #tpu.memory_space<vmem>>, vector<16xf32>,
        tpu.vector_store %arg7[%swap3A_150], %convert_element_type3A_147 {strides = array<i32>} : memref<8192xf32, #tpu.memory_space<vmem>>, vector<16xf32>,
        %mul3A_152 = arith.constant 16 : i32
        %mul3A_153 = arith.muli %scan3A_63, %mul3A_152 : i32
        %mul3A_154 = arith.constant 16 : i32
        %mul3A_155 = arith.muli %mul3A_153, %mul3A_154 : i32
        %add3A_156 = arith.constant 96 : i32
        %add3A_157 = arith.addi %mul3A_155, %add3A_156 : i32
        %add3A_158 = arith.constant 8192 : i32
        %add3A_159 = arith.addi %add3A_158, %add3A_157 : i32
        %get3A_160 = arith.index_cast %add3A_159 : i32 to index
        %get3A_161 = tpu.vector_load %arg6[%get3A_160] {strides = array<i32>} : memref<16384xi32, #tpu.memory_space<vmem>>, vector<16xi32>,
        %convert_element_type3A_162 = arith.sitofp %get3A_161 : vector<16xi32> to vector<16xf32>
        %add3A_163 = arith.constant 0 : i32
        %add3A_164 = arith.addi %add3A_163, %add3A_157 : i32
        %swap3A_165 = arith.index_cast %add3A_164 : i32 to index
        %swap3A_166 = tpu.vector_load %arg7[%swap3A_165] {strides = array<i32>} : memref<8192xf32, #tpu.memory_space<vmem>>, vector<16xf32>,
        tpu.vector_store %arg7[%swap3A_165], %convert_element_type3A_162 {strides = array<i32>} : memref<8192xf32, #tpu.memory_space<vmem>>, vector<16xf32>,
        %mul3A_167 = arith.constant 16 : i32
        %mul3A_168 = arith.muli %scan3A_63, %mul3A_167 : i32
        %mul3A_169 = arith.constant 16 : i32
        %mul3A_170 = arith.muli %mul3A_168, %mul3A_169 : i32
        %add3A_171 = arith.constant 112 : i32
        %add3A_172 = arith.addi %mul3A_170, %add3A_171 : i32
        %add3A_173 = arith.constant 8192 : i32
        %add3A_174 = arith.addi %add3A_173, %add3A_172 : i32
        %get3A_175 = arith.index_cast %add3A_174 : i32 to index
        %get3A_176 = tpu.vector_load %arg6[%get3A_175] {strides = array<i32>} : memref<16384xi32, #tpu.memory_space<vmem>>, vector<16xi32>,
        %convert_element_type3A_177 = arith.sitofp %get3A_176 : vector<16xi32> to vector<16xf32>
        %add3A_178 = arith.constant 0 : i32
        %add3A_179 = arith.addi %add3A_178, %add3A_172 : i32
        %swap3A_180 = arith.index_cast %add3A_179 : i32 to index
        %swap3A_181 = tpu.vector_load %arg7[%swap3A_180] {strides = array<i32>} : memref<8192xf32, #tpu.memory_space<vmem>>, vector<16xf32>,
        tpu.vector_store %arg7[%swap3A_180], %convert_element_type3A_177 {strides = array<i32>} : memref<8192xf32, #tpu.memory_space<vmem>>, vector<16xf32>,
        %mul3A_182 = arith.constant 16 : i32
        %mul3A_183 = arith.muli %scan3A_63, %mul3A_182 : i32
        %mul3A_184 = arith.constant 16 : i32
        %mul3A_185 = arith.muli %mul3A_183, %mul3A_184 : i32
        %add3A_186 = arith.constant 128 : i32
        %add3A_187 = arith.addi %mul3A_185, %add3A_186 : i32
        %add3A_188 = arith.constant 8192 : i32
        %add3A_189 = arith.addi %add3A_188, %add3A_187 : i32
        %get3A_190 = arith.index_cast %add3A_189 : i32 to index
        %get3A_191 = tpu.vector_load %arg6[%get3A_190] {strides = array<i32>} : memref<16384xi32, #tpu.memory_space<vmem>>, vector<16xi32>,
        %convert_element_type3A_192 = arith.sitofp %get3A_191 : vector<16xi32> to vector<16xf32>
        %add3A_193 = arith.constant 0 : i32
        %add3A_194 = arith.addi %add3A_193, %add3A_187 : i32
        %swap3A_195 = arith.index_cast %add3A_194 : i32 to index
        %swap3A_196 = tpu.vector_load %arg7[%swap3A_195] {strides = array<i32>} : memref<8192xf32, #tpu.memory_space<vmem>>, vector<16xf32>,
        tpu.vector_store %arg7[%swap3A_195], %convert_element_type3A_192 {strides = array<i32>} : memref<8192xf32, #tpu.memory_space<vmem>>, vector<16xf32>,
        %mul3A_197 = arith.constant 16 : i32
        %mul3A_198 = arith.muli %scan3A_63, %mul3A_197 : i32
        %mul3A_199 = arith.constant 16 : i32
        %mul3A_200 = arith.muli %mul3A_198, %mul3A_199 : i32
        %add3A_201 = arith.constant 144 : i32
        %add3A_202 = arith.addi %mul3A_200, %add3A_201 : i32
        %add3A_203 = arith.constant 8192 : i32
        %add3A_204 = arith.addi %add3A_203, %add3A_202 : i32
        %get3A_205 = arith.index_cast %add3A_204 : i32 to index
        %get3A_206 = tpu.vector_load %arg6[%get3A_205] {strides = array<i32>} : memref<16384xi32, #tpu.memory_space<vmem>>, vector<16xi32>,
        %convert_element_type3A_207 = arith.sitofp %get3A_206 : vector<16xi32> to vector<16xf32>
        %add3A_208 = arith.constant 0 : i32
        %add3A_209 = arith.addi %add3A_208, %add3A_202 : i32
        %swap3A_210 = arith.index_cast %add3A_209 : i32 to index
        %swap3A_211 = tpu.vector_load %arg7[%swap3A_210] {strides = array<i32>} : memref<8192xf32, #tpu.memory_space<vmem>>, vector<16xf32>,
        tpu.vector_store %arg7[%swap3A_210], %convert_element_type3A_207 {strides = array<i32>} : memref<8192xf32, #tpu.memory_space<vmem>>, vector<16xf32>,
        %mul3A_212 = arith.constant 16 : i32
        %mul3A_213 = arith.muli %scan3A_63, %mul3A_212 : i32
        %mul3A_214 = arith.constant 16 : i32
        %mul3A_215 = arith.muli %mul3A_213, %mul3A_214 : i32
        %add3A_216 = arith.constant 160 : i32
        %add3A_217 = arith.addi %mul3A_215, %add3A_216 : i32
        %add3A_218 = arith.constant 8192 : i32
        %add3A_219 = arith.addi %add3A_218, %add3A_217 : i32
        %get3A_220 = arith.index_cast %add3A_219 : i32 to index
        %get3A_221 = tpu.vector_load %arg6[%get3A_220] {strides = array<i32>} : memref<16384xi32, #tpu.memory_space<vmem>>, vector<16xi32>,
        %convert_element_type3A_222 = arith.sitofp %get3A_221 : vector<16xi32> to vector<16xf32>
        %add3A_223 = arith.constant 0 : i32
        %add3A_224 = arith.addi %add3A_223, %add3A_217 : i32
        %swap3A_225 = arith.index_cast %add3A_224 : i32 to index
        %swap3A_226 = tpu.vector_load %arg7[%swap3A_225] {strides = array<i32>} : memref<8192xf32, #tpu.memory_space<vmem>>, vector<16xf32>,
        tpu.vector_store %arg7[%swap3A_225], %convert_element_type3A_222 {strides = array<i32>} : memref<8192xf32, #tpu.memory_space<vmem>>, vector<16xf32>,
        %mul3A_227 = arith.constant 16 : i32
        %mul3A_228 = arith.muli %scan3A_63, %mul3A_227 : i32
        %mul3A_229 = arith.constant 16 : i32
        %mul3A_230 = arith.muli %mul3A_228, %mul3A_229 : i32
        %add3A_231 = arith.constant 176 : i32
        %add3A_232 = arith.addi %mul3A_230, %add3A_231 : i32
        %add3A_233 = arith.constant 8192 : i32
        %add3A_234 = arith.addi %add3A_233, %add3A_232 : i32
        %get3A_235 = arith.index_cast %add3A_234 : i32 to index
        %get3A_236 = tpu.vector_load %arg6[%get3A_235] {strides = array<i32>} : memref<16384xi32, #tpu.memory_space<vmem>>, vector<16xi32>,
        %convert_element_type3A_237 = arith.sitofp %get3A_236 : vector<16xi32> to vector<16xf32>
        %add3A_238 = arith.constant 0 : i32
        %add3A_239 = arith.addi %add3A_238, %add3A_232 : i32
        %swap3A_240 = arith.index_cast %add3A_239 : i32 to index
        %swap3A_241 = tpu.vector_load %arg7[%swap3A_240] {strides = array<i32>} : memref<8192xf32, #tpu.memory_space<vmem>>, vector<16xf32>,
        tpu.vector_store %arg7[%swap3A_240], %convert_element_type3A_237 {strides = array<i32>} : memref<8192xf32, #tpu.memory_space<vmem>>, vector<16xf32>,
        %mul3A_242 = arith.constant 16 : i32
        %mul3A_243 = arith.muli %scan3A_63, %mul3A_242 : i32
        %mul3A_244 = arith.constant 16 : i32
        %mul3A_245 = arith.muli %mul3A_243, %mul3A_244 : i32
        %add3A_246 = arith.constant 192 : i32
        %add3A_247 = arith.addi %mul3A_245, %add3A_246 : i32
        %add3A_248 = arith.constant 8192 : i32
        %add3A_249 = arith.addi %add3A_248, %add3A_247 : i32
        %get3A_250 = arith.index_cast %add3A_249 : i32 to index
        %get3A_251 = tpu.vector_load %arg6[%get3A_250] {strides = array<i32>} : memref<16384xi32, #tpu.memory_space<vmem>>, vector<16xi32>,
        %convert_element_type3A_252 = arith.sitofp %get3A_251 : vector<16xi32> to vector<16xf32>
        %add3A_253 = arith.constant 0 : i32
        %add3A_254 = arith.addi %add3A_253, %add3A_247 : i32
        %swap3A_255 = arith.index_cast %add3A_254 : i32 to index
        %swap3A_256 = tpu.vector_load %arg7[%swap3A_255] {strides = array<i32>} : memref<8192xf32, #tpu.memory_space<vmem>>, vector<16xf32>,
        tpu.vector_store %arg7[%swap3A_255], %convert_element_type3A_252 {strides = array<i32>} : memref<8192xf32, #tpu.memory_space<vmem>>, vector<16xf32>,
        %mul3A_257 = arith.constant 16 : i32
        %mul3A_258 = arith.muli %scan3A_63, %mul3A_257 : i32
        %mul3A_259 = arith.constant 16 : i32
        %mul3A_260 = arith.muli %mul3A_258, %mul3A_259 : i32
        %add3A_261 = arith.constant 208 : i32
        %add3A_262 = arith.addi %mul3A_260, %add3A_261 : i32
        %add3A_263 = arith.constant 8192 : i32
        %add3A_264 = arith.addi %add3A_263, %add3A_262 : i32
        %get3A_265 = arith.index_cast %add3A_264 : i32 to index
        %get3A_266 = tpu.vector_load %arg6[%get3A_265] {strides = array<i32>} : memref<16384xi32, #tpu.memory_space<vmem>>, vector<16xi32>,
        %convert_element_type3A_267 = arith.sitofp %get3A_266 : vector<16xi32> to vector<16xf32>
        %add3A_268 = arith.constant 0 : i32
        %add3A_269 = arith.addi %add3A_268, %add3A_262 : i32
        %swap3A_270 = arith.index_cast %add3A_269 : i32 to index
        %swap3A_271 = tpu.vector_load %arg7[%swap3A_270] {strides = array<i32>} : memref<8192xf32, #tpu.memory_space<vmem>>, vector<16xf32>,
        tpu.vector_store %arg7[%swap3A_270], %convert_element_type3A_267 {strides = array<i32>} : memref<8192xf32, #tpu.memory_space<vmem>>, vector<16xf32>,
        %mul3A_272 = arith.constant 16 : i32
        %mul3A_273 = arith.muli %scan3A_63, %mul3A_272 : i32
        %mul3A_274 = arith.constant 16 : i32
        %mul3A_275 = arith.muli %mul3A_273, %mul3A_274 : i32
        %add3A_276 = arith.constant 224 : i32
        %add3A_277 = arith.addi %mul3A_275, %add3A_276 : i32
        %add3A_278 = arith.constant 8192 : i32
        %add3A_279 = arith.addi %add3A_278, %add3A_277 : i32
        %get3A_280 = arith.index_cast %add3A_279 : i32 to index
        %get3A_281 = tpu.vector_load %arg6[%get3A_280] {strides = array<i32>} : memref<16384xi32, #tpu.memory_space<vmem>>, vector<16xi32>,
        %convert_element_type3A_282 = arith.sitofp %get3A_281 : vector<16xi32> to vector<16xf32>
        %add3A_283 = arith.constant 0 : i32
        %add3A_284 = arith.addi %add3A_283, %add3A_277 : i32
        %swap3A_285 = arith.index_cast %add3A_284 : i32 to index
        %swap3A_286 = tpu.vector_load %arg7[%swap3A_285] {strides = array<i32>} : memref<8192xf32, #tpu.memory_space<vmem>>, vector<16xf32>,
        tpu.vector_store %arg7[%swap3A_285], %convert_element_type3A_282 {strides = array<i32>} : memref<8192xf32, #tpu.memory_space<vmem>>, vector<16xf32>,
        %mul3A_287 = arith.constant 16 : i32
        %mul3A_288 = arith.muli %scan3A_63, %mul3A_287 : i32
        %mul3A_289 = arith.constant 16 : i32
        %mul3A_290 = arith.muli %mul3A_288, %mul3A_289 : i32
        %add3A_291 = arith.constant 240 : i32
        %add3A_292 = arith.addi %mul3A_290, %add3A_291 : i32
        %add3A_293 = arith.constant 8192 : i32
        %add3A_294 = arith.addi %add3A_293, %add3A_292 : i32
        %get3A_295 = arith.index_cast %add3A_294 : i32 to index
        %get3A_296 = tpu.vector_load %arg6[%get3A_295] {strides = array<i32>} : memref<16384xi32, #tpu.memory_space<vmem>>, vector<16xi32>,
        %convert_element_type3A_297 = arith.sitofp %get3A_296 : vector<16xi32> to vector<16xf32>
        %add3A_298 = arith.constant 0 : i32
        %add3A_299 = arith.addi %add3A_298, %add3A_292 : i32
        %swap3A_300 = arith.index_cast %add3A_299 : i32 to index
        %swap3A_301 = tpu.vector_load %arg7[%swap3A_300] {strides = array<i32>} : memref<8192xf32, #tpu.memory_space<vmem>>, vector<16xf32>,
        tpu.vector_store %arg7[%swap3A_300], %convert_element_type3A_297 {strides = array<i32>} : memref<8192xf32, #tpu.memory_space<vmem>>, vector<16xf32>,
      }
      %scan3A_57 = arith.constant 16 : i32
      "tpu.region"() ({
        %run_scoped3A = tpu.sem_alloc : memref<!tpu.dma_semaphore, #tpu.memory_space<semaphore_mem>>
        %dma_start3A = arith.constant 0 : i32
        %dma_start3A_63 = tpu.memref_slice %arg7[%dma_start3A] : memref<8192xf32, #tpu.memory_space<vmem>> -> memref<4096xf32, #tpu.memory_space<vmem>>
        %dma_start3A_64 = arith.constant 8192 : i32
        %dma_start3A_65 = tpu.memref_slice %arg4[%add3A, %dma_start3A_64] : memref<845x16384xf32, #tpu.memory_space<hbm>> -> memref<1x4096xf32, #tpu.memory_space<hbm>>
        %dma_start3A_66 = tpu.memref_squeeze %dma_start3A_65 : memref<1x4096xf32, #tpu.memory_space<hbm>> -> memref<4096xf32, #tpu.memory_space<hbm>>
        %dma_start3A_67 = arith.constant 8192 : i32
        %dma_start3A_68 = tpu.memref_slice %arg4[%add3A, %dma_start3A_67] : memref<845x16384xf32, #tpu.memory_space<hbm>> -> memref<1x4096xf32, #tpu.memory_space<hbm>>
        %dma_start3A_69 = tpu.memref_squeeze %dma_start3A_68 : memref<1x4096xf32, #tpu.memory_space<hbm>> -> memref<4096xf32, #tpu.memory_space<hbm>>
        %dma_start3A_70 = arith.constant 0 : i32
        %dma_start3A_71 = tpu.memref_slice %arg7[%dma_start3A_70] : memref<8192xf32, #tpu.memory_space<vmem>> -> memref<4096xf32, #tpu.memory_space<vmem>>
        tpu.enqueue_dma source(%dma_start3A_71 : memref<4096xf32, #tpu.memory_space<vmem>>) target(%dma_start3A_69 : memref<4096xf32, #tpu.memory_space<hbm>>) target_semaphore(%run_scoped3A : memref<!tpu.dma_semaphore, #tpu.memory_space<semaphore_mem>>)
        %dma_wait3A_72 = arith.constant 0 : i32
        %dma_wait3A_73 = tpu.memref_slice %arg7[%dma_wait3A_72] : memref<8192xf32, #tpu.memory_space<vmem>> -> memref<4096xf32, #tpu.memory_space<vmem>>
        %dma_wait3A_74 = arith.constant 8192 : i32
        %dma_wait3A_75 = tpu.memref_slice %arg4[%add3A, %dma_wait3A_74] : memref<845x16384xf32, #tpu.memory_space<hbm>> -> memref<1x4096xf32, #tpu.memory_space<hbm>>
        %dma_wait3A_76 = tpu.memref_squeeze %dma_wait3A_75 : memref<1x4096xf32, #tpu.memory_space<hbm>> -> memref<4096xf32, #tpu.memory_space<hbm>>
        %dma_wait3A_77 = arith.constant 8192 : i32
        %dma_wait3A_78 = tpu.memref_slice %arg4[%add3A, %dma_wait3A_77] : memref<845x16384xf32, #tpu.memory_space<hbm>> -> memref<1x4096xf32, #tpu.memory_space<hbm>>
        %dma_wait3A_79 = tpu.memref_squeeze %dma_wait3A_78 : memref<1x4096xf32, #tpu.memory_space<hbm>> -> memref<4096xf32, #tpu.memory_space<hbm>>
        %dma_wait3A_80 = arith.constant 0 : i32
        %dma_wait3A_81 = tpu.memref_slice %arg7[%dma_wait3A_80] : memref<8192xf32, #tpu.memory_space<vmem>> -> memref<4096xf32, #tpu.memory_space<vmem>>
        tpu.wait_dma2 semaphore(%run_scoped3A : memref<!tpu.dma_semaphore, #tpu.memory_space<semaphore_mem>>) src(%dma_wait3A_81 : memref<4096xf32, #tpu.memory_space<vmem>>) dst(%dma_wait3A_79 : memref<4096xf32, #tpu.memory_space<hbm>>)
        tpu.yield
      }) : () -> ()
      %scan3A_58 = arith.constant 0 : i32
      %scan3A_59 = arith.constant 16 : i32
      %scan3A_60 = arith.addi %scan3A_58, %scan3A_59 : i32
      %scan3A_61 = arith.constant 1 : i32
      scf.for %scan3A_63 = %scan3A_58 to %scan3A_60 step %scan3A_61  : i32 {
        %mul3A_64 = arith.constant 16 : i32
        %mul3A_65 = arith.muli %scan3A_63, %mul3A_64 : i32
        %mul3A_66 = arith.constant 16 : i32
        %mul3A_67 = arith.muli %mul3A_65, %mul3A_66 : i32
        %add3A_68 = arith.constant 0 : i32
        %add3A_69 = arith.addi %mul3A_67, %add3A_68 : i32
        %add3A_70 = arith.constant 12288 : i32
        %add3A_71 = arith.addi %add3A_70, %add3A_69 : i32
        %get3A = arith.index_cast %add3A_71 : i32 to index
        %get3A_72 = tpu.vector_load %arg6[%get3A] {strides = array<i32>} : memref<16384xi32, #tpu.memory_space<vmem>>, vector<16xi32>,
        %convert_element_type3A_73 = arith.sitofp %get3A_72 : vector<16xi32> to vector<16xf32>
        %add3A_74 = arith.constant 4096 : i32
        %add3A_75 = arith.addi %add3A_74, %add3A_69 : i32
        %swap3A = arith.index_cast %add3A_75 : i32 to index
        %swap3A_76 = tpu.vector_load %arg7[%swap3A] {strides = array<i32>} : memref<8192xf32, #tpu.memory_space<vmem>>, vector<16xf32>,
        tpu.vector_store %arg7[%swap3A], %convert_element_type3A_73 {strides = array<i32>} : memref<8192xf32, #tpu.memory_space<vmem>>, vector<16xf32>,
        %mul3A_77 = arith.constant 16 : i32
        %mul3A_78 = arith.muli %scan3A_63, %mul3A_77 : i32
        %mul3A_79 = arith.constant 16 : i32
        %mul3A_80 = arith.muli %mul3A_78, %mul3A_79 : i32
        %add3A_81 = arith.constant 16 : i32
        %add3A_82 = arith.addi %mul3A_80, %add3A_81 : i32
        %add3A_83 = arith.constant 12288 : i32
        %add3A_84 = arith.addi %add3A_83, %add3A_82 : i32
        %get3A_85 = arith.index_cast %add3A_84 : i32 to index
        %get3A_86 = tpu.vector_load %arg6[%get3A_85] {strides = array<i32>} : memref<16384xi32, #tpu.memory_space<vmem>>, vector<16xi32>,
        %convert_element_type3A_87 = arith.sitofp %get3A_86 : vector<16xi32> to vector<16xf32>
        %add3A_88 = arith.constant 4096 : i32
        %add3A_89 = arith.addi %add3A_88, %add3A_82 : i32
        %swap3A_90 = arith.index_cast %add3A_89 : i32 to index
        %swap3A_91 = tpu.vector_load %arg7[%swap3A_90] {strides = array<i32>} : memref<8192xf32, #tpu.memory_space<vmem>>, vector<16xf32>,
        tpu.vector_store %arg7[%swap3A_90], %convert_element_type3A_87 {strides = array<i32>} : memref<8192xf32, #tpu.memory_space<vmem>>, vector<16xf32>,
        %mul3A_92 = arith.constant 16 : i32
        %mul3A_93 = arith.muli %scan3A_63, %mul3A_92 : i32
        %mul3A_94 = arith.constant 16 : i32
        %mul3A_95 = arith.muli %mul3A_93, %mul3A_94 : i32
        %add3A_96 = arith.constant 32 : i32
        %add3A_97 = arith.addi %mul3A_95, %add3A_96 : i32
        %add3A_98 = arith.constant 12288 : i32
        %add3A_99 = arith.addi %add3A_98, %add3A_97 : i32
        %get3A_100 = arith.index_cast %add3A_99 : i32 to index
        %get3A_101 = tpu.vector_load %arg6[%get3A_100] {strides = array<i32>} : memref<16384xi32, #tpu.memory_space<vmem>>, vector<16xi32>,
        %convert_element_type3A_102 = arith.sitofp %get3A_101 : vector<16xi32> to vector<16xf32>
        %add3A_103 = arith.constant 4096 : i32
        %add3A_104 = arith.addi %add3A_103, %add3A_97 : i32
        %swap3A_105 = arith.index_cast %add3A_104 : i32 to index
        %swap3A_106 = tpu.vector_load %arg7[%swap3A_105] {strides = array<i32>} : memref<8192xf32, #tpu.memory_space<vmem>>, vector<16xf32>,
        tpu.vector_store %arg7[%swap3A_105], %convert_element_type3A_102 {strides = array<i32>} : memref<8192xf32, #tpu.memory_space<vmem>>, vector<16xf32>,
        %mul3A_107 = arith.constant 16 : i32
        %mul3A_108 = arith.muli %scan3A_63, %mul3A_107 : i32
        %mul3A_109 = arith.constant 16 : i32
        %mul3A_110 = arith.muli %mul3A_108, %mul3A_109 : i32
        %add3A_111 = arith.constant 48 : i32
        %add3A_112 = arith.addi %mul3A_110, %add3A_111 : i32
        %add3A_113 = arith.constant 12288 : i32
        %add3A_114 = arith.addi %add3A_113, %add3A_112 : i32
        %get3A_115 = arith.index_cast %add3A_114 : i32 to index
        %get3A_116 = tpu.vector_load %arg6[%get3A_115] {strides = array<i32>} : memref<16384xi32, #tpu.memory_space<vmem>>, vector<16xi32>,
        %convert_element_type3A_117 = arith.sitofp %get3A_116 : vector<16xi32> to vector<16xf32>
        %add3A_118 = arith.constant 4096 : i32
        %add3A_119 = arith.addi %add3A_118, %add3A_112 : i32
        %swap3A_120 = arith.index_cast %add3A_119 : i32 to index
        %swap3A_121 = tpu.vector_load %arg7[%swap3A_120] {strides = array<i32>} : memref<8192xf32, #tpu.memory_space<vmem>>, vector<16xf32>,
        tpu.vector_store %arg7[%swap3A_120], %convert_element_type3A_117 {strides = array<i32>} : memref<8192xf32, #tpu.memory_space<vmem>>, vector<16xf32>,
        %mul3A_122 = arith.constant 16 : i32
        %mul3A_123 = arith.muli %scan3A_63, %mul3A_122 : i32
        %mul3A_124 = arith.constant 16 : i32
        %mul3A_125 = arith.muli %mul3A_123, %mul3A_124 : i32
        %add3A_126 = arith.constant 64 : i32
        %add3A_127 = arith.addi %mul3A_125, %add3A_126 : i32
        %add3A_128 = arith.constant 12288 : i32
        %add3A_129 = arith.addi %add3A_128, %add3A_127 : i32
        %get3A_130 = arith.index_cast %add3A_129 : i32 to index
        %get3A_131 = tpu.vector_load %arg6[%get3A_130] {strides = array<i32>} : memref<16384xi32, #tpu.memory_space<vmem>>, vector<16xi32>,
        %convert_element_type3A_132 = arith.sitofp %get3A_131 : vector<16xi32> to vector<16xf32>
        %add3A_133 = arith.constant 4096 : i32
        %add3A_134 = arith.addi %add3A_133, %add3A_127 : i32
        %swap3A_135 = arith.index_cast %add3A_134 : i32 to index
        %swap3A_136 = tpu.vector_load %arg7[%swap3A_135] {strides = array<i32>} : memref<8192xf32, #tpu.memory_space<vmem>>, vector<16xf32>,
        tpu.vector_store %arg7[%swap3A_135], %convert_element_type3A_132 {strides = array<i32>} : memref<8192xf32, #tpu.memory_space<vmem>>, vector<16xf32>,
        %mul3A_137 = arith.constant 16 : i32
        %mul3A_138 = arith.muli %scan3A_63, %mul3A_137 : i32
        %mul3A_139 = arith.constant 16 : i32
        %mul3A_140 = arith.muli %mul3A_138, %mul3A_139 : i32
        %add3A_141 = arith.constant 80 : i32
        %add3A_142 = arith.addi %mul3A_140, %add3A_141 : i32
        %add3A_143 = arith.constant 12288 : i32
        %add3A_144 = arith.addi %add3A_143, %add3A_142 : i32
        %get3A_145 = arith.index_cast %add3A_144 : i32 to index
        %get3A_146 = tpu.vector_load %arg6[%get3A_145] {strides = array<i32>} : memref<16384xi32, #tpu.memory_space<vmem>>, vector<16xi32>,
        %convert_element_type3A_147 = arith.sitofp %get3A_146 : vector<16xi32> to vector<16xf32>
        %add3A_148 = arith.constant 4096 : i32
        %add3A_149 = arith.addi %add3A_148, %add3A_142 : i32
        %swap3A_150 = arith.index_cast %add3A_149 : i32 to index
        %swap3A_151 = tpu.vector_load %arg7[%swap3A_150] {strides = array<i32>} : memref<8192xf32, #tpu.memory_space<vmem>>, vector<16xf32>,
        tpu.vector_store %arg7[%swap3A_150], %convert_element_type3A_147 {strides = array<i32>} : memref<8192xf32, #tpu.memory_space<vmem>>, vector<16xf32>,
        %mul3A_152 = arith.constant 16 : i32
        %mul3A_153 = arith.muli %scan3A_63, %mul3A_152 : i32
        %mul3A_154 = arith.constant 16 : i32
        %mul3A_155 = arith.muli %mul3A_153, %mul3A_154 : i32
        %add3A_156 = arith.constant 96 : i32
        %add3A_157 = arith.addi %mul3A_155, %add3A_156 : i32
        %add3A_158 = arith.constant 12288 : i32
        %add3A_159 = arith.addi %add3A_158, %add3A_157 : i32
        %get3A_160 = arith.index_cast %add3A_159 : i32 to index
        %get3A_161 = tpu.vector_load %arg6[%get3A_160] {strides = array<i32>} : memref<16384xi32, #tpu.memory_space<vmem>>, vector<16xi32>,
        %convert_element_type3A_162 = arith.sitofp %get3A_161 : vector<16xi32> to vector<16xf32>
        %add3A_163 = arith.constant 4096 : i32
        %add3A_164 = arith.addi %add3A_163, %add3A_157 : i32
        %swap3A_165 = arith.index_cast %add3A_164 : i32 to index
        %swap3A_166 = tpu.vector_load %arg7[%swap3A_165] {strides = array<i32>} : memref<8192xf32, #tpu.memory_space<vmem>>, vector<16xf32>,
        tpu.vector_store %arg7[%swap3A_165], %convert_element_type3A_162 {strides = array<i32>} : memref<8192xf32, #tpu.memory_space<vmem>>, vector<16xf32>,
        %mul3A_167 = arith.constant 16 : i32
        %mul3A_168 = arith.muli %scan3A_63, %mul3A_167 : i32
        %mul3A_169 = arith.constant 16 : i32
        %mul3A_170 = arith.muli %mul3A_168, %mul3A_169 : i32
        %add3A_171 = arith.constant 112 : i32
        %add3A_172 = arith.addi %mul3A_170, %add3A_171 : i32
        %add3A_173 = arith.constant 12288 : i32
        %add3A_174 = arith.addi %add3A_173, %add3A_172 : i32
        %get3A_175 = arith.index_cast %add3A_174 : i32 to index
        %get3A_176 = tpu.vector_load %arg6[%get3A_175] {strides = array<i32>} : memref<16384xi32, #tpu.memory_space<vmem>>, vector<16xi32>,
        %convert_element_type3A_177 = arith.sitofp %get3A_176 : vector<16xi32> to vector<16xf32>
        %add3A_178 = arith.constant 4096 : i32
        %add3A_179 = arith.addi %add3A_178, %add3A_172 : i32
        %swap3A_180 = arith.index_cast %add3A_179 : i32 to index
        %swap3A_181 = tpu.vector_load %arg7[%swap3A_180] {strides = array<i32>} : memref<8192xf32, #tpu.memory_space<vmem>>, vector<16xf32>,
        tpu.vector_store %arg7[%swap3A_180], %convert_element_type3A_177 {strides = array<i32>} : memref<8192xf32, #tpu.memory_space<vmem>>, vector<16xf32>,
        %mul3A_182 = arith.constant 16 : i32
        %mul3A_183 = arith.muli %scan3A_63, %mul3A_182 : i32
        %mul3A_184 = arith.constant 16 : i32
        %mul3A_185 = arith.muli %mul3A_183, %mul3A_184 : i32
        %add3A_186 = arith.constant 128 : i32
        %add3A_187 = arith.addi %mul3A_185, %add3A_186 : i32
        %add3A_188 = arith.constant 12288 : i32
        %add3A_189 = arith.addi %add3A_188, %add3A_187 : i32
        %get3A_190 = arith.index_cast %add3A_189 : i32 to index
        %get3A_191 = tpu.vector_load %arg6[%get3A_190] {strides = array<i32>} : memref<16384xi32, #tpu.memory_space<vmem>>, vector<16xi32>,
        %convert_element_type3A_192 = arith.sitofp %get3A_191 : vector<16xi32> to vector<16xf32>
        %add3A_193 = arith.constant 4096 : i32
        %add3A_194 = arith.addi %add3A_193, %add3A_187 : i32
        %swap3A_195 = arith.index_cast %add3A_194 : i32 to index
        %swap3A_196 = tpu.vector_load %arg7[%swap3A_195] {strides = array<i32>} : memref<8192xf32, #tpu.memory_space<vmem>>, vector<16xf32>,
        tpu.vector_store %arg7[%swap3A_195], %convert_element_type3A_192 {strides = array<i32>} : memref<8192xf32, #tpu.memory_space<vmem>>, vector<16xf32>,
        %mul3A_197 = arith.constant 16 : i32
        %mul3A_198 = arith.muli %scan3A_63, %mul3A_197 : i32
        %mul3A_199 = arith.constant 16 : i32
        %mul3A_200 = arith.muli %mul3A_198, %mul3A_199 : i32
        %add3A_201 = arith.constant 144 : i32
        %add3A_202 = arith.addi %mul3A_200, %add3A_201 : i32
        %add3A_203 = arith.constant 12288 : i32
        %add3A_204 = arith.addi %add3A_203, %add3A_202 : i32
        %get3A_205 = arith.index_cast %add3A_204 : i32 to index
        %get3A_206 = tpu.vector_load %arg6[%get3A_205] {strides = array<i32>} : memref<16384xi32, #tpu.memory_space<vmem>>, vector<16xi32>,
        %convert_element_type3A_207 = arith.sitofp %get3A_206 : vector<16xi32> to vector<16xf32>
        %add3A_208 = arith.constant 4096 : i32
        %add3A_209 = arith.addi %add3A_208, %add3A_202 : i32
        %swap3A_210 = arith.index_cast %add3A_209 : i32 to index
        %swap3A_211 = tpu.vector_load %arg7[%swap3A_210] {strides = array<i32>} : memref<8192xf32, #tpu.memory_space<vmem>>, vector<16xf32>,
        tpu.vector_store %arg7[%swap3A_210], %convert_element_type3A_207 {strides = array<i32>} : memref<8192xf32, #tpu.memory_space<vmem>>, vector<16xf32>,
        %mul3A_212 = arith.constant 16 : i32
        %mul3A_213 = arith.muli %scan3A_63, %mul3A_212 : i32
        %mul3A_214 = arith.constant 16 : i32
        %mul3A_215 = arith.muli %mul3A_213, %mul3A_214 : i32
        %add3A_216 = arith.constant 160 : i32
        %add3A_217 = arith.addi %mul3A_215, %add3A_216 : i32
        %add3A_218 = arith.constant 12288 : i32
        %add3A_219 = arith.addi %add3A_218, %add3A_217 : i32
        %get3A_220 = arith.index_cast %add3A_219 : i32 to index
        %get3A_221 = tpu.vector_load %arg6[%get3A_220] {strides = array<i32>} : memref<16384xi32, #tpu.memory_space<vmem>>, vector<16xi32>,
        %convert_element_type3A_222 = arith.sitofp %get3A_221 : vector<16xi32> to vector<16xf32>
        %add3A_223 = arith.constant 4096 : i32
        %add3A_224 = arith.addi %add3A_223, %add3A_217 : i32
        %swap3A_225 = arith.index_cast %add3A_224 : i32 to index
        %swap3A_226 = tpu.vector_load %arg7[%swap3A_225] {strides = array<i32>} : memref<8192xf32, #tpu.memory_space<vmem>>, vector<16xf32>,
        tpu.vector_store %arg7[%swap3A_225], %convert_element_type3A_222 {strides = array<i32>} : memref<8192xf32, #tpu.memory_space<vmem>>, vector<16xf32>,
        %mul3A_227 = arith.constant 16 : i32
        %mul3A_228 = arith.muli %scan3A_63, %mul3A_227 : i32
        %mul3A_229 = arith.constant 16 : i32
        %mul3A_230 = arith.muli %mul3A_228, %mul3A_229 : i32
        %add3A_231 = arith.constant 176 : i32
        %add3A_232 = arith.addi %mul3A_230, %add3A_231 : i32
        %add3A_233 = arith.constant 12288 : i32
        %add3A_234 = arith.addi %add3A_233, %add3A_232 : i32
        %get3A_235 = arith.index_cast %add3A_234 : i32 to index
        %get3A_236 = tpu.vector_load %arg6[%get3A_235] {strides = array<i32>} : memref<16384xi32, #tpu.memory_space<vmem>>, vector<16xi32>,
        %convert_element_type3A_237 = arith.sitofp %get3A_236 : vector<16xi32> to vector<16xf32>
        %add3A_238 = arith.constant 4096 : i32
        %add3A_239 = arith.addi %add3A_238, %add3A_232 : i32
        %swap3A_240 = arith.index_cast %add3A_239 : i32 to index
        %swap3A_241 = tpu.vector_load %arg7[%swap3A_240] {strides = array<i32>} : memref<8192xf32, #tpu.memory_space<vmem>>, vector<16xf32>,
        tpu.vector_store %arg7[%swap3A_240], %convert_element_type3A_237 {strides = array<i32>} : memref<8192xf32, #tpu.memory_space<vmem>>, vector<16xf32>,
        %mul3A_242 = arith.constant 16 : i32
        %mul3A_243 = arith.muli %scan3A_63, %mul3A_242 : i32
        %mul3A_244 = arith.constant 16 : i32
        %mul3A_245 = arith.muli %mul3A_243, %mul3A_244 : i32
        %add3A_246 = arith.constant 192 : i32
        %add3A_247 = arith.addi %mul3A_245, %add3A_246 : i32
        %add3A_248 = arith.constant 12288 : i32
        %add3A_249 = arith.addi %add3A_248, %add3A_247 : i32
        %get3A_250 = arith.index_cast %add3A_249 : i32 to index
        %get3A_251 = tpu.vector_load %arg6[%get3A_250] {strides = array<i32>} : memref<16384xi32, #tpu.memory_space<vmem>>, vector<16xi32>,
        %convert_element_type3A_252 = arith.sitofp %get3A_251 : vector<16xi32> to vector<16xf32>
        %add3A_253 = arith.constant 4096 : i32
        %add3A_254 = arith.addi %add3A_253, %add3A_247 : i32
        %swap3A_255 = arith.index_cast %add3A_254 : i32 to index
        %swap3A_256 = tpu.vector_load %arg7[%swap3A_255] {strides = array<i32>} : memref<8192xf32, #tpu.memory_space<vmem>>, vector<16xf32>,
        tpu.vector_store %arg7[%swap3A_255], %convert_element_type3A_252 {strides = array<i32>} : memref<8192xf32, #tpu.memory_space<vmem>>, vector<16xf32>,
        %mul3A_257 = arith.constant 16 : i32
        %mul3A_258 = arith.muli %scan3A_63, %mul3A_257 : i32
        %mul3A_259 = arith.constant 16 : i32
        %mul3A_260 = arith.muli %mul3A_258, %mul3A_259 : i32
        %add3A_261 = arith.constant 208 : i32
        %add3A_262 = arith.addi %mul3A_260, %add3A_261 : i32
        %add3A_263 = arith.constant 12288 : i32
        %add3A_264 = arith.addi %add3A_263, %add3A_262 : i32
        %get3A_265 = arith.index_cast %add3A_264 : i32 to index
        %get3A_266 = tpu.vector_load %arg6[%get3A_265] {strides = array<i32>} : memref<16384xi32, #tpu.memory_space<vmem>>, vector<16xi32>,
        %convert_element_type3A_267 = arith.sitofp %get3A_266 : vector<16xi32> to vector<16xf32>
        %add3A_268 = arith.constant 4096 : i32
        %add3A_269 = arith.addi %add3A_268, %add3A_262 : i32
        %swap3A_270 = arith.index_cast %add3A_269 : i32 to index
        %swap3A_271 = tpu.vector_load %arg7[%swap3A_270] {strides = array<i32>} : memref<8192xf32, #tpu.memory_space<vmem>>, vector<16xf32>,
        tpu.vector_store %arg7[%swap3A_270], %convert_element_type3A_267 {strides = array<i32>} : memref<8192xf32, #tpu.memory_space<vmem>>, vector<16xf32>,
        %mul3A_272 = arith.constant 16 : i32
        %mul3A_273 = arith.muli %scan3A_63, %mul3A_272 : i32
        %mul3A_274 = arith.constant 16 : i32
        %mul3A_275 = arith.muli %mul3A_273, %mul3A_274 : i32
        %add3A_276 = arith.constant 224 : i32
        %add3A_277 = arith.addi %mul3A_275, %add3A_276 : i32
        %add3A_278 = arith.constant 12288 : i32
        %add3A_279 = arith.addi %add3A_278, %add3A_277 : i32
        %get3A_280 = arith.index_cast %add3A_279 : i32 to index
        %get3A_281 = tpu.vector_load %arg6[%get3A_280] {strides = array<i32>} : memref<16384xi32, #tpu.memory_space<vmem>>, vector<16xi32>,
        %convert_element_type3A_282 = arith.sitofp %get3A_281 : vector<16xi32> to vector<16xf32>
        %add3A_283 = arith.constant 4096 : i32
        %add3A_284 = arith.addi %add3A_283, %add3A_277 : i32
        %swap3A_285 = arith.index_cast %add3A_284 : i32 to index
        %swap3A_286 = tpu.vector_load %arg7[%swap3A_285] {strides = array<i32>} : memref<8192xf32, #tpu.memory_space<vmem>>, vector<16xf32>,
        tpu.vector_store %arg7[%swap3A_285], %convert_element_type3A_282 {strides = array<i32>} : memref<8192xf32, #tpu.memory_space<vmem>>, vector<16xf32>,
        %mul3A_287 = arith.constant 16 : i32
        %mul3A_288 = arith.muli %scan3A_63, %mul3A_287 : i32
        %mul3A_289 = arith.constant 16 : i32
        %mul3A_290 = arith.muli %mul3A_288, %mul3A_289 : i32
        %add3A_291 = arith.constant 240 : i32
        %add3A_292 = arith.addi %mul3A_290, %add3A_291 : i32
        %add3A_293 = arith.constant 12288 : i32
        %add3A_294 = arith.addi %add3A_293, %add3A_292 : i32
        %get3A_295 = arith.index_cast %add3A_294 : i32 to index
        %get3A_296 = tpu.vector_load %arg6[%get3A_295] {strides = array<i32>} : memref<16384xi32, #tpu.memory_space<vmem>>, vector<16xi32>,
        %convert_element_type3A_297 = arith.sitofp %get3A_296 : vector<16xi32> to vector<16xf32>
        %add3A_298 = arith.constant 4096 : i32
        %add3A_299 = arith.addi %add3A_298, %add3A_292 : i32
        %swap3A_300 = arith.index_cast %add3A_299 : i32 to index
        %swap3A_301 = tpu.vector_load %arg7[%swap3A_300] {strides = array<i32>} : memref<8192xf32, #tpu.memory_space<vmem>>, vector<16xf32>,
        tpu.vector_store %arg7[%swap3A_300], %convert_element_type3A_297 {strides = array<i32>} : memref<8192xf32, #tpu.memory_space<vmem>>, vector<16xf32>,
      }
      %scan3A_62 = arith.constant 16 : i32
      "tpu.region"() ({
        %run_scoped3A = tpu.sem_alloc : memref<!tpu.dma_semaphore, #tpu.memory_space<semaphore_mem>>
        %dma_start3A = arith.constant 4096 : i32
        %dma_start3A_63 = tpu.memref_slice %arg7[%dma_start3A] : memref<8192xf32, #tpu.memory_space<vmem>> -> memref<4096xf32, #tpu.memory_space<vmem>>
        %dma_start3A_64 = arith.constant 12288 : i32
        %dma_start3A_65 = tpu.memref_slice %arg4[%add3A, %dma_start3A_64] : memref<845x16384xf32, #tpu.memory_space<hbm>> -> memref<1x4096xf32, #tpu.memory_space<hbm>>
        %dma_start3A_66 = tpu.memref_squeeze %dma_start3A_65 : memref<1x4096xf32, #tpu.memory_space<hbm>> -> memref<4096xf32, #tpu.memory_space<hbm>>
        %dma_start3A_67 = arith.constant 12288 : i32
        %dma_start3A_68 = tpu.memref_slice %arg4[%add3A, %dma_start3A_67] : memref<845x16384xf32, #tpu.memory_space<hbm>> -> memref<1x4096xf32, #tpu.memory_space<hbm>>
        %dma_start3A_69 = tpu.memref_squeeze %dma_start3A_68 : memref<1x4096xf32, #tpu.memory_space<hbm>> -> memref<4096xf32, #tpu.memory_space<hbm>>
        %dma_start3A_70 = arith.constant 4096 : i32
        %dma_start3A_71 = tpu.memref_slice %arg7[%dma_start3A_70] : memref<8192xf32, #tpu.memory_space<vmem>> -> memref<4096xf32, #tpu.memory_space<vmem>>
        tpu.enqueue_dma source(%dma_start3A_71 : memref<4096xf32, #tpu.memory_space<vmem>>) target(%dma_start3A_69 : memref<4096xf32, #tpu.memory_space<hbm>>) target_semaphore(%run_scoped3A : memref<!tpu.dma_semaphore, #tpu.memory_space<semaphore_mem>>)
        %dma_wait3A_72 = arith.constant 4096 : i32
        %dma_wait3A_73 = tpu.memref_slice %arg7[%dma_wait3A_72] : memref<8192xf32, #tpu.memory_space<vmem>> -> memref<4096xf32, #tpu.memory_space<vmem>>
        %dma_wait3A_74 = arith.constant 12288 : i32
        %dma_wait3A_75 = tpu.memref_slice %arg4[%add3A, %dma_wait3A_74] : memref<845x16384xf32, #tpu.memory_space<hbm>> -> memref<1x4096xf32, #tpu.memory_space<hbm>>
        %dma_wait3A_76 = tpu.memref_squeeze %dma_wait3A_75 : memref<1x4096xf32, #tpu.memory_space<hbm>> -> memref<4096xf32, #tpu.memory_space<hbm>>
        %dma_wait3A_77 = arith.constant 12288 : i32
        %dma_wait3A_78 = tpu.memref_slice %arg4[%add3A, %dma_wait3A_77] : memref<845x16384xf32, #tpu.memory_space<hbm>> -> memref<1x4096xf32, #tpu.memory_space<hbm>>
        %dma_wait3A_79 = tpu.memref_squeeze %dma_wait3A_78 : memref<1x4096xf32, #tpu.memory_space<hbm>> -> memref<4096xf32, #tpu.memory_space<hbm>>
        %dma_wait3A_80 = arith.constant 4096 : i32
        %dma_wait3A_81 = tpu.memref_slice %arg7[%dma_wait3A_80] : memref<8192xf32, #tpu.memory_space<vmem>> -> memref<4096xf32, #tpu.memory_space<vmem>>
        tpu.wait_dma2 semaphore(%run_scoped3A : memref<!tpu.dma_semaphore, #tpu.memory_space<semaphore_mem>>) src(%dma_wait3A_81 : memref<4096xf32, #tpu.memory_space<vmem>>) dst(%dma_wait3A_79 : memref<4096xf32, #tpu.memory_space<hbm>>)
        tpu.yield
      }) : () -> ()
    } else {
    }
    %scan3A = arith.constant -1 : i32
    %scan3A_3 = arith.constant 0 : i32
    %scan3A_4 = arith.constant 26 : i32
    %scan3A_5 = arith.addi %scan3A_3, %scan3A_4 : i32
    %scan3A_6 = arith.constant 1 : i32
    %scan3A_7 = scf.for %scan3A_43 = %scan3A_3 to %scan3A_5 step %scan3A_6 iter_args(%scan3A_44 = %scan3A) -> (i32)  : i32 {
      %mul3A_45 = arith.constant 26 : i32
      %mul3A_46 = arith.muli %add3A, %mul3A_45 : i32
      %add3A_47 = arith.addi %mul3A_46, %scan3A_43 : i32
      %div3A = arith.constant 32 : i32
      %div3A_48 = arith.divsi %add3A_47, %div3A : i32
      %ne3A = arith.cmpi ne, %div3A_48, %scan3A_44 : i32
      %convert_element_type3A_49 = arith.extui %ne3A : i1 to i32
      %cond3A_50 = arith.constant 0 : i32
      %cond3A_51 = arith.cmpi ne, %convert_element_type3A_49, %cond3A_50 : i32
      scf.if %cond3A_51 {
        %add3A_157 = arith.constant 13 : i32
        %add3A_158 = arith.addi %add3A_157, %div3A_48 : i32
        "tpu.region"() ({
          %run_scoped3A = tpu.sem_alloc : memref<!tpu.dma_semaphore, #tpu.memory_space<semaphore_mem>>
          %dma_start3A_159 = arith.constant 0 : i32
          %dma_start3A_160 = tpu.memref_slice %arg2[%add3A_158, %dma_start3A_159] : memref<39x16384xi32, #tpu.memory_space<hbm>> -> memref<1x16384xi32, #tpu.memory_space<hbm>>
          %dma_start3A_161 = tpu.memref_squeeze %dma_start3A_160 : memref<1x16384xi32, #tpu.memory_space<hbm>> -> memref<16384xi32, #tpu.memory_space<hbm>>
          %dma_start3A_162 = arith.constant 0 : i32
          %dma_start3A_163 = tpu.memref_slice %arg2[%add3A_158, %dma_start3A_162] : memref<39x16384xi32, #tpu.memory_space<hbm>> -> memref<1x16384xi32, #tpu.memory_space<hbm>>
          %dma_start3A_164 = tpu.memref_squeeze %dma_start3A_163 : memref<1x16384xi32, #tpu.memory_space<hbm>> -> memref<16384xi32, #tpu.memory_space<hbm>>
          tpu.enqueue_dma source(%dma_start3A_164 : memref<16384xi32, #tpu.memory_space<hbm>>) target(%arg6 : memref<16384xi32, #tpu.memory_space<vmem>>) target_semaphore(%run_scoped3A : memref<!tpu.dma_semaphore, #tpu.memory_space<semaphore_mem>>)
          %dma_wait3A_165 = arith.constant 0 : i32
          %dma_wait3A_166 = tpu.memref_slice %arg2[%add3A_158, %dma_wait3A_165] : memref<39x16384xi32, #tpu.memory_space<hbm>> -> memref<1x16384xi32, #tpu.memory_space<hbm>>
          %dma_wait3A_167 = tpu.memref_squeeze %dma_wait3A_166 : memref<1x16384xi32, #tpu.memory_space<hbm>> -> memref<16384xi32, #tpu.memory_space<hbm>>
          %dma_wait3A_168 = arith.constant 0 : i32
          %dma_wait3A_169 = tpu.memref_slice %arg2[%add3A_158, %dma_wait3A_168] : memref<39x16384xi32, #tpu.memory_space<hbm>> -> memref<1x16384xi32, #tpu.memory_space<hbm>>
          %dma_wait3A_170 = tpu.memref_squeeze %dma_wait3A_169 : memref<1x16384xi32, #tpu.memory_space<hbm>> -> memref<16384xi32, #tpu.memory_space<hbm>>
          tpu.wait_dma2 semaphore(%run_scoped3A : memref<!tpu.dma_semaphore, #tpu.memory_space<semaphore_mem>>) src(%dma_wait3A_170 : memref<16384xi32, #tpu.memory_space<hbm>>) dst(%arg6 : memref<16384xi32, #tpu.memory_space<vmem>>)
          tpu.yield
        }) : () -> ()
      } else {
      }
      "tpu.region"() ({
        %run_scoped3A = tpu.sem_alloc : memref<!tpu.dma_semaphore, #tpu.memory_space<semaphore_mem>>
        %dma_start3A_157 = arith.constant 0 : i32
        %dma_start3A_158 = tpu.memref_slice %arg3[%add3A_47, %dma_start3A_157] : memref<832x100000xf32, #tpu.memory_space<hbm>> -> memref<1x100000xf32, #tpu.memory_space<hbm>>
        %dma_start3A_159 = tpu.memref_squeeze %dma_start3A_158 : memref<1x100000xf32, #tpu.memory_space<hbm>> -> memref<100000xf32, #tpu.memory_space<hbm>>
        %dma_start3A_160 = arith.constant 0 : i32
        %dma_start3A_161 = tpu.memref_slice %arg3[%add3A_47, %dma_start3A_160] : memref<832x100000xf32, #tpu.memory_space<hbm>> -> memref<1x100000xf32, #tpu.memory_space<hbm>>
        %dma_start3A_162 = tpu.memref_squeeze %dma_start3A_161 : memref<1x100000xf32, #tpu.memory_space<hbm>> -> memref<100000xf32, #tpu.memory_space<hbm>>
        tpu.enqueue_dma source(%dma_start3A_162 : memref<100000xf32, #tpu.memory_space<hbm>>) target(%arg5 : memref<100000xf32, #tpu.memory_space<vmem>>) target_semaphore(%run_scoped3A : memref<!tpu.dma_semaphore, #tpu.memory_space<semaphore_mem>>)
        %dma_wait3A_163 = arith.constant 0 : i32
        %dma_wait3A_164 = tpu.memref_slice %arg3[%add3A_47, %dma_wait3A_163] : memref<832x100000xf32, #tpu.memory_space<hbm>> -> memref<1x100000xf32, #tpu.memory_space<hbm>>
        %dma_wait3A_165 = tpu.memref_squeeze %dma_wait3A_164 : memref<1x100000xf32, #tpu.memory_space<hbm>> -> memref<100000xf32, #tpu.memory_space<hbm>>
        %dma_wait3A_166 = arith.constant 0 : i32
        %dma_wait3A_167 = tpu.memref_slice %arg3[%add3A_47, %dma_wait3A_166] : memref<832x100000xf32, #tpu.memory_space<hbm>> -> memref<1x100000xf32, #tpu.memory_space<hbm>>
        %dma_wait3A_168 = tpu.memref_squeeze %dma_wait3A_167 : memref<1x100000xf32, #tpu.memory_space<hbm>> -> memref<100000xf32, #tpu.memory_space<hbm>>
        tpu.wait_dma2 semaphore(%run_scoped3A : memref<!tpu.dma_semaphore, #tpu.memory_space<semaphore_mem>>) src(%dma_wait3A_168 : memref<100000xf32, #tpu.memory_space<hbm>>) dst(%arg5 : memref<100000xf32, #tpu.memory_space<vmem>>)
        tpu.yield
      }) : () -> ()
      %gt3A = arith.constant 0 : i32
      %gt3A_52 = arith.cmpi sgt, %scan3A_43, %gt3A : i32
      %or3A = arith.constant false
      %or3A_53 = arith.ori %gt3A_52, %or3A : i1
      %convert_element_type3A_54 = arith.extui %or3A_53 : i1 to i32
      %cond3A_55 = arith.constant 0 : i32
      %cond3A_56 = arith.cmpi ne, %convert_element_type3A_54, %cond3A_55 : i32
      scf.if %cond3A_56 {
        %add3A_157 = arith.constant 13 : i32
        %add3A_158 = arith.addi %add3A_157, %add3A_47 : i32
        %dma_wait3A_159 = arith.constant 0 : i32
        %dma_wait3A_160 = arith.constant 0 : i32
        %dma_wait3A_161 = tpu.memref_slice %arg7[%dma_wait3A_160] : memref<8192xf32, #tpu.memory_space<vmem>> -> memref<4096xf32, #tpu.memory_space<vmem>>
        %dma_wait3A_162 = arith.constant 0 : i32
        %dma_wait3A_163 = tpu.memref_slice %arg4[%add3A_158, %dma_wait3A_162] : memref<845x16384xf32, #tpu.memory_space<hbm>> -> memref<1x4096xf32, #tpu.memory_space<hbm>>
        %dma_wait3A_164 = tpu.memref_squeeze %dma_wait3A_163 : memref<1x4096xf32, #tpu.memory_space<hbm>> -> memref<4096xf32, #tpu.memory_space<hbm>>
        %dma_wait3A_165 = tpu.memref_slice %arg8[%dma_wait3A_159] : memref<2x!tpu.dma_semaphore, #tpu.memory_space<semaphore_mem>> -> memref<1x!tpu.dma_semaphore, #tpu.memory_space<semaphore_mem>>
        %dma_wait3A_166 = tpu.memref_squeeze %dma_wait3A_165 : memref<1x!tpu.dma_semaphore, #tpu.memory_space<semaphore_mem>> -> memref<!tpu.dma_semaphore, #tpu.memory_space<semaphore_mem>>
        %dma_wait3A_167 = arith.constant 0 : i32
        %dma_wait3A_168 = tpu.memref_slice %arg4[%add3A_158, %dma_wait3A_167] : memref<845x16384xf32, #tpu.memory_space<hbm>> -> memref<1x4096xf32, #tpu.memory_space<hbm>>
        %dma_wait3A_169 = tpu.memref_squeeze %dma_wait3A_168 : memref<1x4096xf32, #tpu.memory_space<hbm>> -> memref<4096xf32, #tpu.memory_space<hbm>>
        %dma_wait3A_170 = arith.constant 0 : i32
        %dma_wait3A_171 = tpu.memref_slice %arg7[%dma_wait3A_170] : memref<8192xf32, #tpu.memory_space<vmem>> -> memref<4096xf32, #tpu.memory_space<vmem>>
        tpu.wait_dma2 semaphore(%dma_wait3A_166 : memref<!tpu.dma_semaphore, #tpu.memory_space<semaphore_mem>>) src(%dma_wait3A_171 : memref<4096xf32, #tpu.memory_space<vmem>>) dst(%dma_wait3A_169 : memref<4096xf32, #tpu.memory_space<hbm>>)
      } else {
      }
      %scan3A_57 = arith.constant 0 : i32
      %scan3A_58 = arith.constant 16 : i32
      %scan3A_59 = arith.addi %scan3A_57, %scan3A_58 : i32
      %scan3A_60 = arith.constant 1 : i32
      scf.for %scan3A_157 = %scan3A_57 to %scan3A_59 step %scan3A_60  : i32 {
        %mul3A_158 = arith.constant 16 : i32
        %mul3A_159 = arith.muli %scan3A_157, %mul3A_158 : i32
        %mul3A_160 = arith.constant 16 : i32
        %mul3A_161 = arith.muli %mul3A_159, %mul3A_160 : i32
        %add3A_162 = arith.constant 0 : i32
        %add3A_163 = arith.addi %mul3A_161, %add3A_162 : i32
        %add3A_164 = arith.constant 0 : i32
        %add3A_165 = arith.addi %add3A_164, %add3A_163 : i32
        %get3A = arith.index_cast %add3A_165 : i32 to index
        %get3A_166 = tpu.vector_load %arg6[%get3A] {strides = array<i32>} : memref<16384xi32, #tpu.memory_space<vmem>>, vector<16xi32>,
        %gather3A = tpu.vector_load_idx %arg5[%get3A_166] : memref<100000xf32, #tpu.memory_space<vmem>>[vector<16xi32>], vector<16xf32>,
        %add3A_167 = arith.constant 0 : i32
        %add3A_168 = arith.addi %add3A_167, %add3A_163 : i32
        %swap3A = arith.index_cast %add3A_168 : i32 to index
        %swap3A_169 = tpu.vector_load %arg7[%swap3A] {strides = array<i32>} : memref<8192xf32, #tpu.memory_space<vmem>>, vector<16xf32>,
        tpu.vector_store %arg7[%swap3A], %gather3A {strides = array<i32>} : memref<8192xf32, #tpu.memory_space<vmem>>, vector<16xf32>,
        %mul3A_170 = arith.constant 16 : i32
        %mul3A_171 = arith.muli %scan3A_157, %mul3A_170 : i32
        %mul3A_172 = arith.constant 16 : i32
        %mul3A_173 = arith.muli %mul3A_171, %mul3A_172 : i32
        %add3A_174 = arith.constant 16 : i32
        %add3A_175 = arith.addi %mul3A_173, %add3A_174 : i32
        %add3A_176 = arith.constant 0 : i32
        %add3A_177 = arith.addi %add3A_176, %add3A_175 : i32
        %get3A_178 = arith.index_cast %add3A_177 : i32 to index
        %get3A_179 = tpu.vector_load %arg6[%get3A_178] {strides = array<i32>} : memref<16384xi32, #tpu.memory_space<vmem>>, vector<16xi32>,
        %gather3A_180 = tpu.vector_load_idx %arg5[%get3A_179] : memref<100000xf32, #tpu.memory_space<vmem>>[vector<16xi32>], vector<16xf32>,
        %add3A_181 = arith.constant 0 : i32
        %add3A_182 = arith.addi %add3A_181, %add3A_175 : i32
        %swap3A_183 = arith.index_cast %add3A_182 : i32 to index
        %swap3A_184 = tpu.vector_load %arg7[%swap3A_183] {strides = array<i32>} : memref<8192xf32, #tpu.memory_space<vmem>>, vector<16xf32>,
        tpu.vector_store %arg7[%swap3A_183], %gather3A_180 {strides = array<i32>} : memref<8192xf32, #tpu.memory_space<vmem>>, vector<16xf32>,
        %mul3A_185 = arith.constant 16 : i32
        %mul3A_186 = arith.muli %scan3A_157, %mul3A_185 : i32
        %mul3A_187 = arith.constant 16 : i32
        %mul3A_188 = arith.muli %mul3A_186, %mul3A_187 : i32
        %add3A_189 = arith.constant 32 : i32
        %add3A_190 = arith.addi %mul3A_188, %add3A_189 : i32
        %add3A_191 = arith.constant 0 : i32
        %add3A_192 = arith.addi %add3A_191, %add3A_190 : i32
        %get3A_193 = arith.index_cast %add3A_192 : i32 to index
        %get3A_194 = tpu.vector_load %arg6[%get3A_193] {strides = array<i32>} : memref<16384xi32, #tpu.memory_space<vmem>>, vector<16xi32>,
        %gather3A_195 = tpu.vector_load_idx %arg5[%get3A_194] : memref<100000xf32, #tpu.memory_space<vmem>>[vector<16xi32>], vector<16xf32>,
        %add3A_196 = arith.constant 0 : i32
        %add3A_197 = arith.addi %add3A_196, %add3A_190 : i32
        %swap3A_198 = arith.index_cast %add3A_197 : i32 to index
        %swap3A_199 = tpu.vector_load %arg7[%swap3A_198] {strides = array<i32>} : memref<8192xf32, #tpu.memory_space<vmem>>, vector<16xf32>,
        tpu.vector_store %arg7[%swap3A_198], %gather3A_195 {strides = array<i32>} : memref<8192xf32, #tpu.memory_space<vmem>>, vector<16xf32>,
        %mul3A_200 = arith.constant 16 : i32
        %mul3A_201 = arith.muli %scan3A_157, %mul3A_200 : i32
        %mul3A_202 = arith.constant 16 : i32
        %mul3A_203 = arith.muli %mul3A_201, %mul3A_202 : i32
        %add3A_204 = arith.constant 48 : i32
        %add3A_205 = arith.addi %mul3A_203, %add3A_204 : i32
        %add3A_206 = arith.constant 0 : i32
        %add3A_207 = arith.addi %add3A_206, %add3A_205 : i32
        %get3A_208 = arith.index_cast %add3A_207 : i32 to index
        %get3A_209 = tpu.vector_load %arg6[%get3A_208] {strides = array<i32>} : memref<16384xi32, #tpu.memory_space<vmem>>, vector<16xi32>,
        %gather3A_210 = tpu.vector_load_idx %arg5[%get3A_209] : memref<100000xf32, #tpu.memory_space<vmem>>[vector<16xi32>], vector<16xf32>,
        %add3A_211 = arith.constant 0 : i32
        %add3A_212 = arith.addi %add3A_211, %add3A_205 : i32
        %swap3A_213 = arith.index_cast %add3A_212 : i32 to index
        %swap3A_214 = tpu.vector_load %arg7[%swap3A_213] {strides = array<i32>} : memref<8192xf32, #tpu.memory_space<vmem>>, vector<16xf32>,
        tpu.vector_store %arg7[%swap3A_213], %gather3A_210 {strides = array<i32>} : memref<8192xf32, #tpu.memory_space<vmem>>, vector<16xf32>,
        %mul3A_215 = arith.constant 16 : i32
        %mul3A_216 = arith.muli %scan3A_157, %mul3A_215 : i32
        %mul3A_217 = arith.constant 16 : i32
        %mul3A_218 = arith.muli %mul3A_216, %mul3A_217 : i32
        %add3A_219 = arith.constant 64 : i32
        %add3A_220 = arith.addi %mul3A_218, %add3A_219 : i32
        %add3A_221 = arith.constant 0 : i32
        %add3A_222 = arith.addi %add3A_221, %add3A_220 : i32
        %get3A_223 = arith.index_cast %add3A_222 : i32 to index
        %get3A_224 = tpu.vector_load %arg6[%get3A_223] {strides = array<i32>} : memref<16384xi32, #tpu.memory_space<vmem>>, vector<16xi32>,
        %gather3A_225 = tpu.vector_load_idx %arg5[%get3A_224] : memref<100000xf32, #tpu.memory_space<vmem>>[vector<16xi32>], vector<16xf32>,
        %add3A_226 = arith.constant 0 : i32
        %add3A_227 = arith.addi %add3A_226, %add3A_220 : i32
        %swap3A_228 = arith.index_cast %add3A_227 : i32 to index
        %swap3A_229 = tpu.vector_load %arg7[%swap3A_228] {strides = array<i32>} : memref<8192xf32, #tpu.memory_space<vmem>>, vector<16xf32>,
        tpu.vector_store %arg7[%swap3A_228], %gather3A_225 {strides = array<i32>} : memref<8192xf32, #tpu.memory_space<vmem>>, vector<16xf32>,
        %mul3A_230 = arith.constant 16 : i32
        %mul3A_231 = arith.muli %scan3A_157, %mul3A_230 : i32
        %mul3A_232 = arith.constant 16 : i32
        %mul3A_233 = arith.muli %mul3A_231, %mul3A_232 : i32
        %add3A_234 = arith.constant 80 : i32
        %add3A_235 = arith.addi %mul3A_233, %add3A_234 : i32
        %add3A_236 = arith.constant 0 : i32
        %add3A_237 = arith.addi %add3A_236, %add3A_235 : i32
        %get3A_238 = arith.index_cast %add3A_237 : i32 to index
        %get3A_239 = tpu.vector_load %arg6[%get3A_238] {strides = array<i32>} : memref<16384xi32, #tpu.memory_space<vmem>>, vector<16xi32>,
        %gather3A_240 = tpu.vector_load_idx %arg5[%get3A_239] : memref<100000xf32, #tpu.memory_space<vmem>>[vector<16xi32>], vector<16xf32>,
        %add3A_241 = arith.constant 0 : i32
        %add3A_242 = arith.addi %add3A_241, %add3A_235 : i32
        %swap3A_243 = arith.index_cast %add3A_242 : i32 to index
        %swap3A_244 = tpu.vector_load %arg7[%swap3A_243] {strides = array<i32>} : memref<8192xf32, #tpu.memory_space<vmem>>, vector<16xf32>,
        tpu.vector_store %arg7[%swap3A_243], %gather3A_240 {strides = array<i32>} : memref<8192xf32, #tpu.memory_space<vmem>>, vector<16xf32>,
        %mul3A_245 = arith.constant 16 : i32
        %mul3A_246 = arith.muli %scan3A_157, %mul3A_245 : i32
        %mul3A_247 = arith.constant 16 : i32
        %mul3A_248 = arith.muli %mul3A_246, %mul3A_247 : i32
        %add3A_249 = arith.constant 96 : i32
        %add3A_250 = arith.addi %mul3A_248, %add3A_249 : i32
        %add3A_251 = arith.constant 0 : i32
        %add3A_252 = arith.addi %add3A_251, %add3A_250 : i32
        %get3A_253 = arith.index_cast %add3A_252 : i32 to index
        %get3A_254 = tpu.vector_load %arg6[%get3A_253] {strides = array<i32>} : memref<16384xi32, #tpu.memory_space<vmem>>, vector<16xi32>,
        %gather3A_255 = tpu.vector_load_idx %arg5[%get3A_254] : memref<100000xf32, #tpu.memory_space<vmem>>[vector<16xi32>], vector<16xf32>,
        %add3A_256 = arith.constant 0 : i32
        %add3A_257 = arith.addi %add3A_256, %add3A_250 : i32
        %swap3A_258 = arith.index_cast %add3A_257 : i32 to index
        %swap3A_259 = tpu.vector_load %arg7[%swap3A_258] {strides = array<i32>} : memref<8192xf32, #tpu.memory_space<vmem>>, vector<16xf32>,
        tpu.vector_store %arg7[%swap3A_258], %gather3A_255 {strides = array<i32>} : memref<8192xf32, #tpu.memory_space<vmem>>, vector<16xf32>,
        %mul3A_260 = arith.constant 16 : i32
        %mul3A_261 = arith.muli %scan3A_157, %mul3A_260 : i32
        %mul3A_262 = arith.constant 16 : i32
        %mul3A_263 = arith.muli %mul3A_261, %mul3A_262 : i32
        %add3A_264 = arith.constant 112 : i32
        %add3A_265 = arith.addi %mul3A_263, %add3A_264 : i32
        %add3A_266 = arith.constant 0 : i32
        %add3A_267 = arith.addi %add3A_266, %add3A_265 : i32
        %get3A_268 = arith.index_cast %add3A_267 : i32 to index
        %get3A_269 = tpu.vector_load %arg6[%get3A_268] {strides = array<i32>} : memref<16384xi32, #tpu.memory_space<vmem>>, vector<16xi32>,
        %gather3A_270 = tpu.vector_load_idx %arg5[%get3A_269] : memref<100000xf32, #tpu.memory_space<vmem>>[vector<16xi32>], vector<16xf32>,
        %add3A_271 = arith.constant 0 : i32
        %add3A_272 = arith.addi %add3A_271, %add3A_265 : i32
        %swap3A_273 = arith.index_cast %add3A_272 : i32 to index
        %swap3A_274 = tpu.vector_load %arg7[%swap3A_273] {strides = array<i32>} : memref<8192xf32, #tpu.memory_space<vmem>>, vector<16xf32>,
        tpu.vector_store %arg7[%swap3A_273], %gather3A_270 {strides = array<i32>} : memref<8192xf32, #tpu.memory_space<vmem>>, vector<16xf32>,
        %mul3A_275 = arith.constant 16 : i32
        %mul3A_276 = arith.muli %scan3A_157, %mul3A_275 : i32
        %mul3A_277 = arith.constant 16 : i32
        %mul3A_278 = arith.muli %mul3A_276, %mul3A_277 : i32
        %add3A_279 = arith.constant 128 : i32
        %add3A_280 = arith.addi %mul3A_278, %add3A_279 : i32
        %add3A_281 = arith.constant 0 : i32
        %add3A_282 = arith.addi %add3A_281, %add3A_280 : i32
        %get3A_283 = arith.index_cast %add3A_282 : i32 to index
        %get3A_284 = tpu.vector_load %arg6[%get3A_283] {strides = array<i32>} : memref<16384xi32, #tpu.memory_space<vmem>>, vector<16xi32>,
        %gather3A_285 = tpu.vector_load_idx %arg5[%get3A_284] : memref<100000xf32, #tpu.memory_space<vmem>>[vector<16xi32>], vector<16xf32>,
        %add3A_286 = arith.constant 0 : i32
        %add3A_287 = arith.addi %add3A_286, %add3A_280 : i32
        %swap3A_288 = arith.index_cast %add3A_287 : i32 to index
        %swap3A_289 = tpu.vector_load %arg7[%swap3A_288] {strides = array<i32>} : memref<8192xf32, #tpu.memory_space<vmem>>, vector<16xf32>,
        tpu.vector_store %arg7[%swap3A_288], %gather3A_285 {strides = array<i32>} : memref<8192xf32, #tpu.memory_space<vmem>>, vector<16xf32>,
        %mul3A_290 = arith.constant 16 : i32
        %mul3A_291 = arith.muli %scan3A_157, %mul3A_290 : i32
        %mul3A_292 = arith.constant 16 : i32
        %mul3A_293 = arith.muli %mul3A_291, %mul3A_292 : i32
        %add3A_294 = arith.constant 144 : i32
        %add3A_295 = arith.addi %mul3A_293, %add3A_294 : i32
        %add3A_296 = arith.constant 0 : i32
        %add3A_297 = arith.addi %add3A_296, %add3A_295 : i32
        %get3A_298 = arith.index_cast %add3A_297 : i32 to index
        %get3A_299 = tpu.vector_load %arg6[%get3A_298] {strides = array<i32>} : memref<16384xi32, #tpu.memory_space<vmem>>, vector<16xi32>,
        %gather3A_300 = tpu.vector_load_idx %arg5[%get3A_299] : memref<100000xf32, #tpu.memory_space<vmem>>[vector<16xi32>], vector<16xf32>,
        %add3A_301 = arith.constant 0 : i32
        %add3A_302 = arith.addi %add3A_301, %add3A_295 : i32
        %swap3A_303 = arith.index_cast %add3A_302 : i32 to index
        %swap3A_304 = tpu.vector_load %arg7[%swap3A_303] {strides = array<i32>} : memref<8192xf32, #tpu.memory_space<vmem>>, vector<16xf32>,
        tpu.vector_store %arg7[%swap3A_303], %gather3A_300 {strides = array<i32>} : memref<8192xf32, #tpu.memory_space<vmem>>, vector<16xf32>,
        %mul3A_305 = arith.constant 16 : i32
        %mul3A_306 = arith.muli %scan3A_157, %mul3A_305 : i32
        %mul3A_307 = arith.constant 16 : i32
        %mul3A_308 = arith.muli %mul3A_306, %mul3A_307 : i32
        %add3A_309 = arith.constant 160 : i32
        %add3A_310 = arith.addi %mul3A_308, %add3A_309 : i32
        %add3A_311 = arith.constant 0 : i32
        %add3A_312 = arith.addi %add3A_311, %add3A_310 : i32
        %get3A_313 = arith.index_cast %add3A_312 : i32 to index
        %get3A_314 = tpu.vector_load %arg6[%get3A_313] {strides = array<i32>} : memref<16384xi32, #tpu.memory_space<vmem>>, vector<16xi32>,
        %gather3A_315 = tpu.vector_load_idx %arg5[%get3A_314] : memref<100000xf32, #tpu.memory_space<vmem>>[vector<16xi32>], vector<16xf32>,
        %add3A_316 = arith.constant 0 : i32
        %add3A_317 = arith.addi %add3A_316, %add3A_310 : i32
        %swap3A_318 = arith.index_cast %add3A_317 : i32 to index
        %swap3A_319 = tpu.vector_load %arg7[%swap3A_318] {strides = array<i32>} : memref<8192xf32, #tpu.memory_space<vmem>>, vector<16xf32>,
        tpu.vector_store %arg7[%swap3A_318], %gather3A_315 {strides = array<i32>} : memref<8192xf32, #tpu.memory_space<vmem>>, vector<16xf32>,
        %mul3A_320 = arith.constant 16 : i32
        %mul3A_321 = arith.muli %scan3A_157, %mul3A_320 : i32
        %mul3A_322 = arith.constant 16 : i32
        %mul3A_323 = arith.muli %mul3A_321, %mul3A_322 : i32
        %add3A_324 = arith.constant 176 : i32
        %add3A_325 = arith.addi %mul3A_323, %add3A_324 : i32
        %add3A_326 = arith.constant 0 : i32
        %add3A_327 = arith.addi %add3A_326, %add3A_325 : i32
        %get3A_328 = arith.index_cast %add3A_327 : i32 to index
        %get3A_329 = tpu.vector_load %arg6[%get3A_328] {strides = array<i32>} : memref<16384xi32, #tpu.memory_space<vmem>>, vector<16xi32>,
        %gather3A_330 = tpu.vector_load_idx %arg5[%get3A_329] : memref<100000xf32, #tpu.memory_space<vmem>>[vector<16xi32>], vector<16xf32>,
        %add3A_331 = arith.constant 0 : i32
        %add3A_332 = arith.addi %add3A_331, %add3A_325 : i32
        %swap3A_333 = arith.index_cast %add3A_332 : i32 to index
        %swap3A_334 = tpu.vector_load %arg7[%swap3A_333] {strides = array<i32>} : memref<8192xf32, #tpu.memory_space<vmem>>, vector<16xf32>,
        tpu.vector_store %arg7[%swap3A_333], %gather3A_330 {strides = array<i32>} : memref<8192xf32, #tpu.memory_space<vmem>>, vector<16xf32>,
        %mul3A_335 = arith.constant 16 : i32
        %mul3A_336 = arith.muli %scan3A_157, %mul3A_335 : i32
        %mul3A_337 = arith.constant 16 : i32
        %mul3A_338 = arith.muli %mul3A_336, %mul3A_337 : i32
        %add3A_339 = arith.constant 192 : i32
        %add3A_340 = arith.addi %mul3A_338, %add3A_339 : i32
        %add3A_341 = arith.constant 0 : i32
        %add3A_342 = arith.addi %add3A_341, %add3A_340 : i32
        %get3A_343 = arith.index_cast %add3A_342 : i32 to index
        %get3A_344 = tpu.vector_load %arg6[%get3A_343] {strides = array<i32>} : memref<16384xi32, #tpu.memory_space<vmem>>, vector<16xi32>,
        %gather3A_345 = tpu.vector_load_idx %arg5[%get3A_344] : memref<100000xf32, #tpu.memory_space<vmem>>[vector<16xi32>], vector<16xf32>,
        %add3A_346 = arith.constant 0 : i32
        %add3A_347 = arith.addi %add3A_346, %add3A_340 : i32
        %swap3A_348 = arith.index_cast %add3A_347 : i32 to index
        %swap3A_349 = tpu.vector_load %arg7[%swap3A_348] {strides = array<i32>} : memref<8192xf32, #tpu.memory_space<vmem>>, vector<16xf32>,
        tpu.vector_store %arg7[%swap3A_348], %gather3A_345 {strides = array<i32>} : memref<8192xf32, #tpu.memory_space<vmem>>, vector<16xf32>,
        %mul3A_350 = arith.constant 16 : i32
        %mul3A_351 = arith.muli %scan3A_157, %mul3A_350 : i32
        %mul3A_352 = arith.constant 16 : i32
        %mul3A_353 = arith.muli %mul3A_351, %mul3A_352 : i32
        %add3A_354 = arith.constant 208 : i32
        %add3A_355 = arith.addi %mul3A_353, %add3A_354 : i32
        %add3A_356 = arith.constant 0 : i32
        %add3A_357 = arith.addi %add3A_356, %add3A_355 : i32
        %get3A_358 = arith.index_cast %add3A_357 : i32 to index
        %get3A_359 = tpu.vector_load %arg6[%get3A_358] {strides = array<i32>} : memref<16384xi32, #tpu.memory_space<vmem>>, vector<16xi32>,
        %gather3A_360 = tpu.vector_load_idx %arg5[%get3A_359] : memref<100000xf32, #tpu.memory_space<vmem>>[vector<16xi32>], vector<16xf32>,
        %add3A_361 = arith.constant 0 : i32
        %add3A_362 = arith.addi %add3A_361, %add3A_355 : i32
        %swap3A_363 = arith.index_cast %add3A_362 : i32 to index
        %swap3A_364 = tpu.vector_load %arg7[%swap3A_363] {strides = array<i32>} : memref<8192xf32, #tpu.memory_space<vmem>>, vector<16xf32>,
        tpu.vector_store %arg7[%swap3A_363], %gather3A_360 {strides = array<i32>} : memref<8192xf32, #tpu.memory_space<vmem>>, vector<16xf32>,
        %mul3A_365 = arith.constant 16 : i32
        %mul3A_366 = arith.muli %scan3A_157, %mul3A_365 : i32
        %mul3A_367 = arith.constant 16 : i32
        %mul3A_368 = arith.muli %mul3A_366, %mul3A_367 : i32
        %add3A_369 = arith.constant 224 : i32
        %add3A_370 = arith.addi %mul3A_368, %add3A_369 : i32
        %add3A_371 = arith.constant 0 : i32
        %add3A_372 = arith.addi %add3A_371, %add3A_370 : i32
        %get3A_373 = arith.index_cast %add3A_372 : i32 to index
        %get3A_374 = tpu.vector_load %arg6[%get3A_373] {strides = array<i32>} : memref<16384xi32, #tpu.memory_space<vmem>>, vector<16xi32>,
        %gather3A_375 = tpu.vector_load_idx %arg5[%get3A_374] : memref<100000xf32, #tpu.memory_space<vmem>>[vector<16xi32>], vector<16xf32>,
        %add3A_376 = arith.constant 0 : i32
        %add3A_377 = arith.addi %add3A_376, %add3A_370 : i32
        %swap3A_378 = arith.index_cast %add3A_377 : i32 to index
        %swap3A_379 = tpu.vector_load %arg7[%swap3A_378] {strides = array<i32>} : memref<8192xf32, #tpu.memory_space<vmem>>, vector<16xf32>,
        tpu.vector_store %arg7[%swap3A_378], %gather3A_375 {strides = array<i32>} : memref<8192xf32, #tpu.memory_space<vmem>>, vector<16xf32>,
        %mul3A_380 = arith.constant 16 : i32
        %mul3A_381 = arith.muli %scan3A_157, %mul3A_380 : i32
        %mul3A_382 = arith.constant 16 : i32
        %mul3A_383 = arith.muli %mul3A_381, %mul3A_382 : i32
        %add3A_384 = arith.constant 240 : i32
        %add3A_385 = arith.addi %mul3A_383, %add3A_384 : i32
        %add3A_386 = arith.constant 0 : i32
        %add3A_387 = arith.addi %add3A_386, %add3A_385 : i32
        %get3A_388 = arith.index_cast %add3A_387 : i32 to index
        %get3A_389 = tpu.vector_load %arg6[%get3A_388] {strides = array<i32>} : memref<16384xi32, #tpu.memory_space<vmem>>, vector<16xi32>,
        %gather3A_390 = tpu.vector_load_idx %arg5[%get3A_389] : memref<100000xf32, #tpu.memory_space<vmem>>[vector<16xi32>], vector<16xf32>,
        %add3A_391 = arith.constant 0 : i32
        %add3A_392 = arith.addi %add3A_391, %add3A_385 : i32
        %swap3A_393 = arith.index_cast %add3A_392 : i32 to index
        %swap3A_394 = tpu.vector_load %arg7[%swap3A_393] {strides = array<i32>} : memref<8192xf32, #tpu.memory_space<vmem>>, vector<16xf32>,
        tpu.vector_store %arg7[%swap3A_393], %gather3A_390 {strides = array<i32>} : memref<8192xf32, #tpu.memory_space<vmem>>, vector<16xf32>,
      }
      %scan3A_61 = arith.constant 16 : i32
      %add3A_62 = arith.constant 13 : i32
      %add3A_63 = arith.addi %add3A_62, %add3A_47 : i32
      %dma_start3A = arith.constant 0 : i32
      %dma_start3A_64 = arith.constant 0 : i32
      %dma_start3A_65 = tpu.memref_slice %arg7[%dma_start3A_64] : memref<8192xf32, #tpu.memory_space<vmem>> -> memref<4096xf32, #tpu.memory_space<vmem>>
      %dma_start3A_66 = arith.constant 0 : i32
      %dma_start3A_67 = tpu.memref_slice %arg4[%add3A_63, %dma_start3A_66] : memref<845x16384xf32, #tpu.memory_space<hbm>> -> memref<1x4096xf32, #tpu.memory_space<hbm>>
      %dma_start3A_68 = tpu.memref_squeeze %dma_start3A_67 : memref<1x4096xf32, #tpu.memory_space<hbm>> -> memref<4096xf32, #tpu.memory_space<hbm>>
      %dma_start3A_69 = tpu.memref_slice %arg8[%dma_start3A] : memref<2x!tpu.dma_semaphore, #tpu.memory_space<semaphore_mem>> -> memref<1x!tpu.dma_semaphore, #tpu.memory_space<semaphore_mem>>
      %dma_start3A_70 = tpu.memref_squeeze %dma_start3A_69 : memref<1x!tpu.dma_semaphore, #tpu.memory_space<semaphore_mem>> -> memref<!tpu.dma_semaphore, #tpu.memory_space<semaphore_mem>>
      %dma_start3A_71 = arith.constant 0 : i32
      %dma_start3A_72 = tpu.memref_slice %arg4[%add3A_63, %dma_start3A_71] : memref<845x16384xf32, #tpu.memory_space<hbm>> -> memref<1x4096xf32, #tpu.memory_space<hbm>>
      %dma_start3A_73 = tpu.memref_squeeze %dma_start3A_72 : memref<1x4096xf32, #tpu.memory_space<hbm>> -> memref<4096xf32, #tpu.memory_space<hbm>>
      %dma_start3A_74 = arith.constant 0 : i32
      %dma_start3A_75 = tpu.memref_slice %arg7[%dma_start3A_74] : memref<8192xf32, #tpu.memory_space<vmem>> -> memref<4096xf32, #tpu.memory_space<vmem>>
      tpu.enqueue_dma source(%dma_start3A_75 : memref<4096xf32, #tpu.memory_space<vmem>>) target(%dma_start3A_73 : memref<4096xf32, #tpu.memory_space<hbm>>) target_semaphore(%dma_start3A_70 : memref<!tpu.dma_semaphore, #tpu.memory_space<semaphore_mem>>)
      %gt3A_76 = arith.constant 0 : i32
      %gt3A_77 = arith.cmpi sgt, %scan3A_43, %gt3A_76 : i32
      %or3A_78 = arith.constant false
      %or3A_79 = arith.ori %gt3A_77, %or3A_78 : i1
      %convert_element_type3A_80 = arith.extui %or3A_79 : i1 to i32
      %cond3A_81 = arith.constant 0 : i32
      %cond3A_82 = arith.cmpi ne, %convert_element_type3A_80, %cond3A_81 : i32
      scf.if %cond3A_82 {
        %add3A_157 = arith.constant 13 : i32
        %add3A_158 = arith.addi %add3A_157, %add3A_47 : i32
        %dma_wait3A_159 = arith.constant 1 : i32
        %dma_wait3A_160 = arith.constant 4096 : i32
        %dma_wait3A_161 = tpu.memref_slice %arg7[%dma_wait3A_160] : memref<8192xf32, #tpu.memory_space<vmem>> -> memref<4096xf32, #tpu.memory_space<vmem>>
        %dma_wait3A_162 = arith.constant 4096 : i32
        %dma_wait3A_163 = tpu.memref_slice %arg4[%add3A_158, %dma_wait3A_162] : memref<845x16384xf32, #tpu.memory_space<hbm>> -> memref<1x4096xf32, #tpu.memory_space<hbm>>
        %dma_wait3A_164 = tpu.memref_squeeze %dma_wait3A_163 : memref<1x4096xf32, #tpu.memory_space<hbm>> -> memref<4096xf32, #tpu.memory_space<hbm>>
        %dma_wait3A_165 = tpu.memref_slice %arg8[%dma_wait3A_159] : memref<2x!tpu.dma_semaphore, #tpu.memory_space<semaphore_mem>> -> memref<1x!tpu.dma_semaphore, #tpu.memory_space<semaphore_mem>>
        %dma_wait3A_166 = tpu.memref_squeeze %dma_wait3A_165 : memref<1x!tpu.dma_semaphore, #tpu.memory_space<semaphore_mem>> -> memref<!tpu.dma_semaphore, #tpu.memory_space<semaphore_mem>>
        %dma_wait3A_167 = arith.constant 4096 : i32
        %dma_wait3A_168 = tpu.memref_slice %arg4[%add3A_158, %dma_wait3A_167] : memref<845x16384xf32, #tpu.memory_space<hbm>> -> memref<1x4096xf32, #tpu.memory_space<hbm>>
        %dma_wait3A_169 = tpu.memref_squeeze %dma_wait3A_168 : memref<1x4096xf32, #tpu.memory_space<hbm>> -> memref<4096xf32, #tpu.memory_space<hbm>>
        %dma_wait3A_170 = arith.constant 4096 : i32
        %dma_wait3A_171 = tpu.memref_slice %arg7[%dma_wait3A_170] : memref<8192xf32, #tpu.memory_space<vmem>> -> memref<4096xf32, #tpu.memory_space<vmem>>
        tpu.wait_dma2 semaphore(%dma_wait3A_166 : memref<!tpu.dma_semaphore, #tpu.memory_space<semaphore_mem>>) src(%dma_wait3A_171 : memref<4096xf32, #tpu.memory_space<vmem>>) dst(%dma_wait3A_169 : memref<4096xf32, #tpu.memory_space<hbm>>)
      } else {
      }
      %scan3A_83 = arith.constant 0 : i32
      %scan3A_84 = arith.constant 16 : i32
      %scan3A_85 = arith.addi %scan3A_83, %scan3A_84 : i32
      %scan3A_86 = arith.constant 1 : i32
      scf.for %scan3A_157 = %scan3A_83 to %scan3A_85 step %scan3A_86  : i32 {
        %mul3A_158 = arith.constant 16 : i32
        %mul3A_159 = arith.muli %scan3A_157, %mul3A_158 : i32
        %mul3A_160 = arith.constant 16 : i32
        %mul3A_161 = arith.muli %mul3A_159, %mul3A_160 : i32
        %add3A_162 = arith.constant 0 : i32
        %add3A_163 = arith.addi %mul3A_161, %add3A_162 : i32
        %add3A_164 = arith.constant 4096 : i32
        %add3A_165 = arith.addi %add3A_164, %add3A_163 : i32
        %get3A = arith.index_cast %add3A_165 : i32 to index
        %get3A_166 = tpu.vector_load %arg6[%get3A] {strides = array<i32>} : memref<16384xi32, #tpu.memory_space<vmem>>, vector<16xi32>,
        %gather3A = tpu.vector_load_idx %arg5[%get3A_166] : memref<100000xf32, #tpu.memory_space<vmem>>[vector<16xi32>], vector<16xf32>,
        %add3A_167 = arith.constant 4096 : i32
        %add3A_168 = arith.addi %add3A_167, %add3A_163 : i32
        %swap3A = arith.index_cast %add3A_168 : i32 to index
        %swap3A_169 = tpu.vector_load %arg7[%swap3A] {strides = array<i32>} : memref<8192xf32, #tpu.memory_space<vmem>>, vector<16xf32>,
        tpu.vector_store %arg7[%swap3A], %gather3A {strides = array<i32>} : memref<8192xf32, #tpu.memory_space<vmem>>, vector<16xf32>,
        %mul3A_170 = arith.constant 16 : i32
        %mul3A_171 = arith.muli %scan3A_157, %mul3A_170 : i32
        %mul3A_172 = arith.constant 16 : i32
        %mul3A_173 = arith.muli %mul3A_171, %mul3A_172 : i32
        %add3A_174 = arith.constant 16 : i32
        %add3A_175 = arith.addi %mul3A_173, %add3A_174 : i32
        %add3A_176 = arith.constant 4096 : i32
        %add3A_177 = arith.addi %add3A_176, %add3A_175 : i32
        %get3A_178 = arith.index_cast %add3A_177 : i32 to index
        %get3A_179 = tpu.vector_load %arg6[%get3A_178] {strides = array<i32>} : memref<16384xi32, #tpu.memory_space<vmem>>, vector<16xi32>,
        %gather3A_180 = tpu.vector_load_idx %arg5[%get3A_179] : memref<100000xf32, #tpu.memory_space<vmem>>[vector<16xi32>], vector<16xf32>,
        %add3A_181 = arith.constant 4096 : i32
        %add3A_182 = arith.addi %add3A_181, %add3A_175 : i32
        %swap3A_183 = arith.index_cast %add3A_182 : i32 to index
        %swap3A_184 = tpu.vector_load %arg7[%swap3A_183] {strides = array<i32>} : memref<8192xf32, #tpu.memory_space<vmem>>, vector<16xf32>,
        tpu.vector_store %arg7[%swap3A_183], %gather3A_180 {strides = array<i32>} : memref<8192xf32, #tpu.memory_space<vmem>>, vector<16xf32>,
        %mul3A_185 = arith.constant 16 : i32
        %mul3A_186 = arith.muli %scan3A_157, %mul3A_185 : i32
        %mul3A_187 = arith.constant 16 : i32
        %mul3A_188 = arith.muli %mul3A_186, %mul3A_187 : i32
        %add3A_189 = arith.constant 32 : i32
        %add3A_190 = arith.addi %mul3A_188, %add3A_189 : i32
        %add3A_191 = arith.constant 4096 : i32
        %add3A_192 = arith.addi %add3A_191, %add3A_190 : i32
        %get3A_193 = arith.index_cast %add3A_192 : i32 to index
        %get3A_194 = tpu.vector_load %arg6[%get3A_193] {strides = array<i32>} : memref<16384xi32, #tpu.memory_space<vmem>>, vector<16xi32>,
        %gather3A_195 = tpu.vector_load_idx %arg5[%get3A_194] : memref<100000xf32, #tpu.memory_space<vmem>>[vector<16xi32>], vector<16xf32>,
        %add3A_196 = arith.constant 4096 : i32
        %add3A_197 = arith.addi %add3A_196, %add3A_190 : i32
        %swap3A_198 = arith.index_cast %add3A_197 : i32 to index
        %swap3A_199 = tpu.vector_load %arg7[%swap3A_198] {strides = array<i32>} : memref<8192xf32, #tpu.memory_space<vmem>>, vector<16xf32>,
        tpu.vector_store %arg7[%swap3A_198], %gather3A_195 {strides = array<i32>} : memref<8192xf32, #tpu.memory_space<vmem>>, vector<16xf32>,
        %mul3A_200 = arith.constant 16 : i32
        %mul3A_201 = arith.muli %scan3A_157, %mul3A_200 : i32
        %mul3A_202 = arith.constant 16 : i32
        %mul3A_203 = arith.muli %mul3A_201, %mul3A_202 : i32
        %add3A_204 = arith.constant 48 : i32
        %add3A_205 = arith.addi %mul3A_203, %add3A_204 : i32
        %add3A_206 = arith.constant 4096 : i32
        %add3A_207 = arith.addi %add3A_206, %add3A_205 : i32
        %get3A_208 = arith.index_cast %add3A_207 : i32 to index
        %get3A_209 = tpu.vector_load %arg6[%get3A_208] {strides = array<i32>} : memref<16384xi32, #tpu.memory_space<vmem>>, vector<16xi32>,
        %gather3A_210 = tpu.vector_load_idx %arg5[%get3A_209] : memref<100000xf32, #tpu.memory_space<vmem>>[vector<16xi32>], vector<16xf32>,
        %add3A_211 = arith.constant 4096 : i32
        %add3A_212 = arith.addi %add3A_211, %add3A_205 : i32
        %swap3A_213 = arith.index_cast %add3A_212 : i32 to index
        %swap3A_214 = tpu.vector_load %arg7[%swap3A_213] {strides = array<i32>} : memref<8192xf32, #tpu.memory_space<vmem>>, vector<16xf32>,
        tpu.vector_store %arg7[%swap3A_213], %gather3A_210 {strides = array<i32>} : memref<8192xf32, #tpu.memory_space<vmem>>, vector<16xf32>,
        %mul3A_215 = arith.constant 16 : i32
        %mul3A_216 = arith.muli %scan3A_157, %mul3A_215 : i32
        %mul3A_217 = arith.constant 16 : i32
        %mul3A_218 = arith.muli %mul3A_216, %mul3A_217 : i32
        %add3A_219 = arith.constant 64 : i32
        %add3A_220 = arith.addi %mul3A_218, %add3A_219 : i32
        %add3A_221 = arith.constant 4096 : i32
        %add3A_222 = arith.addi %add3A_221, %add3A_220 : i32
        %get3A_223 = arith.index_cast %add3A_222 : i32 to index
        %get3A_224 = tpu.vector_load %arg6[%get3A_223] {strides = array<i32>} : memref<16384xi32, #tpu.memory_space<vmem>>, vector<16xi32>,
        %gather3A_225 = tpu.vector_load_idx %arg5[%get3A_224] : memref<100000xf32, #tpu.memory_space<vmem>>[vector<16xi32>], vector<16xf32>,
        %add3A_226 = arith.constant 4096 : i32
        %add3A_227 = arith.addi %add3A_226, %add3A_220 : i32
        %swap3A_228 = arith.index_cast %add3A_227 : i32 to index
        %swap3A_229 = tpu.vector_load %arg7[%swap3A_228] {strides = array<i32>} : memref<8192xf32, #tpu.memory_space<vmem>>, vector<16xf32>,
        tpu.vector_store %arg7[%swap3A_228], %gather3A_225 {strides = array<i32>} : memref<8192xf32, #tpu.memory_space<vmem>>, vector<16xf32>,
        %mul3A_230 = arith.constant 16 : i32
        %mul3A_231 = arith.muli %scan3A_157, %mul3A_230 : i32
        %mul3A_232 = arith.constant 16 : i32
        %mul3A_233 = arith.muli %mul3A_231, %mul3A_232 : i32
        %add3A_234 = arith.constant 80 : i32
        %add3A_235 = arith.addi %mul3A_233, %add3A_234 : i32
        %add3A_236 = arith.constant 4096 : i32
        %add3A_237 = arith.addi %add3A_236, %add3A_235 : i32
        %get3A_238 = arith.index_cast %add3A_237 : i32 to index
        %get3A_239 = tpu.vector_load %arg6[%get3A_238] {strides = array<i32>} : memref<16384xi32, #tpu.memory_space<vmem>>, vector<16xi32>,
        %gather3A_240 = tpu.vector_load_idx %arg5[%get3A_239] : memref<100000xf32, #tpu.memory_space<vmem>>[vector<16xi32>], vector<16xf32>,
        %add3A_241 = arith.constant 4096 : i32
        %add3A_242 = arith.addi %add3A_241, %add3A_235 : i32
        %swap3A_243 = arith.index_cast %add3A_242 : i32 to index
        %swap3A_244 = tpu.vector_load %arg7[%swap3A_243] {strides = array<i32>} : memref<8192xf32, #tpu.memory_space<vmem>>, vector<16xf32>,
        tpu.vector_store %arg7[%swap3A_243], %gather3A_240 {strides = array<i32>} : memref<8192xf32, #tpu.memory_space<vmem>>, vector<16xf32>,
        %mul3A_245 = arith.constant 16 : i32
        %mul3A_246 = arith.muli %scan3A_157, %mul3A_245 : i32
        %mul3A_247 = arith.constant 16 : i32
        %mul3A_248 = arith.muli %mul3A_246, %mul3A_247 : i32
        %add3A_249 = arith.constant 96 : i32
        %add3A_250 = arith.addi %mul3A_248, %add3A_249 : i32
        %add3A_251 = arith.constant 4096 : i32
        %add3A_252 = arith.addi %add3A_251, %add3A_250 : i32
        %get3A_253 = arith.index_cast %add3A_252 : i32 to index
        %get3A_254 = tpu.vector_load %arg6[%get3A_253] {strides = array<i32>} : memref<16384xi32, #tpu.memory_space<vmem>>, vector<16xi32>,
        %gather3A_255 = tpu.vector_load_idx %arg5[%get3A_254] : memref<100000xf32, #tpu.memory_space<vmem>>[vector<16xi32>], vector<16xf32>,
        %add3A_256 = arith.constant 4096 : i32
        %add3A_257 = arith.addi %add3A_256, %add3A_250 : i32
        %swap3A_258 = arith.index_cast %add3A_257 : i32 to index
        %swap3A_259 = tpu.vector_load %arg7[%swap3A_258] {strides = array<i32>} : memref<8192xf32, #tpu.memory_space<vmem>>, vector<16xf32>,
        tpu.vector_store %arg7[%swap3A_258], %gather3A_255 {strides = array<i32>} : memref<8192xf32, #tpu.memory_space<vmem>>, vector<16xf32>,
        %mul3A_260 = arith.constant 16 : i32
        %mul3A_261 = arith.muli %scan3A_157, %mul3A_260 : i32
        %mul3A_262 = arith.constant 16 : i32
        %mul3A_263 = arith.muli %mul3A_261, %mul3A_262 : i32
        %add3A_264 = arith.constant 112 : i32
        %add3A_265 = arith.addi %mul3A_263, %add3A_264 : i32
        %add3A_266 = arith.constant 4096 : i32
        %add3A_267 = arith.addi %add3A_266, %add3A_265 : i32
        %get3A_268 = arith.index_cast %add3A_267 : i32 to index
        %get3A_269 = tpu.vector_load %arg6[%get3A_268] {strides = array<i32>} : memref<16384xi32, #tpu.memory_space<vmem>>, vector<16xi32>,
        %gather3A_270 = tpu.vector_load_idx %arg5[%get3A_269] : memref<100000xf32, #tpu.memory_space<vmem>>[vector<16xi32>], vector<16xf32>,
        %add3A_271 = arith.constant 4096 : i32
        %add3A_272 = arith.addi %add3A_271, %add3A_265 : i32
        %swap3A_273 = arith.index_cast %add3A_272 : i32 to index
        %swap3A_274 = tpu.vector_load %arg7[%swap3A_273] {strides = array<i32>} : memref<8192xf32, #tpu.memory_space<vmem>>, vector<16xf32>,
        tpu.vector_store %arg7[%swap3A_273], %gather3A_270 {strides = array<i32>} : memref<8192xf32, #tpu.memory_space<vmem>>, vector<16xf32>,
        %mul3A_275 = arith.constant 16 : i32
        %mul3A_276 = arith.muli %scan3A_157, %mul3A_275 : i32
        %mul3A_277 = arith.constant 16 : i32
        %mul3A_278 = arith.muli %mul3A_276, %mul3A_277 : i32
        %add3A_279 = arith.constant 128 : i32
        %add3A_280 = arith.addi %mul3A_278, %add3A_279 : i32
        %add3A_281 = arith.constant 4096 : i32
        %add3A_282 = arith.addi %add3A_281, %add3A_280 : i32
        %get3A_283 = arith.index_cast %add3A_282 : i32 to index
        %get3A_284 = tpu.vector_load %arg6[%get3A_283] {strides = array<i32>} : memref<16384xi32, #tpu.memory_space<vmem>>, vector<16xi32>,
        %gather3A_285 = tpu.vector_load_idx %arg5[%get3A_284] : memref<100000xf32, #tpu.memory_space<vmem>>[vector<16xi32>], vector<16xf32>,
        %add3A_286 = arith.constant 4096 : i32
        %add3A_287 = arith.addi %add3A_286, %add3A_280 : i32
        %swap3A_288 = arith.index_cast %add3A_287 : i32 to index
        %swap3A_289 = tpu.vector_load %arg7[%swap3A_288] {strides = array<i32>} : memref<8192xf32, #tpu.memory_space<vmem>>, vector<16xf32>,
        tpu.vector_store %arg7[%swap3A_288], %gather3A_285 {strides = array<i32>} : memref<8192xf32, #tpu.memory_space<vmem>>, vector<16xf32>,
        %mul3A_290 = arith.constant 16 : i32
        %mul3A_291 = arith.muli %scan3A_157, %mul3A_290 : i32
        %mul3A_292 = arith.constant 16 : i32
        %mul3A_293 = arith.muli %mul3A_291, %mul3A_292 : i32
        %add3A_294 = arith.constant 144 : i32
        %add3A_295 = arith.addi %mul3A_293, %add3A_294 : i32
        %add3A_296 = arith.constant 4096 : i32
        %add3A_297 = arith.addi %add3A_296, %add3A_295 : i32
        %get3A_298 = arith.index_cast %add3A_297 : i32 to index
        %get3A_299 = tpu.vector_load %arg6[%get3A_298] {strides = array<i32>} : memref<16384xi32, #tpu.memory_space<vmem>>, vector<16xi32>,
        %gather3A_300 = tpu.vector_load_idx %arg5[%get3A_299] : memref<100000xf32, #tpu.memory_space<vmem>>[vector<16xi32>], vector<16xf32>,
        %add3A_301 = arith.constant 4096 : i32
        %add3A_302 = arith.addi %add3A_301, %add3A_295 : i32
        %swap3A_303 = arith.index_cast %add3A_302 : i32 to index
        %swap3A_304 = tpu.vector_load %arg7[%swap3A_303] {strides = array<i32>} : memref<8192xf32, #tpu.memory_space<vmem>>, vector<16xf32>,
        tpu.vector_store %arg7[%swap3A_303], %gather3A_300 {strides = array<i32>} : memref<8192xf32, #tpu.memory_space<vmem>>, vector<16xf32>,
        %mul3A_305 = arith.constant 16 : i32
        %mul3A_306 = arith.muli %scan3A_157, %mul3A_305 : i32
        %mul3A_307 = arith.constant 16 : i32
        %mul3A_308 = arith.muli %mul3A_306, %mul3A_307 : i32
        %add3A_309 = arith.constant 160 : i32
        %add3A_310 = arith.addi %mul3A_308, %add3A_309 : i32
        %add3A_311 = arith.constant 4096 : i32
        %add3A_312 = arith.addi %add3A_311, %add3A_310 : i32
        %get3A_313 = arith.index_cast %add3A_312 : i32 to index
        %get3A_314 = tpu.vector_load %arg6[%get3A_313] {strides = array<i32>} : memref<16384xi32, #tpu.memory_space<vmem>>, vector<16xi32>,
        %gather3A_315 = tpu.vector_load_idx %arg5[%get3A_314] : memref<100000xf32, #tpu.memory_space<vmem>>[vector<16xi32>], vector<16xf32>,
        %add3A_316 = arith.constant 4096 : i32
        %add3A_317 = arith.addi %add3A_316, %add3A_310 : i32
        %swap3A_318 = arith.index_cast %add3A_317 : i32 to index
        %swap3A_319 = tpu.vector_load %arg7[%swap3A_318] {strides = array<i32>} : memref<8192xf32, #tpu.memory_space<vmem>>, vector<16xf32>,
        tpu.vector_store %arg7[%swap3A_318], %gather3A_315 {strides = array<i32>} : memref<8192xf32, #tpu.memory_space<vmem>>, vector<16xf32>,
        %mul3A_320 = arith.constant 16 : i32
        %mul3A_321 = arith.muli %scan3A_157, %mul3A_320 : i32
        %mul3A_322 = arith.constant 16 : i32
        %mul3A_323 = arith.muli %mul3A_321, %mul3A_322 : i32
        %add3A_324 = arith.constant 176 : i32
        %add3A_325 = arith.addi %mul3A_323, %add3A_324 : i32
        %add3A_326 = arith.constant 4096 : i32
        %add3A_327 = arith.addi %add3A_326, %add3A_325 : i32
        %get3A_328 = arith.index_cast %add3A_327 : i32 to index
        %get3A_329 = tpu.vector_load %arg6[%get3A_328] {strides = array<i32>} : memref<16384xi32, #tpu.memory_space<vmem>>, vector<16xi32>,
        %gather3A_330 = tpu.vector_load_idx %arg5[%get3A_329] : memref<100000xf32, #tpu.memory_space<vmem>>[vector<16xi32>], vector<16xf32>,
        %add3A_331 = arith.constant 4096 : i32
        %add3A_332 = arith.addi %add3A_331, %add3A_325 : i32
        %swap3A_333 = arith.index_cast %add3A_332 : i32 to index
        %swap3A_334 = tpu.vector_load %arg7[%swap3A_333] {strides = array<i32>} : memref<8192xf32, #tpu.memory_space<vmem>>, vector<16xf32>,
        tpu.vector_store %arg7[%swap3A_333], %gather3A_330 {strides = array<i32>} : memref<8192xf32, #tpu.memory_space<vmem>>, vector<16xf32>,
        %mul3A_335 = arith.constant 16 : i32
        %mul3A_336 = arith.muli %scan3A_157, %mul3A_335 : i32
        %mul3A_337 = arith.constant 16 : i32
        %mul3A_338 = arith.muli %mul3A_336, %mul3A_337 : i32
        %add3A_339 = arith.constant 192 : i32
        %add3A_340 = arith.addi %mul3A_338, %add3A_339 : i32
        %add3A_341 = arith.constant 4096 : i32
        %add3A_342 = arith.addi %add3A_341, %add3A_340 : i32
        %get3A_343 = arith.index_cast %add3A_342 : i32 to index
        %get3A_344 = tpu.vector_load %arg6[%get3A_343] {strides = array<i32>} : memref<16384xi32, #tpu.memory_space<vmem>>, vector<16xi32>,
        %gather3A_345 = tpu.vector_load_idx %arg5[%get3A_344] : memref<100000xf32, #tpu.memory_space<vmem>>[vector<16xi32>], vector<16xf32>,
        %add3A_346 = arith.constant 4096 : i32
        %add3A_347 = arith.addi %add3A_346, %add3A_340 : i32
        %swap3A_348 = arith.index_cast %add3A_347 : i32 to index
        %swap3A_349 = tpu.vector_load %arg7[%swap3A_348] {strides = array<i32>} : memref<8192xf32, #tpu.memory_space<vmem>>, vector<16xf32>,
        tpu.vector_store %arg7[%swap3A_348], %gather3A_345 {strides = array<i32>} : memref<8192xf32, #tpu.memory_space<vmem>>, vector<16xf32>,
        %mul3A_350 = arith.constant 16 : i32
        %mul3A_351 = arith.muli %scan3A_157, %mul3A_350 : i32
        %mul3A_352 = arith.constant 16 : i32
        %mul3A_353 = arith.muli %mul3A_351, %mul3A_352 : i32
        %add3A_354 = arith.constant 208 : i32
        %add3A_355 = arith.addi %mul3A_353, %add3A_354 : i32
        %add3A_356 = arith.constant 4096 : i32
        %add3A_357 = arith.addi %add3A_356, %add3A_355 : i32
        %get3A_358 = arith.index_cast %add3A_357 : i32 to index
        %get3A_359 = tpu.vector_load %arg6[%get3A_358] {strides = array<i32>} : memref<16384xi32, #tpu.memory_space<vmem>>, vector<16xi32>,
        %gather3A_360 = tpu.vector_load_idx %arg5[%get3A_359] : memref<100000xf32, #tpu.memory_space<vmem>>[vector<16xi32>], vector<16xf32>,
        %add3A_361 = arith.constant 4096 : i32
        %add3A_362 = arith.addi %add3A_361, %add3A_355 : i32
        %swap3A_363 = arith.index_cast %add3A_362 : i32 to index
        %swap3A_364 = tpu.vector_load %arg7[%swap3A_363] {strides = array<i32>} : memref<8192xf32, #tpu.memory_space<vmem>>, vector<16xf32>,
        tpu.vector_store %arg7[%swap3A_363], %gather3A_360 {strides = array<i32>} : memref<8192xf32, #tpu.memory_space<vmem>>, vector<16xf32>,
        %mul3A_365 = arith.constant 16 : i32
        %mul3A_366 = arith.muli %scan3A_157, %mul3A_365 : i32
        %mul3A_367 = arith.constant 16 : i32
        %mul3A_368 = arith.muli %mul3A_366, %mul3A_367 : i32
        %add3A_369 = arith.constant 224 : i32
        %add3A_370 = arith.addi %mul3A_368, %add3A_369 : i32
        %add3A_371 = arith.constant 4096 : i32
        %add3A_372 = arith.addi %add3A_371, %add3A_370 : i32
        %get3A_373 = arith.index_cast %add3A_372 : i32 to index
        %get3A_374 = tpu.vector_load %arg6[%get3A_373] {strides = array<i32>} : memref<16384xi32, #tpu.memory_space<vmem>>, vector<16xi32>,
        %gather3A_375 = tpu.vector_load_idx %arg5[%get3A_374] : memref<100000xf32, #tpu.memory_space<vmem>>[vector<16xi32>], vector<16xf32>,
        %add3A_376 = arith.constant 4096 : i32
        %add3A_377 = arith.addi %add3A_376, %add3A_370 : i32
        %swap3A_378 = arith.index_cast %add3A_377 : i32 to index
        %swap3A_379 = tpu.vector_load %arg7[%swap3A_378] {strides = array<i32>} : memref<8192xf32, #tpu.memory_space<vmem>>, vector<16xf32>,
        tpu.vector_store %arg7[%swap3A_378], %gather3A_375 {strides = array<i32>} : memref<8192xf32, #tpu.memory_space<vmem>>, vector<16xf32>,
        %mul3A_380 = arith.constant 16 : i32
        %mul3A_381 = arith.muli %scan3A_157, %mul3A_380 : i32
        %mul3A_382 = arith.constant 16 : i32
        %mul3A_383 = arith.muli %mul3A_381, %mul3A_382 : i32
        %add3A_384 = arith.constant 240 : i32
        %add3A_385 = arith.addi %mul3A_383, %add3A_384 : i32
        %add3A_386 = arith.constant 4096 : i32
        %add3A_387 = arith.addi %add3A_386, %add3A_385 : i32
        %get3A_388 = arith.index_cast %add3A_387 : i32 to index
        %get3A_389 = tpu.vector_load %arg6[%get3A_388] {strides = array<i32>} : memref<16384xi32, #tpu.memory_space<vmem>>, vector<16xi32>,
        %gather3A_390 = tpu.vector_load_idx %arg5[%get3A_389] : memref<100000xf32, #tpu.memory_space<vmem>>[vector<16xi32>], vector<16xf32>,
        %add3A_391 = arith.constant 4096 : i32
        %add3A_392 = arith.addi %add3A_391, %add3A_385 : i32
        %swap3A_393 = arith.index_cast %add3A_392 : i32 to index
        %swap3A_394 = tpu.vector_load %arg7[%swap3A_393] {strides = array<i32>} : memref<8192xf32, #tpu.memory_space<vmem>>, vector<16xf32>,
        tpu.vector_store %arg7[%swap3A_393], %gather3A_390 {strides = array<i32>} : memref<8192xf32, #tpu.memory_space<vmem>>, vector<16xf32>,
      }
      %scan3A_87 = arith.constant 16 : i32
      %add3A_88 = arith.constant 13 : i32
      %add3A_89 = arith.addi %add3A_88, %add3A_47 : i32
      %dma_start3A_90 = arith.constant 1 : i32
      %dma_start3A_91 = arith.constant 4096 : i32
      %dma_start3A_92 = tpu.memref_slice %arg7[%dma_start3A_91] : memref<8192xf32, #tpu.memory_space<vmem>> -> memref<4096xf32, #tpu.memory_space<vmem>>
      %dma_start3A_93 = arith.constant 4096 : i32
      %dma_start3A_94 = tpu.memref_slice %arg4[%add3A_89, %dma_start3A_93] : memref<845x16384xf32, #tpu.memory_space<hbm>> -> memref<1x4096xf32, #tpu.memory_space<hbm>>
      %dma_start3A_95 = tpu.memref_squeeze %dma_start3A_94 : memref<1x4096xf32, #tpu.memory_space<hbm>> -> memref<4096xf32, #tpu.memory_space<hbm>>
      %dma_start3A_96 = tpu.memref_slice %arg8[%dma_start3A_90] : memref<2x!tpu.dma_semaphore, #tpu.memory_space<semaphore_mem>> -> memref<1x!tpu.dma_semaphore, #tpu.memory_space<semaphore_mem>>
      %dma_start3A_97 = tpu.memref_squeeze %dma_start3A_96 : memref<1x!tpu.dma_semaphore, #tpu.memory_space<semaphore_mem>> -> memref<!tpu.dma_semaphore, #tpu.memory_space<semaphore_mem>>
      %dma_start3A_98 = arith.constant 4096 : i32
      %dma_start3A_99 = tpu.memref_slice %arg4[%add3A_89, %dma_start3A_98] : memref<845x16384xf32, #tpu.memory_space<hbm>> -> memref<1x4096xf32, #tpu.memory_space<hbm>>
      %dma_start3A_100 = tpu.memref_squeeze %dma_start3A_99 : memref<1x4096xf32, #tpu.memory_space<hbm>> -> memref<4096xf32, #tpu.memory_space<hbm>>
      %dma_start3A_101 = arith.constant 4096 : i32
      %dma_start3A_102 = tpu.memref_slice %arg7[%dma_start3A_101] : memref<8192xf32, #tpu.memory_space<vmem>> -> memref<4096xf32, #tpu.memory_space<vmem>>
      tpu.enqueue_dma source(%dma_start3A_102 : memref<4096xf32, #tpu.memory_space<vmem>>) target(%dma_start3A_100 : memref<4096xf32, #tpu.memory_space<hbm>>) target_semaphore(%dma_start3A_97 : memref<!tpu.dma_semaphore, #tpu.memory_space<semaphore_mem>>)
      %gt3A_103 = arith.constant 0 : i32
      %gt3A_104 = arith.cmpi sgt, %scan3A_43, %gt3A_103 : i32
      %or3A_105 = arith.constant true
      %or3A_106 = arith.ori %gt3A_104, %or3A_105 : i1
      %convert_element_type3A_107 = arith.extui %or3A_106 : i1 to i32
      %cond3A_108 = arith.constant 0 : i32
      %cond3A_109 = arith.cmpi ne, %convert_element_type3A_107, %cond3A_108 : i32
      scf.if %cond3A_109 {
        %add3A_157 = arith.constant 13 : i32
        %add3A_158 = arith.addi %add3A_157, %add3A_47 : i32
        %dma_wait3A_159 = arith.constant 0 : i32
        %dma_wait3A_160 = arith.constant 0 : i32
        %dma_wait3A_161 = tpu.memref_slice %arg7[%dma_wait3A_160] : memref<8192xf32, #tpu.memory_space<vmem>> -> memref<4096xf32, #tpu.memory_space<vmem>>
        %dma_wait3A_162 = arith.constant 8192 : i32
        %dma_wait3A_163 = tpu.memref_slice %arg4[%add3A_158, %dma_wait3A_162] : memref<845x16384xf32, #tpu.memory_space<hbm>> -> memref<1x4096xf32, #tpu.memory_space<hbm>>
        %dma_wait3A_164 = tpu.memref_squeeze %dma_wait3A_163 : memref<1x4096xf32, #tpu.memory_space<hbm>> -> memref<4096xf32, #tpu.memory_space<hbm>>
        %dma_wait3A_165 = tpu.memref_slice %arg8[%dma_wait3A_159] : memref<2x!tpu.dma_semaphore, #tpu.memory_space<semaphore_mem>> -> memref<1x!tpu.dma_semaphore, #tpu.memory_space<semaphore_mem>>
        %dma_wait3A_166 = tpu.memref_squeeze %dma_wait3A_165 : memref<1x!tpu.dma_semaphore, #tpu.memory_space<semaphore_mem>> -> memref<!tpu.dma_semaphore, #tpu.memory_space<semaphore_mem>>
        %dma_wait3A_167 = arith.constant 8192 : i32
        %dma_wait3A_168 = tpu.memref_slice %arg4[%add3A_158, %dma_wait3A_167] : memref<845x16384xf32, #tpu.memory_space<hbm>> -> memref<1x4096xf32, #tpu.memory_space<hbm>>
        %dma_wait3A_169 = tpu.memref_squeeze %dma_wait3A_168 : memref<1x4096xf32, #tpu.memory_space<hbm>> -> memref<4096xf32, #tpu.memory_space<hbm>>
        %dma_wait3A_170 = arith.constant 0 : i32
        %dma_wait3A_171 = tpu.memref_slice %arg7[%dma_wait3A_170] : memref<8192xf32, #tpu.memory_space<vmem>> -> memref<4096xf32, #tpu.memory_space<vmem>>
        tpu.wait_dma2 semaphore(%dma_wait3A_166 : memref<!tpu.dma_semaphore, #tpu.memory_space<semaphore_mem>>) src(%dma_wait3A_171 : memref<4096xf32, #tpu.memory_space<vmem>>) dst(%dma_wait3A_169 : memref<4096xf32, #tpu.memory_space<hbm>>)
      } else {
      }
      %scan3A_110 = arith.constant 0 : i32
      %scan3A_111 = arith.constant 16 : i32
      %scan3A_112 = arith.addi %scan3A_110, %scan3A_111 : i32
      %scan3A_113 = arith.constant 1 : i32
      scf.for %scan3A_157 = %scan3A_110 to %scan3A_112 step %scan3A_113  : i32 {
        %mul3A_158 = arith.constant 16 : i32
        %mul3A_159 = arith.muli %scan3A_157, %mul3A_158 : i32
        %mul3A_160 = arith.constant 16 : i32
        %mul3A_161 = arith.muli %mul3A_159, %mul3A_160 : i32
        %add3A_162 = arith.constant 0 : i32
        %add3A_163 = arith.addi %mul3A_161, %add3A_162 : i32
        %add3A_164 = arith.constant 8192 : i32
        %add3A_165 = arith.addi %add3A_164, %add3A_163 : i32
        %get3A = arith.index_cast %add3A_165 : i32 to index
        %get3A_166 = tpu.vector_load %arg6[%get3A] {strides = array<i32>} : memref<16384xi32, #tpu.memory_space<vmem>>, vector<16xi32>,
        %gather3A = tpu.vector_load_idx %arg5[%get3A_166] : memref<100000xf32, #tpu.memory_space<vmem>>[vector<16xi32>], vector<16xf32>,
        %add3A_167 = arith.constant 0 : i32
        %add3A_168 = arith.addi %add3A_167, %add3A_163 : i32
        %swap3A = arith.index_cast %add3A_168 : i32 to index
        %swap3A_169 = tpu.vector_load %arg7[%swap3A] {strides = array<i32>} : memref<8192xf32, #tpu.memory_space<vmem>>, vector<16xf32>,
        tpu.vector_store %arg7[%swap3A], %gather3A {strides = array<i32>} : memref<8192xf32, #tpu.memory_space<vmem>>, vector<16xf32>,
        %mul3A_170 = arith.constant 16 : i32
        %mul3A_171 = arith.muli %scan3A_157, %mul3A_170 : i32
        %mul3A_172 = arith.constant 16 : i32
        %mul3A_173 = arith.muli %mul3A_171, %mul3A_172 : i32
        %add3A_174 = arith.constant 16 : i32
        %add3A_175 = arith.addi %mul3A_173, %add3A_174 : i32
        %add3A_176 = arith.constant 8192 : i32
        %add3A_177 = arith.addi %add3A_176, %add3A_175 : i32
        %get3A_178 = arith.index_cast %add3A_177 : i32 to index
        %get3A_179 = tpu.vector_load %arg6[%get3A_178] {strides = array<i32>} : memref<16384xi32, #tpu.memory_space<vmem>>, vector<16xi32>,
        %gather3A_180 = tpu.vector_load_idx %arg5[%get3A_179] : memref<100000xf32, #tpu.memory_space<vmem>>[vector<16xi32>], vector<16xf32>,
        %add3A_181 = arith.constant 0 : i32
        %add3A_182 = arith.addi %add3A_181, %add3A_175 : i32
        %swap3A_183 = arith.index_cast %add3A_182 : i32 to index
        %swap3A_184 = tpu.vector_load %arg7[%swap3A_183] {strides = array<i32>} : memref<8192xf32, #tpu.memory_space<vmem>>, vector<16xf32>,
        tpu.vector_store %arg7[%swap3A_183], %gather3A_180 {strides = array<i32>} : memref<8192xf32, #tpu.memory_space<vmem>>, vector<16xf32>,
        %mul3A_185 = arith.constant 16 : i32
        %mul3A_186 = arith.muli %scan3A_157, %mul3A_185 : i32
        %mul3A_187 = arith.constant 16 : i32
        %mul3A_188 = arith.muli %mul3A_186, %mul3A_187 : i32
        %add3A_189 = arith.constant 32 : i32
        %add3A_190 = arith.addi %mul3A_188, %add3A_189 : i32
        %add3A_191 = arith.constant 8192 : i32
        %add3A_192 = arith.addi %add3A_191, %add3A_190 : i32
        %get3A_193 = arith.index_cast %add3A_192 : i32 to index
        %get3A_194 = tpu.vector_load %arg6[%get3A_193] {strides = array<i32>} : memref<16384xi32, #tpu.memory_space<vmem>>, vector<16xi32>,
        %gather3A_195 = tpu.vector_load_idx %arg5[%get3A_194] : memref<100000xf32, #tpu.memory_space<vmem>>[vector<16xi32>], vector<16xf32>,
        %add3A_196 = arith.constant 0 : i32
        %add3A_197 = arith.addi %add3A_196, %add3A_190 : i32
        %swap3A_198 = arith.index_cast %add3A_197 : i32 to index
        %swap3A_199 = tpu.vector_load %arg7[%swap3A_198] {strides = array<i32>} : memref<8192xf32, #tpu.memory_space<vmem>>, vector<16xf32>,
        tpu.vector_store %arg7[%swap3A_198], %gather3A_195 {strides = array<i32>} : memref<8192xf32, #tpu.memory_space<vmem>>, vector<16xf32>,
        %mul3A_200 = arith.constant 16 : i32
        %mul3A_201 = arith.muli %scan3A_157, %mul3A_200 : i32
        %mul3A_202 = arith.constant 16 : i32
        %mul3A_203 = arith.muli %mul3A_201, %mul3A_202 : i32
        %add3A_204 = arith.constant 48 : i32
        %add3A_205 = arith.addi %mul3A_203, %add3A_204 : i32
        %add3A_206 = arith.constant 8192 : i32
        %add3A_207 = arith.addi %add3A_206, %add3A_205 : i32
        %get3A_208 = arith.index_cast %add3A_207 : i32 to index
        %get3A_209 = tpu.vector_load %arg6[%get3A_208] {strides = array<i32>} : memref<16384xi32, #tpu.memory_space<vmem>>, vector<16xi32>,
        %gather3A_210 = tpu.vector_load_idx %arg5[%get3A_209] : memref<100000xf32, #tpu.memory_space<vmem>>[vector<16xi32>], vector<16xf32>,
        %add3A_211 = arith.constant 0 : i32
        %add3A_212 = arith.addi %add3A_211, %add3A_205 : i32
        %swap3A_213 = arith.index_cast %add3A_212 : i32 to index
        %swap3A_214 = tpu.vector_load %arg7[%swap3A_213] {strides = array<i32>} : memref<8192xf32, #tpu.memory_space<vmem>>, vector<16xf32>,
        tpu.vector_store %arg7[%swap3A_213], %gather3A_210 {strides = array<i32>} : memref<8192xf32, #tpu.memory_space<vmem>>, vector<16xf32>,
        %mul3A_215 = arith.constant 16 : i32
        %mul3A_216 = arith.muli %scan3A_157, %mul3A_215 : i32
        %mul3A_217 = arith.constant 16 : i32
        %mul3A_218 = arith.muli %mul3A_216, %mul3A_217 : i32
        %add3A_219 = arith.constant 64 : i32
        %add3A_220 = arith.addi %mul3A_218, %add3A_219 : i32
        %add3A_221 = arith.constant 8192 : i32
        %add3A_222 = arith.addi %add3A_221, %add3A_220 : i32
        %get3A_223 = arith.index_cast %add3A_222 : i32 to index
        %get3A_224 = tpu.vector_load %arg6[%get3A_223] {strides = array<i32>} : memref<16384xi32, #tpu.memory_space<vmem>>, vector<16xi32>,
        %gather3A_225 = tpu.vector_load_idx %arg5[%get3A_224] : memref<100000xf32, #tpu.memory_space<vmem>>[vector<16xi32>], vector<16xf32>,
        %add3A_226 = arith.constant 0 : i32
        %add3A_227 = arith.addi %add3A_226, %add3A_220 : i32
        %swap3A_228 = arith.index_cast %add3A_227 : i32 to index
        %swap3A_229 = tpu.vector_load %arg7[%swap3A_228] {strides = array<i32>} : memref<8192xf32, #tpu.memory_space<vmem>>, vector<16xf32>,
        tpu.vector_store %arg7[%swap3A_228], %gather3A_225 {strides = array<i32>} : memref<8192xf32, #tpu.memory_space<vmem>>, vector<16xf32>,
        %mul3A_230 = arith.constant 16 : i32
        %mul3A_231 = arith.muli %scan3A_157, %mul3A_230 : i32
        %mul3A_232 = arith.constant 16 : i32
        %mul3A_233 = arith.muli %mul3A_231, %mul3A_232 : i32
        %add3A_234 = arith.constant 80 : i32
        %add3A_235 = arith.addi %mul3A_233, %add3A_234 : i32
        %add3A_236 = arith.constant 8192 : i32
        %add3A_237 = arith.addi %add3A_236, %add3A_235 : i32
        %get3A_238 = arith.index_cast %add3A_237 : i32 to index
        %get3A_239 = tpu.vector_load %arg6[%get3A_238] {strides = array<i32>} : memref<16384xi32, #tpu.memory_space<vmem>>, vector<16xi32>,
        %gather3A_240 = tpu.vector_load_idx %arg5[%get3A_239] : memref<100000xf32, #tpu.memory_space<vmem>>[vector<16xi32>], vector<16xf32>,
        %add3A_241 = arith.constant 0 : i32
        %add3A_242 = arith.addi %add3A_241, %add3A_235 : i32
        %swap3A_243 = arith.index_cast %add3A_242 : i32 to index
        %swap3A_244 = tpu.vector_load %arg7[%swap3A_243] {strides = array<i32>} : memref<8192xf32, #tpu.memory_space<vmem>>, vector<16xf32>,
        tpu.vector_store %arg7[%swap3A_243], %gather3A_240 {strides = array<i32>} : memref<8192xf32, #tpu.memory_space<vmem>>, vector<16xf32>,
        %mul3A_245 = arith.constant 16 : i32
        %mul3A_246 = arith.muli %scan3A_157, %mul3A_245 : i32
        %mul3A_247 = arith.constant 16 : i32
        %mul3A_248 = arith.muli %mul3A_246, %mul3A_247 : i32
        %add3A_249 = arith.constant 96 : i32
        %add3A_250 = arith.addi %mul3A_248, %add3A_249 : i32
        %add3A_251 = arith.constant 8192 : i32
        %add3A_252 = arith.addi %add3A_251, %add3A_250 : i32
        %get3A_253 = arith.index_cast %add3A_252 : i32 to index
        %get3A_254 = tpu.vector_load %arg6[%get3A_253] {strides = array<i32>} : memref<16384xi32, #tpu.memory_space<vmem>>, vector<16xi32>,
        %gather3A_255 = tpu.vector_load_idx %arg5[%get3A_254] : memref<100000xf32, #tpu.memory_space<vmem>>[vector<16xi32>], vector<16xf32>,
        %add3A_256 = arith.constant 0 : i32
        %add3A_257 = arith.addi %add3A_256, %add3A_250 : i32
        %swap3A_258 = arith.index_cast %add3A_257 : i32 to index
        %swap3A_259 = tpu.vector_load %arg7[%swap3A_258] {strides = array<i32>} : memref<8192xf32, #tpu.memory_space<vmem>>, vector<16xf32>,
        tpu.vector_store %arg7[%swap3A_258], %gather3A_255 {strides = array<i32>} : memref<8192xf32, #tpu.memory_space<vmem>>, vector<16xf32>,
        %mul3A_260 = arith.constant 16 : i32
        %mul3A_261 = arith.muli %scan3A_157, %mul3A_260 : i32
        %mul3A_262 = arith.constant 16 : i32
        %mul3A_263 = arith.muli %mul3A_261, %mul3A_262 : i32
        %add3A_264 = arith.constant 112 : i32
        %add3A_265 = arith.addi %mul3A_263, %add3A_264 : i32
        %add3A_266 = arith.constant 8192 : i32
        %add3A_267 = arith.addi %add3A_266, %add3A_265 : i32
        %get3A_268 = arith.index_cast %add3A_267 : i32 to index
        %get3A_269 = tpu.vector_load %arg6[%get3A_268] {strides = array<i32>} : memref<16384xi32, #tpu.memory_space<vmem>>, vector<16xi32>,
        %gather3A_270 = tpu.vector_load_idx %arg5[%get3A_269] : memref<100000xf32, #tpu.memory_space<vmem>>[vector<16xi32>], vector<16xf32>,
        %add3A_271 = arith.constant 0 : i32
        %add3A_272 = arith.addi %add3A_271, %add3A_265 : i32
        %swap3A_273 = arith.index_cast %add3A_272 : i32 to index
        %swap3A_274 = tpu.vector_load %arg7[%swap3A_273] {strides = array<i32>} : memref<8192xf32, #tpu.memory_space<vmem>>, vector<16xf32>,
        tpu.vector_store %arg7[%swap3A_273], %gather3A_270 {strides = array<i32>} : memref<8192xf32, #tpu.memory_space<vmem>>, vector<16xf32>,
        %mul3A_275 = arith.constant 16 : i32
        %mul3A_276 = arith.muli %scan3A_157, %mul3A_275 : i32
        %mul3A_277 = arith.constant 16 : i32
        %mul3A_278 = arith.muli %mul3A_276, %mul3A_277 : i32
        %add3A_279 = arith.constant 128 : i32
        %add3A_280 = arith.addi %mul3A_278, %add3A_279 : i32
        %add3A_281 = arith.constant 8192 : i32
        %add3A_282 = arith.addi %add3A_281, %add3A_280 : i32
        %get3A_283 = arith.index_cast %add3A_282 : i32 to index
        %get3A_284 = tpu.vector_load %arg6[%get3A_283] {strides = array<i32>} : memref<16384xi32, #tpu.memory_space<vmem>>, vector<16xi32>,
        %gather3A_285 = tpu.vector_load_idx %arg5[%get3A_284] : memref<100000xf32, #tpu.memory_space<vmem>>[vector<16xi32>], vector<16xf32>,
        %add3A_286 = arith.constant 0 : i32
        %add3A_287 = arith.addi %add3A_286, %add3A_280 : i32
        %swap3A_288 = arith.index_cast %add3A_287 : i32 to index
        %swap3A_289 = tpu.vector_load %arg7[%swap3A_288] {strides = array<i32>} : memref<8192xf32, #tpu.memory_space<vmem>>, vector<16xf32>,
        tpu.vector_store %arg7[%swap3A_288], %gather3A_285 {strides = array<i32>} : memref<8192xf32, #tpu.memory_space<vmem>>, vector<16xf32>,
        %mul3A_290 = arith.constant 16 : i32
        %mul3A_291 = arith.muli %scan3A_157, %mul3A_290 : i32
        %mul3A_292 = arith.constant 16 : i32
        %mul3A_293 = arith.muli %mul3A_291, %mul3A_292 : i32
        %add3A_294 = arith.constant 144 : i32
        %add3A_295 = arith.addi %mul3A_293, %add3A_294 : i32
        %add3A_296 = arith.constant 8192 : i32
        %add3A_297 = arith.addi %add3A_296, %add3A_295 : i32
        %get3A_298 = arith.index_cast %add3A_297 : i32 to index
        %get3A_299 = tpu.vector_load %arg6[%get3A_298] {strides = array<i32>} : memref<16384xi32, #tpu.memory_space<vmem>>, vector<16xi32>,
        %gather3A_300 = tpu.vector_load_idx %arg5[%get3A_299] : memref<100000xf32, #tpu.memory_space<vmem>>[vector<16xi32>], vector<16xf32>,
        %add3A_301 = arith.constant 0 : i32
        %add3A_302 = arith.addi %add3A_301, %add3A_295 : i32
        %swap3A_303 = arith.index_cast %add3A_302 : i32 to index
        %swap3A_304 = tpu.vector_load %arg7[%swap3A_303] {strides = array<i32>} : memref<8192xf32, #tpu.memory_space<vmem>>, vector<16xf32>,
        tpu.vector_store %arg7[%swap3A_303], %gather3A_300 {strides = array<i32>} : memref<8192xf32, #tpu.memory_space<vmem>>, vector<16xf32>,
        %mul3A_305 = arith.constant 16 : i32
        %mul3A_306 = arith.muli %scan3A_157, %mul3A_305 : i32
        %mul3A_307 = arith.constant 16 : i32
        %mul3A_308 = arith.muli %mul3A_306, %mul3A_307 : i32
        %add3A_309 = arith.constant 160 : i32
        %add3A_310 = arith.addi %mul3A_308, %add3A_309 : i32
        %add3A_311 = arith.constant 8192 : i32
        %add3A_312 = arith.addi %add3A_311, %add3A_310 : i32
        %get3A_313 = arith.index_cast %add3A_312 : i32 to index
        %get3A_314 = tpu.vector_load %arg6[%get3A_313] {strides = array<i32>} : memref<16384xi32, #tpu.memory_space<vmem>>, vector<16xi32>,
        %gather3A_315 = tpu.vector_load_idx %arg5[%get3A_314] : memref<100000xf32, #tpu.memory_space<vmem>>[vector<16xi32>], vector<16xf32>,
        %add3A_316 = arith.constant 0 : i32
        %add3A_317 = arith.addi %add3A_316, %add3A_310 : i32
        %swap3A_318 = arith.index_cast %add3A_317 : i32 to index
        %swap3A_319 = tpu.vector_load %arg7[%swap3A_318] {strides = array<i32>} : memref<8192xf32, #tpu.memory_space<vmem>>, vector<16xf32>,
        tpu.vector_store %arg7[%swap3A_318], %gather3A_315 {strides = array<i32>} : memref<8192xf32, #tpu.memory_space<vmem>>, vector<16xf32>,
        %mul3A_320 = arith.constant 16 : i32
        %mul3A_321 = arith.muli %scan3A_157, %mul3A_320 : i32
        %mul3A_322 = arith.constant 16 : i32
        %mul3A_323 = arith.muli %mul3A_321, %mul3A_322 : i32
        %add3A_324 = arith.constant 176 : i32
        %add3A_325 = arith.addi %mul3A_323, %add3A_324 : i32
        %add3A_326 = arith.constant 8192 : i32
        %add3A_327 = arith.addi %add3A_326, %add3A_325 : i32
        %get3A_328 = arith.index_cast %add3A_327 : i32 to index
        %get3A_329 = tpu.vector_load %arg6[%get3A_328] {strides = array<i32>} : memref<16384xi32, #tpu.memory_space<vmem>>, vector<16xi32>,
        %gather3A_330 = tpu.vector_load_idx %arg5[%get3A_329] : memref<100000xf32, #tpu.memory_space<vmem>>[vector<16xi32>], vector<16xf32>,
        %add3A_331 = arith.constant 0 : i32
        %add3A_332 = arith.addi %add3A_331, %add3A_325 : i32
        %swap3A_333 = arith.index_cast %add3A_332 : i32 to index
        %swap3A_334 = tpu.vector_load %arg7[%swap3A_333] {strides = array<i32>} : memref<8192xf32, #tpu.memory_space<vmem>>, vector<16xf32>,
        tpu.vector_store %arg7[%swap3A_333], %gather3A_330 {strides = array<i32>} : memref<8192xf32, #tpu.memory_space<vmem>>, vector<16xf32>,
        %mul3A_335 = arith.constant 16 : i32
        %mul3A_336 = arith.muli %scan3A_157, %mul3A_335 : i32
        %mul3A_337 = arith.constant 16 : i32
        %mul3A_338 = arith.muli %mul3A_336, %mul3A_337 : i32
        %add3A_339 = arith.constant 192 : i32
        %add3A_340 = arith.addi %mul3A_338, %add3A_339 : i32
        %add3A_341 = arith.constant 8192 : i32
        %add3A_342 = arith.addi %add3A_341, %add3A_340 : i32
        %get3A_343 = arith.index_cast %add3A_342 : i32 to index
        %get3A_344 = tpu.vector_load %arg6[%get3A_343] {strides = array<i32>} : memref<16384xi32, #tpu.memory_space<vmem>>, vector<16xi32>,
        %gather3A_345 = tpu.vector_load_idx %arg5[%get3A_344] : memref<100000xf32, #tpu.memory_space<vmem>>[vector<16xi32>], vector<16xf32>,
        %add3A_346 = arith.constant 0 : i32
        %add3A_347 = arith.addi %add3A_346, %add3A_340 : i32
        %swap3A_348 = arith.index_cast %add3A_347 : i32 to index
        %swap3A_349 = tpu.vector_load %arg7[%swap3A_348] {strides = array<i32>} : memref<8192xf32, #tpu.memory_space<vmem>>, vector<16xf32>,
        tpu.vector_store %arg7[%swap3A_348], %gather3A_345 {strides = array<i32>} : memref<8192xf32, #tpu.memory_space<vmem>>, vector<16xf32>,
        %mul3A_350 = arith.constant 16 : i32
        %mul3A_351 = arith.muli %scan3A_157, %mul3A_350 : i32
        %mul3A_352 = arith.constant 16 : i32
        %mul3A_353 = arith.muli %mul3A_351, %mul3A_352 : i32
        %add3A_354 = arith.constant 208 : i32
        %add3A_355 = arith.addi %mul3A_353, %add3A_354 : i32
        %add3A_356 = arith.constant 8192 : i32
        %add3A_357 = arith.addi %add3A_356, %add3A_355 : i32
        %get3A_358 = arith.index_cast %add3A_357 : i32 to index
        %get3A_359 = tpu.vector_load %arg6[%get3A_358] {strides = array<i32>} : memref<16384xi32, #tpu.memory_space<vmem>>, vector<16xi32>,
        %gather3A_360 = tpu.vector_load_idx %arg5[%get3A_359] : memref<100000xf32, #tpu.memory_space<vmem>>[vector<16xi32>], vector<16xf32>,
        %add3A_361 = arith.constant 0 : i32
        %add3A_362 = arith.addi %add3A_361, %add3A_355 : i32
        %swap3A_363 = arith.index_cast %add3A_362 : i32 to index
        %swap3A_364 = tpu.vector_load %arg7[%swap3A_363] {strides = array<i32>} : memref<8192xf32, #tpu.memory_space<vmem>>, vector<16xf32>,
        tpu.vector_store %arg7[%swap3A_363], %gather3A_360 {strides = array<i32>} : memref<8192xf32, #tpu.memory_space<vmem>>, vector<16xf32>,
        %mul3A_365 = arith.constant 16 : i32
        %mul3A_366 = arith.muli %scan3A_157, %mul3A_365 : i32
        %mul3A_367 = arith.constant 16 : i32
        %mul3A_368 = arith.muli %mul3A_366, %mul3A_367 : i32
        %add3A_369 = arith.constant 224 : i32
        %add3A_370 = arith.addi %mul3A_368, %add3A_369 : i32
        %add3A_371 = arith.constant 8192 : i32
        %add3A_372 = arith.addi %add3A_371, %add3A_370 : i32
        %get3A_373 = arith.index_cast %add3A_372 : i32 to index
        %get3A_374 = tpu.vector_load %arg6[%get3A_373] {strides = array<i32>} : memref<16384xi32, #tpu.memory_space<vmem>>, vector<16xi32>,
        %gather3A_375 = tpu.vector_load_idx %arg5[%get3A_374] : memref<100000xf32, #tpu.memory_space<vmem>>[vector<16xi32>], vector<16xf32>,
        %add3A_376 = arith.constant 0 : i32
        %add3A_377 = arith.addi %add3A_376, %add3A_370 : i32
        %swap3A_378 = arith.index_cast %add3A_377 : i32 to index
        %swap3A_379 = tpu.vector_load %arg7[%swap3A_378] {strides = array<i32>} : memref<8192xf32, #tpu.memory_space<vmem>>, vector<16xf32>,
        tpu.vector_store %arg7[%swap3A_378], %gather3A_375 {strides = array<i32>} : memref<8192xf32, #tpu.memory_space<vmem>>, vector<16xf32>,
        %mul3A_380 = arith.constant 16 : i32
        %mul3A_381 = arith.muli %scan3A_157, %mul3A_380 : i32
        %mul3A_382 = arith.constant 16 : i32
        %mul3A_383 = arith.muli %mul3A_381, %mul3A_382 : i32
        %add3A_384 = arith.constant 240 : i32
        %add3A_385 = arith.addi %mul3A_383, %add3A_384 : i32
        %add3A_386 = arith.constant 8192 : i32
        %add3A_387 = arith.addi %add3A_386, %add3A_385 : i32
        %get3A_388 = arith.index_cast %add3A_387 : i32 to index
        %get3A_389 = tpu.vector_load %arg6[%get3A_388] {strides = array<i32>} : memref<16384xi32, #tpu.memory_space<vmem>>, vector<16xi32>,
        %gather3A_390 = tpu.vector_load_idx %arg5[%get3A_389] : memref<100000xf32, #tpu.memory_space<vmem>>[vector<16xi32>], vector<16xf32>,
        %add3A_391 = arith.constant 0 : i32
        %add3A_392 = arith.addi %add3A_391, %add3A_385 : i32
        %swap3A_393 = arith.index_cast %add3A_392 : i32 to index
        %swap3A_394 = tpu.vector_load %arg7[%swap3A_393] {strides = array<i32>} : memref<8192xf32, #tpu.memory_space<vmem>>, vector<16xf32>,
        tpu.vector_store %arg7[%swap3A_393], %gather3A_390 {strides = array<i32>} : memref<8192xf32, #tpu.memory_space<vmem>>, vector<16xf32>,
      }
      %scan3A_114 = arith.constant 16 : i32
      %add3A_115 = arith.constant 13 : i32
      %add3A_116 = arith.addi %add3A_115, %add3A_47 : i32
      %dma_start3A_117 = arith.constant 0 : i32
      %dma_start3A_118 = arith.constant 0 : i32
      %dma_start3A_119 = tpu.memref_slice %arg7[%dma_start3A_118] : memref<8192xf32, #tpu.memory_space<vmem>> -> memref<4096xf32, #tpu.memory_space<vmem>>
      %dma_start3A_120 = arith.constant 8192 : i32
      %dma_start3A_121 = tpu.memref_slice %arg4[%add3A_116, %dma_start3A_120] : memref<845x16384xf32, #tpu.memory_space<hbm>> -> memref<1x4096xf32, #tpu.memory_space<hbm>>
      %dma_start3A_122 = tpu.memref_squeeze %dma_start3A_121 : memref<1x4096xf32, #tpu.memory_space<hbm>> -> memref<4096xf32, #tpu.memory_space<hbm>>
      %dma_start3A_123 = tpu.memref_slice %arg8[%dma_start3A_117] : memref<2x!tpu.dma_semaphore, #tpu.memory_space<semaphore_mem>> -> memref<1x!tpu.dma_semaphore, #tpu.memory_space<semaphore_mem>>
      %dma_start3A_124 = tpu.memref_squeeze %dma_start3A_123 : memref<1x!tpu.dma_semaphore, #tpu.memory_space<semaphore_mem>> -> memref<!tpu.dma_semaphore, #tpu.memory_space<semaphore_mem>>
      %dma_start3A_125 = arith.constant 8192 : i32
      %dma_start3A_126 = tpu.memref_slice %arg4[%add3A_116, %dma_start3A_125] : memref<845x16384xf32, #tpu.memory_space<hbm>> -> memref<1x4096xf32, #tpu.memory_space<hbm>>
      %dma_start3A_127 = tpu.memref_squeeze %dma_start3A_126 : memref<1x4096xf32, #tpu.memory_space<hbm>> -> memref<4096xf32, #tpu.memory_space<hbm>>
      %dma_start3A_128 = arith.constant 0 : i32
      %dma_start3A_129 = tpu.memref_slice %arg7[%dma_start3A_128] : memref<8192xf32, #tpu.memory_space<vmem>> -> memref<4096xf32, #tpu.memory_space<vmem>>
      tpu.enqueue_dma source(%dma_start3A_129 : memref<4096xf32, #tpu.memory_space<vmem>>) target(%dma_start3A_127 : memref<4096xf32, #tpu.memory_space<hbm>>) target_semaphore(%dma_start3A_124 : memref<!tpu.dma_semaphore, #tpu.memory_space<semaphore_mem>>)
      %gt3A_130 = arith.constant 0 : i32
      %gt3A_131 = arith.cmpi sgt, %scan3A_43, %gt3A_130 : i32
      %or3A_132 = arith.constant true
      %or3A_133 = arith.ori %gt3A_131, %or3A_132 : i1
      %convert_element_type3A_134 = arith.extui %or3A_133 : i1 to i32
      %cond3A_135 = arith.constant 0 : i32
      %cond3A_136 = arith.cmpi ne, %convert_element_type3A_134, %cond3A_135 : i32
      scf.if %cond3A_136 {
        %add3A_157 = arith.constant 13 : i32
        %add3A_158 = arith.addi %add3A_157, %add3A_47 : i32
        %dma_wait3A_159 = arith.constant 1 : i32
        %dma_wait3A_160 = arith.constant 4096 : i32
        %dma_wait3A_161 = tpu.memref_slice %arg7[%dma_wait3A_160] : memref<8192xf32, #tpu.memory_space<vmem>> -> memref<4096xf32, #tpu.memory_space<vmem>>
        %dma_wait3A_162 = arith.constant 12288 : i32
        %dma_wait3A_163 = tpu.memref_slice %arg4[%add3A_158, %dma_wait3A_162] : memref<845x16384xf32, #tpu.memory_space<hbm>> -> memref<1x4096xf32, #tpu.memory_space<hbm>>
        %dma_wait3A_164 = tpu.memref_squeeze %dma_wait3A_163 : memref<1x4096xf32, #tpu.memory_space<hbm>> -> memref<4096xf32, #tpu.memory_space<hbm>>
        %dma_wait3A_165 = tpu.memref_slice %arg8[%dma_wait3A_159] : memref<2x!tpu.dma_semaphore, #tpu.memory_space<semaphore_mem>> -> memref<1x!tpu.dma_semaphore, #tpu.memory_space<semaphore_mem>>
        %dma_wait3A_166 = tpu.memref_squeeze %dma_wait3A_165 : memref<1x!tpu.dma_semaphore, #tpu.memory_space<semaphore_mem>> -> memref<!tpu.dma_semaphore, #tpu.memory_space<semaphore_mem>>
        %dma_wait3A_167 = arith.constant 12288 : i32
        %dma_wait3A_168 = tpu.memref_slice %arg4[%add3A_158, %dma_wait3A_167] : memref<845x16384xf32, #tpu.memory_space<hbm>> -> memref<1x4096xf32, #tpu.memory_space<hbm>>
        %dma_wait3A_169 = tpu.memref_squeeze %dma_wait3A_168 : memref<1x4096xf32, #tpu.memory_space<hbm>> -> memref<4096xf32, #tpu.memory_space<hbm>>
        %dma_wait3A_170 = arith.constant 4096 : i32
        %dma_wait3A_171 = tpu.memref_slice %arg7[%dma_wait3A_170] : memref<8192xf32, #tpu.memory_space<vmem>> -> memref<4096xf32, #tpu.memory_space<vmem>>
        tpu.wait_dma2 semaphore(%dma_wait3A_166 : memref<!tpu.dma_semaphore, #tpu.memory_space<semaphore_mem>>) src(%dma_wait3A_171 : memref<4096xf32, #tpu.memory_space<vmem>>) dst(%dma_wait3A_169 : memref<4096xf32, #tpu.memory_space<hbm>>)
      } else {
      }
      %scan3A_137 = arith.constant 0 : i32
      %scan3A_138 = arith.constant 16 : i32
      %scan3A_139 = arith.addi %scan3A_137, %scan3A_138 : i32
      %scan3A_140 = arith.constant 1 : i32
      scf.for %scan3A_157 = %scan3A_137 to %scan3A_139 step %scan3A_140  : i32 {
        %mul3A_158 = arith.constant 16 : i32
        %mul3A_159 = arith.muli %scan3A_157, %mul3A_158 : i32
        %mul3A_160 = arith.constant 16 : i32
        %mul3A_161 = arith.muli %mul3A_159, %mul3A_160 : i32
        %add3A_162 = arith.constant 0 : i32
        %add3A_163 = arith.addi %mul3A_161, %add3A_162 : i32
        %add3A_164 = arith.constant 12288 : i32
        %add3A_165 = arith.addi %add3A_164, %add3A_163 : i32
        %get3A = arith.index_cast %add3A_165 : i32 to index
        %get3A_166 = tpu.vector_load %arg6[%get3A] {strides = array<i32>} : memref<16384xi32, #tpu.memory_space<vmem>>, vector<16xi32>,
        %gather3A = tpu.vector_load_idx %arg5[%get3A_166] : memref<100000xf32, #tpu.memory_space<vmem>>[vector<16xi32>], vector<16xf32>,
        %add3A_167 = arith.constant 4096 : i32
        %add3A_168 = arith.addi %add3A_167, %add3A_163 : i32
        %swap3A = arith.index_cast %add3A_168 : i32 to index
        %swap3A_169 = tpu.vector_load %arg7[%swap3A] {strides = array<i32>} : memref<8192xf32, #tpu.memory_space<vmem>>, vector<16xf32>,
        tpu.vector_store %arg7[%swap3A], %gather3A {strides = array<i32>} : memref<8192xf32, #tpu.memory_space<vmem>>, vector<16xf32>,
        %mul3A_170 = arith.constant 16 : i32
        %mul3A_171 = arith.muli %scan3A_157, %mul3A_170 : i32
        %mul3A_172 = arith.constant 16 : i32
        %mul3A_173 = arith.muli %mul3A_171, %mul3A_172 : i32
        %add3A_174 = arith.constant 16 : i32
        %add3A_175 = arith.addi %mul3A_173, %add3A_174 : i32
        %add3A_176 = arith.constant 12288 : i32
        %add3A_177 = arith.addi %add3A_176, %add3A_175 : i32
        %get3A_178 = arith.index_cast %add3A_177 : i32 to index
        %get3A_179 = tpu.vector_load %arg6[%get3A_178] {strides = array<i32>} : memref<16384xi32, #tpu.memory_space<vmem>>, vector<16xi32>,
        %gather3A_180 = tpu.vector_load_idx %arg5[%get3A_179] : memref<100000xf32, #tpu.memory_space<vmem>>[vector<16xi32>], vector<16xf32>,
        %add3A_181 = arith.constant 4096 : i32
        %add3A_182 = arith.addi %add3A_181, %add3A_175 : i32
        %swap3A_183 = arith.index_cast %add3A_182 : i32 to index
        %swap3A_184 = tpu.vector_load %arg7[%swap3A_183] {strides = array<i32>} : memref<8192xf32, #tpu.memory_space<vmem>>, vector<16xf32>,
        tpu.vector_store %arg7[%swap3A_183], %gather3A_180 {strides = array<i32>} : memref<8192xf32, #tpu.memory_space<vmem>>, vector<16xf32>,
        %mul3A_185 = arith.constant 16 : i32
        %mul3A_186 = arith.muli %scan3A_157, %mul3A_185 : i32
        %mul3A_187 = arith.constant 16 : i32
        %mul3A_188 = arith.muli %mul3A_186, %mul3A_187 : i32
        %add3A_189 = arith.constant 32 : i32
        %add3A_190 = arith.addi %mul3A_188, %add3A_189 : i32
        %add3A_191 = arith.constant 12288 : i32
        %add3A_192 = arith.addi %add3A_191, %add3A_190 : i32
        %get3A_193 = arith.index_cast %add3A_192 : i32 to index
        %get3A_194 = tpu.vector_load %arg6[%get3A_193] {strides = array<i32>} : memref<16384xi32, #tpu.memory_space<vmem>>, vector<16xi32>,
        %gather3A_195 = tpu.vector_load_idx %arg5[%get3A_194] : memref<100000xf32, #tpu.memory_space<vmem>>[vector<16xi32>], vector<16xf32>,
        %add3A_196 = arith.constant 4096 : i32
        %add3A_197 = arith.addi %add3A_196, %add3A_190 : i32
        %swap3A_198 = arith.index_cast %add3A_197 : i32 to index
        %swap3A_199 = tpu.vector_load %arg7[%swap3A_198] {strides = array<i32>} : memref<8192xf32, #tpu.memory_space<vmem>>, vector<16xf32>,
        tpu.vector_store %arg7[%swap3A_198], %gather3A_195 {strides = array<i32>} : memref<8192xf32, #tpu.memory_space<vmem>>, vector<16xf32>,
        %mul3A_200 = arith.constant 16 : i32
        %mul3A_201 = arith.muli %scan3A_157, %mul3A_200 : i32
        %mul3A_202 = arith.constant 16 : i32
        %mul3A_203 = arith.muli %mul3A_201, %mul3A_202 : i32
        %add3A_204 = arith.constant 48 : i32
        %add3A_205 = arith.addi %mul3A_203, %add3A_204 : i32
        %add3A_206 = arith.constant 12288 : i32
        %add3A_207 = arith.addi %add3A_206, %add3A_205 : i32
        %get3A_208 = arith.index_cast %add3A_207 : i32 to index
        %get3A_209 = tpu.vector_load %arg6[%get3A_208] {strides = array<i32>} : memref<16384xi32, #tpu.memory_space<vmem>>, vector<16xi32>,
        %gather3A_210 = tpu.vector_load_idx %arg5[%get3A_209] : memref<100000xf32, #tpu.memory_space<vmem>>[vector<16xi32>], vector<16xf32>,
        %add3A_211 = arith.constant 4096 : i32
        %add3A_212 = arith.addi %add3A_211, %add3A_205 : i32
        %swap3A_213 = arith.index_cast %add3A_212 : i32 to index
        %swap3A_214 = tpu.vector_load %arg7[%swap3A_213] {strides = array<i32>} : memref<8192xf32, #tpu.memory_space<vmem>>, vector<16xf32>,
        tpu.vector_store %arg7[%swap3A_213], %gather3A_210 {strides = array<i32>} : memref<8192xf32, #tpu.memory_space<vmem>>, vector<16xf32>,
        %mul3A_215 = arith.constant 16 : i32
        %mul3A_216 = arith.muli %scan3A_157, %mul3A_215 : i32
        %mul3A_217 = arith.constant 16 : i32
        %mul3A_218 = arith.muli %mul3A_216, %mul3A_217 : i32
        %add3A_219 = arith.constant 64 : i32
        %add3A_220 = arith.addi %mul3A_218, %add3A_219 : i32
        %add3A_221 = arith.constant 12288 : i32
        %add3A_222 = arith.addi %add3A_221, %add3A_220 : i32
        %get3A_223 = arith.index_cast %add3A_222 : i32 to index
        %get3A_224 = tpu.vector_load %arg6[%get3A_223] {strides = array<i32>} : memref<16384xi32, #tpu.memory_space<vmem>>, vector<16xi32>,
        %gather3A_225 = tpu.vector_load_idx %arg5[%get3A_224] : memref<100000xf32, #tpu.memory_space<vmem>>[vector<16xi32>], vector<16xf32>,
        %add3A_226 = arith.constant 4096 : i32
        %add3A_227 = arith.addi %add3A_226, %add3A_220 : i32
        %swap3A_228 = arith.index_cast %add3A_227 : i32 to index
        %swap3A_229 = tpu.vector_load %arg7[%swap3A_228] {strides = array<i32>} : memref<8192xf32, #tpu.memory_space<vmem>>, vector<16xf32>,
        tpu.vector_store %arg7[%swap3A_228], %gather3A_225 {strides = array<i32>} : memref<8192xf32, #tpu.memory_space<vmem>>, vector<16xf32>,
        %mul3A_230 = arith.constant 16 : i32
        %mul3A_231 = arith.muli %scan3A_157, %mul3A_230 : i32
        %mul3A_232 = arith.constant 16 : i32
        %mul3A_233 = arith.muli %mul3A_231, %mul3A_232 : i32
        %add3A_234 = arith.constant 80 : i32
        %add3A_235 = arith.addi %mul3A_233, %add3A_234 : i32
        %add3A_236 = arith.constant 12288 : i32
        %add3A_237 = arith.addi %add3A_236, %add3A_235 : i32
        %get3A_238 = arith.index_cast %add3A_237 : i32 to index
        %get3A_239 = tpu.vector_load %arg6[%get3A_238] {strides = array<i32>} : memref<16384xi32, #tpu.memory_space<vmem>>, vector<16xi32>,
        %gather3A_240 = tpu.vector_load_idx %arg5[%get3A_239] : memref<100000xf32, #tpu.memory_space<vmem>>[vector<16xi32>], vector<16xf32>,
        %add3A_241 = arith.constant 4096 : i32
        %add3A_242 = arith.addi %add3A_241, %add3A_235 : i32
        %swap3A_243 = arith.index_cast %add3A_242 : i32 to index
        %swap3A_244 = tpu.vector_load %arg7[%swap3A_243] {strides = array<i32>} : memref<8192xf32, #tpu.memory_space<vmem>>, vector<16xf32>,
        tpu.vector_store %arg7[%swap3A_243], %gather3A_240 {strides = array<i32>} : memref<8192xf32, #tpu.memory_space<vmem>>, vector<16xf32>,
        %mul3A_245 = arith.constant 16 : i32
        %mul3A_246 = arith.muli %scan3A_157, %mul3A_245 : i32
        %mul3A_247 = arith.constant 16 : i32
        %mul3A_248 = arith.muli %mul3A_246, %mul3A_247 : i32
        %add3A_249 = arith.constant 96 : i32
        %add3A_250 = arith.addi %mul3A_248, %add3A_249 : i32
        %add3A_251 = arith.constant 12288 : i32
        %add3A_252 = arith.addi %add3A_251, %add3A_250 : i32
        %get3A_253 = arith.index_cast %add3A_252 : i32 to index
        %get3A_254 = tpu.vector_load %arg6[%get3A_253] {strides = array<i32>} : memref<16384xi32, #tpu.memory_space<vmem>>, vector<16xi32>,
        %gather3A_255 = tpu.vector_load_idx %arg5[%get3A_254] : memref<100000xf32, #tpu.memory_space<vmem>>[vector<16xi32>], vector<16xf32>,
        %add3A_256 = arith.constant 4096 : i32
        %add3A_257 = arith.addi %add3A_256, %add3A_250 : i32
        %swap3A_258 = arith.index_cast %add3A_257 : i32 to index
        %swap3A_259 = tpu.vector_load %arg7[%swap3A_258] {strides = array<i32>} : memref<8192xf32, #tpu.memory_space<vmem>>, vector<16xf32>,
        tpu.vector_store %arg7[%swap3A_258], %gather3A_255 {strides = array<i32>} : memref<8192xf32, #tpu.memory_space<vmem>>, vector<16xf32>,
        %mul3A_260 = arith.constant 16 : i32
        %mul3A_261 = arith.muli %scan3A_157, %mul3A_260 : i32
        %mul3A_262 = arith.constant 16 : i32
        %mul3A_263 = arith.muli %mul3A_261, %mul3A_262 : i32
        %add3A_264 = arith.constant 112 : i32
        %add3A_265 = arith.addi %mul3A_263, %add3A_264 : i32
        %add3A_266 = arith.constant 12288 : i32
        %add3A_267 = arith.addi %add3A_266, %add3A_265 : i32
        %get3A_268 = arith.index_cast %add3A_267 : i32 to index
        %get3A_269 = tpu.vector_load %arg6[%get3A_268] {strides = array<i32>} : memref<16384xi32, #tpu.memory_space<vmem>>, vector<16xi32>,
        %gather3A_270 = tpu.vector_load_idx %arg5[%get3A_269] : memref<100000xf32, #tpu.memory_space<vmem>>[vector<16xi32>], vector<16xf32>,
        %add3A_271 = arith.constant 4096 : i32
        %add3A_272 = arith.addi %add3A_271, %add3A_265 : i32
        %swap3A_273 = arith.index_cast %add3A_272 : i32 to index
        %swap3A_274 = tpu.vector_load %arg7[%swap3A_273] {strides = array<i32>} : memref<8192xf32, #tpu.memory_space<vmem>>, vector<16xf32>,
        tpu.vector_store %arg7[%swap3A_273], %gather3A_270 {strides = array<i32>} : memref<8192xf32, #tpu.memory_space<vmem>>, vector<16xf32>,
        %mul3A_275 = arith.constant 16 : i32
        %mul3A_276 = arith.muli %scan3A_157, %mul3A_275 : i32
        %mul3A_277 = arith.constant 16 : i32
        %mul3A_278 = arith.muli %mul3A_276, %mul3A_277 : i32
        %add3A_279 = arith.constant 128 : i32
        %add3A_280 = arith.addi %mul3A_278, %add3A_279 : i32
        %add3A_281 = arith.constant 12288 : i32
        %add3A_282 = arith.addi %add3A_281, %add3A_280 : i32
        %get3A_283 = arith.index_cast %add3A_282 : i32 to index
        %get3A_284 = tpu.vector_load %arg6[%get3A_283] {strides = array<i32>} : memref<16384xi32, #tpu.memory_space<vmem>>, vector<16xi32>,
        %gather3A_285 = tpu.vector_load_idx %arg5[%get3A_284] : memref<100000xf32, #tpu.memory_space<vmem>>[vector<16xi32>], vector<16xf32>,
        %add3A_286 = arith.constant 4096 : i32
        %add3A_287 = arith.addi %add3A_286, %add3A_280 : i32
        %swap3A_288 = arith.index_cast %add3A_287 : i32 to index
        %swap3A_289 = tpu.vector_load %arg7[%swap3A_288] {strides = array<i32>} : memref<8192xf32, #tpu.memory_space<vmem>>, vector<16xf32>,
        tpu.vector_store %arg7[%swap3A_288], %gather3A_285 {strides = array<i32>} : memref<8192xf32, #tpu.memory_space<vmem>>, vector<16xf32>,
        %mul3A_290 = arith.constant 16 : i32
        %mul3A_291 = arith.muli %scan3A_157, %mul3A_290 : i32
        %mul3A_292 = arith.constant 16 : i32
        %mul3A_293 = arith.muli %mul3A_291, %mul3A_292 : i32
        %add3A_294 = arith.constant 144 : i32
        %add3A_295 = arith.addi %mul3A_293, %add3A_294 : i32
        %add3A_296 = arith.constant 12288 : i32
        %add3A_297 = arith.addi %add3A_296, %add3A_295 : i32
        %get3A_298 = arith.index_cast %add3A_297 : i32 to index
        %get3A_299 = tpu.vector_load %arg6[%get3A_298] {strides = array<i32>} : memref<16384xi32, #tpu.memory_space<vmem>>, vector<16xi32>,
        %gather3A_300 = tpu.vector_load_idx %arg5[%get3A_299] : memref<100000xf32, #tpu.memory_space<vmem>>[vector<16xi32>], vector<16xf32>,
        %add3A_301 = arith.constant 4096 : i32
        %add3A_302 = arith.addi %add3A_301, %add3A_295 : i32
        %swap3A_303 = arith.index_cast %add3A_302 : i32 to index
        %swap3A_304 = tpu.vector_load %arg7[%swap3A_303] {strides = array<i32>} : memref<8192xf32, #tpu.memory_space<vmem>>, vector<16xf32>,
        tpu.vector_store %arg7[%swap3A_303], %gather3A_300 {strides = array<i32>} : memref<8192xf32, #tpu.memory_space<vmem>>, vector<16xf32>,
        %mul3A_305 = arith.constant 16 : i32
        %mul3A_306 = arith.muli %scan3A_157, %mul3A_305 : i32
        %mul3A_307 = arith.constant 16 : i32
        %mul3A_308 = arith.muli %mul3A_306, %mul3A_307 : i32
        %add3A_309 = arith.constant 160 : i32
        %add3A_310 = arith.addi %mul3A_308, %add3A_309 : i32
        %add3A_311 = arith.constant 12288 : i32
        %add3A_312 = arith.addi %add3A_311, %add3A_310 : i32
        %get3A_313 = arith.index_cast %add3A_312 : i32 to index
        %get3A_314 = tpu.vector_load %arg6[%get3A_313] {strides = array<i32>} : memref<16384xi32, #tpu.memory_space<vmem>>, vector<16xi32>,
        %gather3A_315 = tpu.vector_load_idx %arg5[%get3A_314] : memref<100000xf32, #tpu.memory_space<vmem>>[vector<16xi32>], vector<16xf32>,
        %add3A_316 = arith.constant 4096 : i32
        %add3A_317 = arith.addi %add3A_316, %add3A_310 : i32
        %swap3A_318 = arith.index_cast %add3A_317 : i32 to index
        %swap3A_319 = tpu.vector_load %arg7[%swap3A_318] {strides = array<i32>} : memref<8192xf32, #tpu.memory_space<vmem>>, vector<16xf32>,
        tpu.vector_store %arg7[%swap3A_318], %gather3A_315 {strides = array<i32>} : memref<8192xf32, #tpu.memory_space<vmem>>, vector<16xf32>,
        %mul3A_320 = arith.constant 16 : i32
        %mul3A_321 = arith.muli %scan3A_157, %mul3A_320 : i32
        %mul3A_322 = arith.constant 16 : i32
        %mul3A_323 = arith.muli %mul3A_321, %mul3A_322 : i32
        %add3A_324 = arith.constant 176 : i32
        %add3A_325 = arith.addi %mul3A_323, %add3A_324 : i32
        %add3A_326 = arith.constant 12288 : i32
        %add3A_327 = arith.addi %add3A_326, %add3A_325 : i32
        %get3A_328 = arith.index_cast %add3A_327 : i32 to index
        %get3A_329 = tpu.vector_load %arg6[%get3A_328] {strides = array<i32>} : memref<16384xi32, #tpu.memory_space<vmem>>, vector<16xi32>,
        %gather3A_330 = tpu.vector_load_idx %arg5[%get3A_329] : memref<100000xf32, #tpu.memory_space<vmem>>[vector<16xi32>], vector<16xf32>,
        %add3A_331 = arith.constant 4096 : i32
        %add3A_332 = arith.addi %add3A_331, %add3A_325 : i32
        %swap3A_333 = arith.index_cast %add3A_332 : i32 to index
        %swap3A_334 = tpu.vector_load %arg7[%swap3A_333] {strides = array<i32>} : memref<8192xf32, #tpu.memory_space<vmem>>, vector<16xf32>,
        tpu.vector_store %arg7[%swap3A_333], %gather3A_330 {strides = array<i32>} : memref<8192xf32, #tpu.memory_space<vmem>>, vector<16xf32>,
        %mul3A_335 = arith.constant 16 : i32
        %mul3A_336 = arith.muli %scan3A_157, %mul3A_335 : i32
        %mul3A_337 = arith.constant 16 : i32
        %mul3A_338 = arith.muli %mul3A_336, %mul3A_337 : i32
        %add3A_339 = arith.constant 192 : i32
        %add3A_340 = arith.addi %mul3A_338, %add3A_339 : i32
        %add3A_341 = arith.constant 12288 : i32
        %add3A_342 = arith.addi %add3A_341, %add3A_340 : i32
        %get3A_343 = arith.index_cast %add3A_342 : i32 to index
        %get3A_344 = tpu.vector_load %arg6[%get3A_343] {strides = array<i32>} : memref<16384xi32, #tpu.memory_space<vmem>>, vector<16xi32>,
        %gather3A_345 = tpu.vector_load_idx %arg5[%get3A_344] : memref<100000xf32, #tpu.memory_space<vmem>>[vector<16xi32>], vector<16xf32>,
        %add3A_346 = arith.constant 4096 : i32
        %add3A_347 = arith.addi %add3A_346, %add3A_340 : i32
        %swap3A_348 = arith.index_cast %add3A_347 : i32 to index
        %swap3A_349 = tpu.vector_load %arg7[%swap3A_348] {strides = array<i32>} : memref<8192xf32, #tpu.memory_space<vmem>>, vector<16xf32>,
        tpu.vector_store %arg7[%swap3A_348], %gather3A_345 {strides = array<i32>} : memref<8192xf32, #tpu.memory_space<vmem>>, vector<16xf32>,
        %mul3A_350 = arith.constant 16 : i32
        %mul3A_351 = arith.muli %scan3A_157, %mul3A_350 : i32
        %mul3A_352 = arith.constant 16 : i32
        %mul3A_353 = arith.muli %mul3A_351, %mul3A_352 : i32
        %add3A_354 = arith.constant 208 : i32
        %add3A_355 = arith.addi %mul3A_353, %add3A_354 : i32
        %add3A_356 = arith.constant 12288 : i32
        %add3A_357 = arith.addi %add3A_356, %add3A_355 : i32
        %get3A_358 = arith.index_cast %add3A_357 : i32 to index
        %get3A_359 = tpu.vector_load %arg6[%get3A_358] {strides = array<i32>} : memref<16384xi32, #tpu.memory_space<vmem>>, vector<16xi32>,
        %gather3A_360 = tpu.vector_load_idx %arg5[%get3A_359] : memref<100000xf32, #tpu.memory_space<vmem>>[vector<16xi32>], vector<16xf32>,
        %add3A_361 = arith.constant 4096 : i32
        %add3A_362 = arith.addi %add3A_361, %add3A_355 : i32
        %swap3A_363 = arith.index_cast %add3A_362 : i32 to index
        %swap3A_364 = tpu.vector_load %arg7[%swap3A_363] {strides = array<i32>} : memref<8192xf32, #tpu.memory_space<vmem>>, vector<16xf32>,
        tpu.vector_store %arg7[%swap3A_363], %gather3A_360 {strides = array<i32>} : memref<8192xf32, #tpu.memory_space<vmem>>, vector<16xf32>,
        %mul3A_365 = arith.constant 16 : i32
        %mul3A_366 = arith.muli %scan3A_157, %mul3A_365 : i32
        %mul3A_367 = arith.constant 16 : i32
        %mul3A_368 = arith.muli %mul3A_366, %mul3A_367 : i32
        %add3A_369 = arith.constant 224 : i32
        %add3A_370 = arith.addi %mul3A_368, %add3A_369 : i32
        %add3A_371 = arith.constant 12288 : i32
        %add3A_372 = arith.addi %add3A_371, %add3A_370 : i32
        %get3A_373 = arith.index_cast %add3A_372 : i32 to index
        %get3A_374 = tpu.vector_load %arg6[%get3A_373] {strides = array<i32>} : memref<16384xi32, #tpu.memory_space<vmem>>, vector<16xi32>,
        %gather3A_375 = tpu.vector_load_idx %arg5[%get3A_374] : memref<100000xf32, #tpu.memory_space<vmem>>[vector<16xi32>], vector<16xf32>,
        %add3A_376 = arith.constant 4096 : i32
        %add3A_377 = arith.addi %add3A_376, %add3A_370 : i32
        %swap3A_378 = arith.index_cast %add3A_377 : i32 to index
        %swap3A_379 = tpu.vector_load %arg7[%swap3A_378] {strides = array<i32>} : memref<8192xf32, #tpu.memory_space<vmem>>, vector<16xf32>,
        tpu.vector_store %arg7[%swap3A_378], %gather3A_375 {strides = array<i32>} : memref<8192xf32, #tpu.memory_space<vmem>>, vector<16xf32>,
        %mul3A_380 = arith.constant 16 : i32
        %mul3A_381 = arith.muli %scan3A_157, %mul3A_380 : i32
        %mul3A_382 = arith.constant 16 : i32
        %mul3A_383 = arith.muli %mul3A_381, %mul3A_382 : i32
        %add3A_384 = arith.constant 240 : i32
        %add3A_385 = arith.addi %mul3A_383, %add3A_384 : i32
        %add3A_386 = arith.constant 12288 : i32
        %add3A_387 = arith.addi %add3A_386, %add3A_385 : i32
        %get3A_388 = arith.index_cast %add3A_387 : i32 to index
        %get3A_389 = tpu.vector_load %arg6[%get3A_388] {strides = array<i32>} : memref<16384xi32, #tpu.memory_space<vmem>>, vector<16xi32>,
        %gather3A_390 = tpu.vector_load_idx %arg5[%get3A_389] : memref<100000xf32, #tpu.memory_space<vmem>>[vector<16xi32>], vector<16xf32>,
        %add3A_391 = arith.constant 4096 : i32
        %add3A_392 = arith.addi %add3A_391, %add3A_385 : i32
        %swap3A_393 = arith.index_cast %add3A_392 : i32 to index
        %swap3A_394 = tpu.vector_load %arg7[%swap3A_393] {strides = array<i32>} : memref<8192xf32, #tpu.memory_space<vmem>>, vector<16xf32>,
        tpu.vector_store %arg7[%swap3A_393], %gather3A_390 {strides = array<i32>} : memref<8192xf32, #tpu.memory_space<vmem>>, vector<16xf32>,
      }
      %scan3A_141 = arith.constant 16 : i32
      %add3A_142 = arith.constant 13 : i32
      %add3A_143 = arith.addi %add3A_142, %add3A_47 : i32
      %dma_start3A_144 = arith.constant 1 : i32
      %dma_start3A_145 = arith.constant 4096 : i32
      %dma_start3A_146 = tpu.memref_slice %arg7[%dma_start3A_145] : memref<8192xf32, #tpu.memory_space<vmem>> -> memref<4096xf32, #tpu.memory_space<vmem>>
      %dma_start3A_147 = arith.constant 12288 : i32
      %dma_start3A_148 = tpu.memref_slice %arg4[%add3A_143, %dma_start3A_147] : memref<845x16384xf32, #tpu.memory_space<hbm>> -> memref<1x4096xf32, #tpu.memory_space<hbm>>
      %dma_start3A_149 = tpu.memref_squeeze %dma_start3A_148 : memref<1x4096xf32, #tpu.memory_space<hbm>> -> memref<4096xf32, #tpu.memory_space<hbm>>
      %dma_start3A_150 = tpu.memref_slice %arg8[%dma_start3A_144] : memref<2x!tpu.dma_semaphore, #tpu.memory_space<semaphore_mem>> -> memref<1x!tpu.dma_semaphore, #tpu.memory_space<semaphore_mem>>
      %dma_start3A_151 = tpu.memref_squeeze %dma_start3A_150 : memref<1x!tpu.dma_semaphore, #tpu.memory_space<semaphore_mem>> -> memref<!tpu.dma_semaphore, #tpu.memory_space<semaphore_mem>>
      %dma_start3A_152 = arith.constant 12288 : i32
      %dma_start3A_153 = tpu.memref_slice %arg4[%add3A_143, %dma_start3A_152] : memref<845x16384xf32, #tpu.memory_space<hbm>> -> memref<1x4096xf32, #tpu.memory_space<hbm>>
      %dma_start3A_154 = tpu.memref_squeeze %dma_start3A_153 : memref<1x4096xf32, #tpu.memory_space<hbm>> -> memref<4096xf32, #tpu.memory_space<hbm>>
      %dma_start3A_155 = arith.constant 4096 : i32
      %dma_start3A_156 = tpu.memref_slice %arg7[%dma_start3A_155] : memref<8192xf32, #tpu.memory_space<vmem>> -> memref<4096xf32, #tpu.memory_space<vmem>>
      tpu.enqueue_dma source(%dma_start3A_156 : memref<4096xf32, #tpu.memory_space<vmem>>) target(%dma_start3A_154 : memref<4096xf32, #tpu.memory_space<hbm>>) target_semaphore(%dma_start3A_151 : memref<!tpu.dma_semaphore, #tpu.memory_space<semaphore_mem>>)
      scf.yield %div3A_48 : i32
    }
    %scan3A_8 = arith.constant 26 : i32
    %mul3A_9 = arith.constant 26 : i32
    %mul3A_10 = arith.muli %add3A, %mul3A_9 : i32
    %add3A_11 = arith.constant 26 : i32
    %add3A_12 = arith.addi %mul3A_10, %add3A_11 : i32
    %sub3A = arith.constant 1 : i32
    %sub3A_13 = arith.subi %add3A_12, %sub3A : i32
    %add3A_14 = arith.constant 13 : i32
    %add3A_15 = arith.addi %add3A_14, %sub3A_13 : i32
    %dma_wait3A = arith.constant 0 : i32
    %dma_wait3A_16 = arith.constant 0 : i32
    %dma_wait3A_17 = tpu.memref_slice %arg7[%dma_wait3A_16] : memref<8192xf32, #tpu.memory_space<vmem>> -> memref<4096xf32, #tpu.memory_space<vmem>>
    %dma_wait3A_18 = arith.constant 0 : i32
    %dma_wait3A_19 = tpu.memref_slice %arg4[%add3A_15, %dma_wait3A_18] : memref<845x16384xf32, #tpu.memory_space<hbm>> -> memref<1x4096xf32, #tpu.memory_space<hbm>>
    %dma_wait3A_20 = tpu.memref_squeeze %dma_wait3A_19 : memref<1x4096xf32, #tpu.memory_space<hbm>> -> memref<4096xf32, #tpu.memory_space<hbm>>
    %dma_wait3A_21 = tpu.memref_slice %arg8[%dma_wait3A] : memref<2x!tpu.dma_semaphore, #tpu.memory_space<semaphore_mem>> -> memref<1x!tpu.dma_semaphore, #tpu.memory_space<semaphore_mem>>
    %dma_wait3A_22 = tpu.memref_squeeze %dma_wait3A_21 : memref<1x!tpu.dma_semaphore, #tpu.memory_space<semaphore_mem>> -> memref<!tpu.dma_semaphore, #tpu.memory_space<semaphore_mem>>
    %dma_wait3A_23 = arith.constant 0 : i32
    %dma_wait3A_24 = tpu.memref_slice %arg4[%add3A_15, %dma_wait3A_23] : memref<845x16384xf32, #tpu.memory_space<hbm>> -> memref<1x4096xf32, #tpu.memory_space<hbm>>
    %dma_wait3A_25 = tpu.memref_squeeze %dma_wait3A_24 : memref<1x4096xf32, #tpu.memory_space<hbm>> -> memref<4096xf32, #tpu.memory_space<hbm>>
    %dma_wait3A_26 = arith.constant 0 : i32
    %dma_wait3A_27 = tpu.memref_slice %arg7[%dma_wait3A_26] : memref<8192xf32, #tpu.memory_space<vmem>> -> memref<4096xf32, #tpu.memory_space<vmem>>
    tpu.wait_dma2 semaphore(%dma_wait3A_22 : memref<!tpu.dma_semaphore, #tpu.memory_space<semaphore_mem>>) src(%dma_wait3A_27 : memref<4096xf32, #tpu.memory_space<vmem>>) dst(%dma_wait3A_25 : memref<4096xf32, #tpu.memory_space<hbm>>)
    %add3A_28 = arith.constant 13 : i32
    %add3A_29 = arith.addi %add3A_28, %sub3A_13 : i32
    %dma_wait3A_30 = arith.constant 1 : i32
    %dma_wait3A_31 = arith.constant 4096 : i32
    %dma_wait3A_32 = tpu.memref_slice %arg7[%dma_wait3A_31] : memref<8192xf32, #tpu.memory_space<vmem>> -> memref<4096xf32, #tpu.memory_space<vmem>>
    %dma_wait3A_33 = arith.constant 4096 : i32
    %dma_wait3A_34 = tpu.memref_slice %arg4[%add3A_29, %dma_wait3A_33] : memref<845x16384xf32, #tpu.memory_space<hbm>> -> memref<1x4096xf32, #tpu.memory_space<hbm>>
    %dma_wait3A_35 = tpu.memref_squeeze %dma_wait3A_34 : memref<1x4096xf32, #tpu.memory_space<hbm>> -> memref<4096xf32, #tpu.memory_space<hbm>>
    %dma_wait3A_36 = tpu.memref_slice %arg8[%dma_wait3A_30] : memref<2x!tpu.dma_semaphore, #tpu.memory_space<semaphore_mem>> -> memref<1x!tpu.dma_semaphore, #tpu.memory_space<semaphore_mem>>
    %dma_wait3A_37 = tpu.memref_squeeze %dma_wait3A_36 : memref<1x!tpu.dma_semaphore, #tpu.memory_space<semaphore_mem>> -> memref<!tpu.dma_semaphore, #tpu.memory_space<semaphore_mem>>
    %dma_wait3A_38 = arith.constant 4096 : i32
    %dma_wait3A_39 = tpu.memref_slice %arg4[%add3A_29, %dma_wait3A_38] : memref<845x16384xf32, #tpu.memory_space<hbm>> -> memref<1x4096xf32, #tpu.memory_space<hbm>>
    %dma_wait3A_40 = tpu.memref_squeeze %dma_wait3A_39 : memref<1x4096xf32, #tpu.memory_space<hbm>> -> memref<4096xf32, #tpu.memory_space<hbm>>
    %dma_wait3A_41 = arith.constant 4096 : i32
    %dma_wait3A_42 = tpu.memref_slice %arg7[%dma_wait3A_41] : memref<8192xf32, #tpu.memory_space<vmem>> -> memref<4096xf32, #tpu.memory_space<vmem>>
    tpu.wait_dma2 semaphore(%dma_wait3A_37 : memref<!tpu.dma_semaphore, #tpu.memory_space<semaphore_mem>>) src(%dma_wait3A_42 : memref<4096xf32, #tpu.memory_space<vmem>>) dst(%dma_wait3A_40 : memref<4096xf32, #tpu.memory_space<hbm>>)
    return
  }
}

</mosaic_0001>

<sc_bundles>
// kernel: _run.3.cloned.1.call-start
scs
__scs_entry_jumppad:
0x0: {  	(pc) =	sbr.rel $0x88, $3  }
0x1: {  	(tag) =	ssettag $0x0;
	lr =	simm.s32 $0x1  }
0x2: {  	[smem:$0x3F9F] =	sst lr;
	_ =	strace $0xD0000000  }
0x3: {  	_ = 	snop  }
0x4: {  	_ = 	snop  }
0x5: {  	_ = 	snop  }
0x6: {  	_ = 	snop  }
0x7: {  	_ = 	snop  }
__scs_overlays_trampoline_lowered:
0x8: {  	[smem:$0x3FAE] =	sst s0  }
0x9: {  	[smem:$0x3FAF] =	sst s1  }
0xa: {  	[smem:$0x3FB0] =	sst s2  }
0xb: {  	[smem:$0x3FB1] =	sst s3  }
0xc: {  	[smem:$0x3FB2] =	sst s4  }
0xd: {  	[smem:$0x3FB3] =	sst s5  }
0xe: {  	[smem:$0x3FB4] =	sst s6  }
0xf: {  	[smem:$0x3FB5] =	sst s7  }
0x10: {  	[smem:$0x3FB6] =	sst s8  }
0x11: {  	[smem:$0x3FB7] =	sst s9;
	s0 =	simm.s32 @!p0 $0x0  }
0x12: {  	s1 =	sld [smem:$0x3F9D];
	s0 =	simm.s32 @p0 $0x1  }
0x13: {  	[smem:$0x3FB8] =	sst s0;
	s0 =	simm.s32 @!p1 $0x0  }
0x14: {  	s2 =	sld [smem:$0x3F9C];
	s0 =	simm.s32 @p1 $0x1  }
0x15: {  	[smem:$0x3FB9] =	sst s0;
	s0 =	simm.s32 @!p2 $0x0  }
0x16: {  	s3 =	sld [smem:$0x3FDB];
	s0 =	simm.s32 @p2 $0x1  }
0x17: {  	s4 =	simm.s32 $0x1BF5;
	[smem:$0x3FBB] =	sst s0  }
0x18: {  	s0 =	sld [smem:$0x3F9E];
	_ =	swait.ge [sflag:s4], $0x0  }
0x19: {  	s7 =	sld [smem:$0x3F9F]  }
0x1a: {  	s8 =	sadd.s32 $0xFFFFE003, lr  }
0x1b: {  	s9 =	sadd.s32 $0xFFFFFEF7, lr;
	s5 =	simm.s32 $0xFFFFFFFF;
	p2 =	slt.u32 s8, $0xFFFFF086  }
0x1c: {  	p1 =	slt.u32 s9, $0xF7A;
	s5 =	simm.s32 @!p2 $0x0  }
0x1d: {  	s5 =	simm.s32 @p1 $0x1;
	p0 =	seq.s32 s7, s2  }
0x1e: {  	s7 =	smul.u32 @!p0 $0xF7A, s2;
	p2 =	seq.s32 @!p0 s5, $0x0  }
0x1f: {  	s9 =	smul.u32 $0xF7A, s1;
	s8 =	simm.s32 @!p0 $0x1BF5;
	p2 =	por !p2, p0  }
0x20: {  	[sflag:s8] =	ssyncset.s32 @!p0 $0xFFFFF086;
	s6 =	sadd.s32 @!p0 s3, s7;
	s7 =	simm.s32 @!p0 $0x108  }
0x21: {  	s3 =	sadd.s32 s3, s9;
	s6 =	sadd.s32 @!p0 $0x88, s6;
	s7 =	simm.s32 @p2 $0x1082  }
0x22: {  	[simem:s7], [sflag:s8] =	dma.local @!p0 [hbm:s6], $0xF7A  }
0x23: {  	s9 =	sor.u32 $0xD0000000, s2;
	s6 =	simm.s32 $0x108;
	_ =	swait.ge @!p0 [sflag:s8], $0x0  }
0x24: {  	s3 =	sadd.s32 $0x88, s3;
	s6 =	simm.s32 @!p1 $0x1082;
	[sflag:s4] =	ssyncset.s32 $0xFFFFF086  }
0x25: {  	[simem:s6], [sflag:s4] =	dma.local [hbm:s3], $0xF7A  }
0x26: {  	[smem:$0x3F9F] =	sst s1;
	(tag) =	ssettag s2;
	_ =	strace s9  }
0x27: {  	s1 =	sld [smem:$0x3FAF]  }
0x28: {  	s2 =	sld [smem:$0x3FB0]  }
0x29: {  	s4 =	sld [smem:$0x3FB2]  }
0x2a: {  	p0 =	seq.s32 s5, $0x0;
	s5 =	sld [smem:$0x3FB3]  }
0x2b: {  	s6 =	sld [smem:$0x3FB4]  }
0x2c: {  	s7 =	sld [smem:$0x3FB5]  }
0x2d: {  	s3 =	simm.s32 $0x108;
	s8 =	sld [smem:$0x3FB6]  }
0x2e: {  	s3 =	simm.s32 @!p0 $0x1082;
	s9 =	sld [smem:$0x3FB7]  }
0x2f: {  	lr =	sadd.s32 s0, s3;
	s0 =	sld [smem:$0x3FAE]  }
0x30: {  	s3 =	sld [smem:$0x3FB1]  }
0x31: {  	[smem:$0x3FBA] =	sst s10  }
0x32: {  	s10 =	sld [smem:$0x3FB8];
	_ =	sdelay $0x3  }
0x33: {  	p0 =	seq.s32 s10, $0x1;
	s10 =	sld [smem:$0x3FBA];
	_ =	sdelay $0x3  }
0x34: {  	[smem:$0x3FBA] =	sst s10  }
0x35: {  	s10 =	sld [smem:$0x3FB9];
	_ =	sdelay $0x3  }
0x36: {  	p1 =	seq.s32 s10, $0x1;
	s10 =	sld [smem:$0x3FBA];
	_ =	sdelay $0x3  }
0x37: {  	[smem:$0x3FBA] =	sst s10  }
0x38: {  	s10 =	sld [smem:$0x3FBB]  }
0x39: {  	_ = 	snop;
	(pc) =	sbr.ind lr, $3  }
0x3a: {  	_ = 	snop  }
0x3b: {  	_ = 	snop  }
0x3c: {  	p2 =	seq.s32 s10, $0x1;
	s10 =	sld [smem:$0x3FBA]  }
0x3d: {  	_ =	shalt  }
0x3e: {  	_ =	shalt  }
0x3f: {  	_ =	shalt  }
0x40: {  	_ =	shalt  }
0x41: {  	_ =	shalt  }
0x42: {  	_ =	shalt  }
0x43: {  	_ =	shalt  }
0x44: {  	_ =	shalt  }
0x45: {  	_ =	shalt  }
0x46: {  	_ =	shalt  }
0x47: {  	_ =	shalt  }
0x48: {  	_ =	shalt  }
0x49: {  	_ =	shalt  }
0x4a: {  	_ =	shalt  }
0x4b: {  	_ =	shalt  }
0x4c: {  	_ =	shalt  }
0x4d: {  	_ =	shalt  }
0x4e: {  	_ =	shalt  }
0x4f: {  	_ =	shalt  }
0x50: {  	_ =	shalt  }
0x51: {  	_ =	shalt  }
0x52: {  	_ =	shalt  }
0x53: {  	_ =	shalt  }
0x54: {  	_ =	shalt  }
0x55: {  	_ =	shalt  }
0x56: {  	_ =	shalt  }
0x57: {  	_ =	shalt  }
0x58: {  	_ =	shalt  }
0x59: {  	_ =	shalt  }
0x5a: {  	_ =	shalt  }
0x5b: {  	_ =	shalt  }
0x5c: {  	_ =	shalt  }
0x5d: {  	_ =	shalt  }
0x5e: {  	_ =	shalt  }
0x5f: {  	_ =	shalt  }
0x60: {  	_ =	shalt  }
0x61: {  	_ =	shalt  }
0x62: {  	_ =	shalt  }
0x63: {  	_ =	shalt  }
0x64: {  	_ =	shalt  }
0x65: {  	_ =	shalt  }
0x66: {  	_ =	shalt  }
0x67: {  	_ =	shalt  }
0x68: {  	_ =	shalt  }
0x69: {  	_ =	shalt  }
0x6a: {  	_ =	shalt  }
0x6b: {  	_ =	shalt  }
0x6c: {  	_ =	shalt  }
0x6d: {  	_ =	shalt  }
0x6e: {  	_ =	shalt  }
0x6f: {  	_ =	shalt  }
0x70: {  	_ =	shalt  }
0x71: {  	_ =	shalt  }
0x72: {  	_ =	shalt  }
0x73: {  	_ =	shalt  }
0x74: {  	_ =	shalt  }
0x75: {  	_ =	shalt  }
0x76: {  	_ =	shalt  }
0x77: {  	_ =	shalt  }
0x78: {  	_ =	shalt  }
0x79: {  	_ =	shalt  }
0x7a: {  	_ =	shalt  }
0x7b: {  	_ =	shalt  }
0x7c: {  	_ =	shalt  }
0x7d: {  	_ =	shalt  }
0x7e: {  	_ =	shalt  }
0x7f: {  	_ =	shalt  }
0x80: {  	_ =	shalt  }
0x81: {  	_ =	shalt  }
0x82: {  	_ =	shalt  }
0x83: {  	_ =	shalt  }
0x84: {  	_ =	shalt  }
0x85: {  	_ =	shalt  }
0x86: {  	_ =	shalt  }
0x87: {  	_ =	shalt  }
.Lfunc_end0:
.L_simem_size_0:
called_computation_lowered:
.L_overlay_start_0:
0x88: {  	s2 =	sld [smem:$0x3FD9]  }
0x89: {  	s3 =	sld [smem:$0x3FFE];
	_ =	sdelay $0x1  }
0x8a: {  	s1 =	srdreg.scid  }
0x8b: {  	s0 =	sand.u32 $0x1, s1  }
0x8c: {  	s18 =	sshll.u32 s0, $0xA;
	s2 =	sadd.s32 s3, s2  }
0x8d: {  	s2 =	sadd.s32 s2, s18  }
0x8e: {  	[smem:$0x3FC6] =	sst s2  }
0x8f: {  	_ = 	snop  }
0x90: {  	s2 =	sld [smem:$0x3FC9]  }
0x91: {  	s19 =	sld [smem:$0x3FC8]  }
0x92: {  	s4 =	sld [smem:$0x3FD0];
	(tm) =	ssettm $0x1  }
0x93: {  	s5 =	sld [smem:$0x3FFB];
	_ =	sdelay $0x3  }
0x94: {  	_ =	strace s5  }
0x95: {  	s5 =	sld [smem:$0x3FFC];
	_ =	sdelay $0x3  }
0x96: {  	_ =	strace s5  }
0x97: {  	s5 =	sld [smem:$0x3FFD];
	_ =	sdelay $0x3  }
0x98: {  	_ =	strace s5  }
0x99: {  	_ =	strace $0x8FFFFFFF  }
0x9a: {  	s20 =	sld [smem:$0x3FDB];
	_ =	sdelay $0x1  }
0x9b: {  	s6 =	simm.s32 $_scs_section_size  }
0x9c: {  	s7 =	simm.s32 $_size__tile_overlayer_lowered;
	s8 =	simm.s32 $_tile_overlayer_lowered  }
0x9d: {  	s23 =	simm.s32 $0x1BFF;
	s22 =	sshll.u32 s8, $0x1;
	s5 =	sadd.s32 s6, s20  }
0x9e: {  	s9 =	simm.s32 $0x0;
	s21 =	sshll.u32 s7, $0x1;
	s7 =	sadd.s32 s22, s5  }
0x9f: {  	[timem:s9], [sflag:s23] =	dma.local [hbm:s7], s21  }
0xa0: {  	_ =	swait.ge [sflag:s23], s21  }
0xa1: {  	s6 =	ssub.s32 $0x0, s21;
	[sflag:s23] =	ssyncset.done $0x0  }
0xa2: {  	[sflag:s23] =	ssyncadd.s32 s6;
	_ =	sdelay $0x1  }
0xa3: {  	s24 =	simm.s32 $0x1B8B  }
0xa4: {  	_ =	swait.ge [sflag:s24], $0x1  }
0xa5: {  	[sflag:s24] =	ssyncset.done $0x0  }
0xa6: {  	s25 =	simm.s32 $0x1B8E;
	[sflag:s24] =	ssyncadd.s32 $0xFFFFFFFF  }
0xa7: {  	s26 =	simm.s32 $execute0_lowered;
	[smem:$0x3FD2] =	sst s25  }
0xa8: {  	s6 =	sshll.u32 s26, $0x1;
	_ =	strace $0x80000046;
	[dreg:$0x1] =	wrdreg $0xFFFFFFFF  }
0xa9: {  	s28 =	simm.s32 $_size_execute0_lowered;
	s5 =	sadd.s32 s5, s6;
	[dreg:$0x0] =	wrdreg $0x0  }
0xaa: {  	s6 =	sshll.u32 s28, $0x1;
	[dreg:$0x2] =	wrdreg s5  }
0xab: {  	[dreg:$0x3] =	wrdreg s6  }
0xac: {  	[dreg:$0x4] =	wrdreg $0xC0  }
0xad: {  	_ =	task [dreg:s9], $0x5FFFF  }
0xae: {  	[dreg:$0x1] =	wrdreg $0xFFFFFFFF  }
0xaf: {  	[dreg:$0x0] =	wrdreg $0x60  }
0xb0: {  	[dreg:$0x2] =	wrdreg s2  }
0xb1: {  	[dreg:$0x3] =	wrdreg s19  }
0xb2: {  	[dreg:$0x4] =	wrdreg s4  }
0xb3: {  	[dreg:$0x5] =	wrdreg $0x9  }
0xb4: {  	_ =	task.clear_ibuf [dreg:s9], $0x6FFFF;
	_ =	strace $0x90000046  }
0xb5: {  	s29 =	simm.s32 $0x9;
	_ =	strace $0x80000048  }
0xb6: {  	_ =	swait.ge [sflag:s29], $0x1  }
0xb7: {  	[sflag:s29] =	ssyncadd.s32 $0xFFFFFFFF  }
0xb8: {  	_ =	strace $0x90000048  }
0xb9: {  	_ =	sfence  }
0xba: {  	s30 =	sld [smem:$0x0];
	_ =	sdelay $0x2  }
0xbb: {  	s31 =	sshll.u32 s1, $0xD;
	s1 =	sshrl.u32 s1, $0x2  }
0xbc: {  	s3 =	sand.u32 $0x4000, s31;
	s1 =	sadd.s32 s1, s30  }
0xbd: {  	s0 =	sor.u32 s3, s0;
	s1 =	sshll.u32 s1, $0x11  }
0xbe: {  	s0 =	sor.u32 s1, s0  }
0xbf: {  	s0 =	sadd.s32 $0x8F2B, s0  }
0xc0: {  	[sflag:s0] =	ssyncadd.remote.s32 $0x1  }
0xc1: {  	_ =	sfence.sel $0xFFFF  }
0xc2: {  	[dreg:$0x0] =	wrdreg $0xFFFFFFFF;
	(pc) =	sbr.abs _section_cstart, $3  }
0xc3: {  	[dreg:$0x1] =	wrdreg $0xFFFFFFFF  }
0xc4: {  	_ =	task.clear_ibuf [dreg:s9], $0x2FFFF;
	_ =	strace $0x9FFFFFFF  }
0xc5: {  	(tm) =	ssettm $0x7FFFFFFF  }
tec
execute0_lowered:
.L_overlay_start_1:
0x0: {  	(tag) =	ssettag $0x1  }
0x1: {  	s1 =	rddreg [dreg:$0x0]  }
0x2: {  	s3 =	rddreg [dreg:$0x1];
	s2 =	srdreg.scid  }
0x3: {  	s0 =	stileid.u32;
	s4 =	rddreg [dreg:$0x2]  }
0x4: {  	s17 =	simm.s32 $0x400;
	s18 =	simm.s32 $0x18700;
	s19 =	simm.s32 $0x3  }
0x5: {  	s20 =	simm.s32 $0x1C700;
	s21 =	simm.s32 $0x1D700;
	s22 =	simm.s32 $0x1  }
0x6: {  	s23 =	simm.s32 $0x2;
	s24 =	simm.s32 $0x0;
	s2 =	sand.u32 $0x1, s2  }
0x7: {  	s5 =	sshll.u32 s0, $0x1;
	s6 =	sshll.u32 s0, $0xC;
	s8 =	sadd.s32 $0x1000, s4  }
0x8: {  	s9 =	sadd.s32 $0x2000, s4;
	s10 =	sadd.s32 $0x3000, s4;
	s16 =	sor.u32 s2, s5  }
0x9: {  	s5 =	simm.s32 $0x0;
	s2 =	ssub.s32 $0x2, s2;
	s7 =	sshll.u32 s16, $0x4  }
0xa: {  	[smem:$0x7FF] =	sst s5;
	s31 =	sshrl.u32 s2, $0x1;
	s14 =	smul.u32 $0x1A, s16  }
0xb: {  	p0 =	sgt.u32 s16, $0xC;
	s16 =	simm.s32 $0x80;
	s6 =	sor.u32 s6, s7  }
0xc: {  	_ =	strace $0x80000047;
	s2 =	ssub.s32 s2, s31;
	s13 =	sand.u32 $0xC070, s6  }
0xd: {  	s15 =	smax.u32 s2, $0x1;
	s6 =	sadd.s32 s1, s13;
	s7 =	sadd.s32 s4, s13  }
0xe: {  	s11 =	sadd.s32 s13, s8;
	s12 =	sadd.s32 s13, s9;
	s13 =	sadd.s32 s13, s10  }
.LBB2_1:
.Ltmp0:
0xf: {  	(pc) =	sbr.rel @p0 .LBB2_11-.Ltmp0, $1  }
0x10: {  	_ =	sdelay $0x3  }
0x11: {  	[tilespmem:s18], [sflag:$0x3] =	stream.strided.gather [hbm4b:s6+s16], $0x4000, s17, s16, $0x38;
	[tilespmem:$0x1E700] =	vst v63  }
0x12: {  	_ =	swait.ge [sflag:s19], $0x4000  }
0x13: {  	[sflag:s19] =	ssyncset.done $0x0  }
0x14: {  	s25 =	simm.s32 $0x0;
	[sflag:s19] =	ssyncadd.s32 $0xFFFFC000  }
0x15: {  	v0 =	vld [tilespmem:s25+$0x187F0]  }
0x16: {  	v1 =	vld [tilespmem:s25+$0x18700]  }
0x17: {  	v2 =	vld [tilespmem:s25+$0x18710]  }
0x18: {  	v3 =	vld [tilespmem:s25+$0x18720]  }
0x19: {  	v6 =	vld [tilespmem:s25+$0x18750]  }
0x1a: {  	v4 =	vld [tilespmem:s25+$0x18730];
	v0 =	vcvt.s32.f32 v0  }
0x1b: {  	v5 =	vld [tilespmem:s25+$0x18740];
	v1 =	vcvt.s32.f32 v1  }
0x1c: {  	v7 =	vld [tilespmem:s25+$0x18760];
	[tilespmem:s25+$0x1C7F0] =	vst v0;
	v0 =	vcvt.s32.f32 v2  }
0x1d: {  	v8 =	vld [tilespmem:s25+$0x18770];
	[tilespmem:s25+$0x1C700] =	vst v1;
	v1 =	vcvt.s32.f32 v3  }
0x1e: {  	v2 =	vcvt.s32.f32 v6;
	[tilespmem:s25+$0x1C710] =	vst v0  }
0x1f: {  	v9 =	vld [tilespmem:s25+$0x18780];
	v0 =	vcvt.s32.f32 v4;
	[tilespmem:s25+$0x1C720] =	vst v1  }
0x20: {  	v4 =	vld [tilespmem:s25+$0x18790];
	v1 =	vcvt.s32.f32 v5;
	[tilespmem:s25+$0x1C750] =	vst v2  }
0x21: {  	v3 =	vcvt.s32.f32 v7;
	[tilespmem:s25+$0x1C730] =	vst v0;
	v0 =	vld [tilespmem:s25+$0x187A0]  }
0x22: {  	v5 =	vcvt.s32.f32 v8;
	[tilespmem:s25+$0x1C740] =	vst v1;
	v1 =	vld [tilespmem:s25+$0x187B0]  }
0x23: {  	v2 =	vld [tilespmem:s25+$0x187C0];
	[tilespmem:s25+$0x1C760] =	vst v3  }
0x24: {  	v3 =	vld [tilespmem:s25+$0x187D0];
	[tilespmem:s25+$0x1C770] =	vst v5;
	v5 =	vcvt.s32.f32 v9  }
0x25: {  	s26 =	simm.s32 $0x100;
	s28 =	simm.s32 $0x800;
	v6 =	vcvt.s32.f32 v4;
	v4 =	vld [tilespmem:s25+$0x187E0]  }
.LBB2_3:
0x26: {  	p1 =	sne.s32 s28, $0x3C00;
	v7 =	vld [tilespmem:s26+$0x187F0];
	[tilespmem:s25+$0x1C780] =	vst v5;
	v0 =	vcvt.s32.f32 v0  }
0x27: {  	v5 =	vld [tilespmem:s26+$0x18700];
	[tilespmem:s25+$0x1C790] =	vst v6;
	v1 =	vcvt.s32.f32 v1  }
0x28: {  	v6 =	vld [tilespmem:s26+$0x18710];
	[tilespmem:s25+$0x1C7A0] =	vst v0;
	v0 =	vcvt.s32.f32 v2  }
0x29: {  	v2 =	vld [tilespmem:s26+$0x18720];
	[tilespmem:s25+$0x1C7B0] =	vst v1;
	v1 =	vcvt.s32.f32 v3  }
0x2a: {  	v3 =	vld [tilespmem:s26+$0x18730];
	[tilespmem:s25+$0x1C7C0] =	vst v0;
	v0 =	vcvt.s32.f32 v4  }
0x2b: {  	v4 =	vld [tilespmem:s26+$0x18740];
	v7 =	vcvt.s32.f32 v7;
	[tilespmem:s25+$0x1C7D0] =	vst v1  }
0x2c: {  	v1 =	vcvt.s32.f32 v5;
	v5 =	vld [tilespmem:s26+$0x18750];
	[tilespmem:s25+$0x1C7E0] =	vst v0;
	s25 =	smov.u32 s26  }
0x2d: {  	v0 =	vcvt.s32.f32 v6;
	v6 =	vld [tilespmem:s25+$0x18760];
	[tilespmem:s25+$0x1C7F0] =	vst v7  }
0x2e: {  	[tilespmem:s25+$0x1C700] =	vst v1;
	v1 =	vcvt.s32.f32 v2;
	v2 =	vld [tilespmem:s25+$0x18770]  }
0x2f: {  	[tilespmem:s25+$0x1C710] =	vst v0;
	v0 =	vcvt.s32.f32 v3;
	v3 =	vld [tilespmem:s25+$0x18780]  }
0x30: {  	[tilespmem:s25+$0x1C720] =	vst v1;
	v1 =	vcvt.s32.f32 v4;
	v4 =	vld [tilespmem:s25+$0x18790]  }
.Ltmp1:
0x31: {  	[tilespmem:s25+$0x1C730] =	vst v0;
	v5 =	vcvt.s32.f32 v5;
	v0 =	vld [tilespmem:s25+$0x187A0];
	(pc) =	sbr.rel @p1 .LBB2_3-.Ltmp1, $4  }
0x32: {  	[tilespmem:s25+$0x1C740] =	vst v1;
	v6 =	vcvt.s32.f32 v6;
	v1 =	vld [tilespmem:s25+$0x187B0]  }
0x33: {  	[tilespmem:s25+$0x1C750] =	vst v5;
	v7 =	vcvt.s32.f32 v2;
	v2 =	vld [tilespmem:s25+$0x187C0]  }
0x34: {  	[tilespmem:s25+$0x1C760] =	vst v6;
	v5 =	vcvt.s32.f32 v3;
	v3 =	vld [tilespmem:s25+$0x187D0]  }
0x35: {  	s26 =	sshra.s32 s28, $0x2;
	s28 =	sadd.s32 $0x400, s28;
	[tilespmem:s25+$0x1C770] =	vst v7;
	v6 =	vcvt.s32.f32 v4;
	v4 =	vld [tilespmem:s25+$0x187E0]  }
0x36: {  	v7 =	vld [tilespmem:s26+$0x187F0];
	[tilespmem:s25+$0x1C780] =	vst v5;
	v0 =	vcvt.s32.f32 v0  }
0x37: {  	v5 =	vld [tilespmem:s26+$0x18700];
	[tilespmem:s25+$0x1C790] =	vst v6;
	v1 =	vcvt.s32.f32 v1  }
0x38: {  	v6 =	vld [tilespmem:s26+$0x18710];
	[tilespmem:s25+$0x1C7A0] =	vst v0;
	v2 =	vcvt.s32.f32 v2  }
0x39: {  	v0 =	vld [tilespmem:s26+$0x18720];
	[tilespmem:s25+$0x1C7B0] =	vst v1;
	v3 =	vcvt.s32.f32 v3  }
0x3a: {  	v1 =	vld [tilespmem:s26+$0x18730];
	[tilespmem:s25+$0x1C7C0] =	vst v2;
	v4 =	vcvt.s32.f32 v4  }
0x3b: {  	v2 =	vld [tilespmem:s26+$0x18740];
	[tilespmem:s25+$0x1C7D0] =	vst v3;
	v7 =	vcvt.s32.f32 v7  }
0x3c: {  	v3 =	vld [tilespmem:s26+$0x18750];
	[tilespmem:s25+$0x1C7E0] =	vst v4;
	v4 =	vcvt.s32.f32 v5  }
0x3d: {  	v5 =	vld [tilespmem:s26+$0x18760];
	[tilespmem:s26+$0x1C7F0] =	vst v7;
	v6 =	vcvt.s32.f32 v6  }
0x3e: {  	[tilespmem:s26+$0x1C700] =	vst v4;
	v4 =	vld [tilespmem:s26+$0x18770];
	v0 =	vcvt.s32.f32 v0  }
0x3f: {  	[tilespmem:s26+$0x1C710] =	vst v6;
	v6 =	vld [tilespmem:s26+$0x18780];
	v1 =	vcvt.s32.f32 v1  }
0x40: {  	[tilespmem:s26+$0x1C720] =	vst v0;
	v0 =	vld [tilespmem:s26+$0x18790];
	v2 =	vcvt.s32.f32 v2  }
0x41: {  	[tilespmem:s26+$0x1C730] =	vst v1;
	v1 =	vld [tilespmem:s26+$0x187A0];
	v3 =	vcvt.s32.f32 v3  }
0x42: {  	[tilespmem:s26+$0x1C740] =	vst v2;
	v2 =	vld [tilespmem:s26+$0x187B0];
	v5 =	vcvt.s32.f32 v5  }
0x43: {  	[tilespmem:s26+$0x1C750] =	vst v3;
	v3 =	vld [tilespmem:s26+$0x187C0];
	v4 =	vcvt.s32.f32 v4  }
0x44: {  	[tilespmem:s26+$0x1C760] =	vst v5;
	v5 =	vld [tilespmem:s26+$0x187D0];
	v6 =	vcvt.s32.f32 v6  }
0x45: {  	[tilespmem:s26+$0x1C770] =	vst v4;
	v0 =	vcvt.s32.f32 v0;
	v4 =	vld [tilespmem:s26+$0x187E0]  }
0x46: {  	[tilespmem:s26+$0x1C780] =	vst v6;
	v1 =	vcvt.s32.f32 v1  }
0x47: {  	[tilespmem:s26+$0x1C790] =	vst v0;
	v0 =	vcvt.s32.f32 v2  }
0x48: {  	[tilespmem:s26+$0x1C7A0] =	vst v1;
	v1 =	vcvt.s32.f32 v3  }
0x49: {  	[tilespmem:s26+$0x1C7B0] =	vst v0;
	v0 =	vcvt.s32.f32 v5  }
0x4a: {  	[tilespmem:s26+$0x1C7C0] =	vst v1;
	v1 =	vcvt.s32.f32 v4  }
0x4b: {  	[tilespmem:s26+$0x1C7D0] =	vst v0  }
0x4c: {  	[tilespmem:s26+$0x1C7E0] =	vst v1  }
0x4d: {  	[hbm4b:s7+s16] =	stream.strided.scatter [tilespmem:s20], [sflag:$0x3], $0x1000, s17, s16, $0x38;
	[tilespmem:$0x1E700] =	vst v63  }
0x4e: {  	_ =	swait.ge [sflag:s19], $0x1000  }
0x4f: {  	[sflag:s19] =	ssyncset.done $0x0  }
0x50: {  	s25 =	simm.s32 $0x0;
	[sflag:s19] =	ssyncadd.s32 $0xFFFFF000  }
0x51: {  	v0 =	vld [tilespmem:s25+$0x197F0]  }
0x52: {  	v1 =	vld [tilespmem:s25+$0x19700]  }
0x53: {  	v2 =	vld [tilespmem:s25+$0x19710]  }
0x54: {  	v3 =	vld [tilespmem:s25+$0x19720]  }
0x55: {  	v6 =	vld [tilespmem:s25+$0x19750]  }
0x56: {  	v4 =	vld [tilespmem:s25+$0x19730];
	v0 =	vcvt.s32.f32 v0  }
0x57: {  	v5 =	vld [tilespmem:s25+$0x19740];
	v1 =	vcvt.s32.f32 v1  }
0x58: {  	v7 =	vld [tilespmem:s25+$0x19760];
	[tilespmem:s25+$0x1D7F0] =	vst v0;
	v0 =	vcvt.s32.f32 v2  }
0x59: {  	v8 =	vld [tilespmem:s25+$0x19770];
	[tilespmem:s25+$0x1D700] =	vst v1;
	v1 =	vcvt.s32.f32 v3  }
0x5a: {  	v2 =	vcvt.s32.f32 v6;
	[tilespmem:s25+$0x1D710] =	vst v0  }
0x5b: {  	v9 =	vld [tilespmem:s25+$0x19780];
	v0 =	vcvt.s32.f32 v4;
	[tilespmem:s25+$0x1D720] =	vst v1  }
0x5c: {  	v4 =	vld [tilespmem:s25+$0x19790];
	v1 =	vcvt.s32.f32 v5;
	[tilespmem:s25+$0x1D750] =	vst v2  }
0x5d: {  	v3 =	vcvt.s32.f32 v7;
	[tilespmem:s25+$0x1D730] =	vst v0;
	v0 =	vld [tilespmem:s25+$0x197A0]  }
0x5e: {  	v5 =	vcvt.s32.f32 v8;
	[tilespmem:s25+$0x1D740] =	vst v1;
	v1 =	vld [tilespmem:s25+$0x197B0]  }
0x5f: {  	v2 =	vld [tilespmem:s25+$0x197C0];
	[tilespmem:s25+$0x1D760] =	vst v3  }
0x60: {  	v3 =	vld [tilespmem:s25+$0x197D0];
	[tilespmem:s25+$0x1D770] =	vst v5;
	v5 =	vcvt.s32.f32 v9  }
0x61: {  	s28 =	simm.s32 $0x800;
	s26 =	simm.s32 $0x100;
	v6 =	vcvt.s32.f32 v4;
	v4 =	vld [tilespmem:s25+$0x197E0]  }
.LBB2_5:
0x62: {  	p1 =	sne.s32 s28, $0x3C00;
	v7 =	vld [tilespmem:s26+$0x197F0];
	[tilespmem:s25+$0x1D780] =	vst v5;
	v0 =	vcvt.s32.f32 v0  }
0x63: {  	v5 =	vld [tilespmem:s26+$0x19700];
	[tilespmem:s25+$0x1D790] =	vst v6;
	v1 =	vcvt.s32.f32 v1  }
0x64: {  	v6 =	vld [tilespmem:s26+$0x19710];
	[tilespmem:s25+$0x1D7A0] =	vst v0;
	v0 =	vcvt.s32.f32 v2  }
0x65: {  	v2 =	vld [tilespmem:s26+$0x19720];
	[tilespmem:s25+$0x1D7B0] =	vst v1;
	v1 =	vcvt.s32.f32 v3  }
0x66: {  	v3 =	vld [tilespmem:s26+$0x19730];
	[tilespmem:s25+$0x1D7C0] =	vst v0;
	v0 =	vcvt.s32.f32 v4  }
0x67: {  	v4 =	vld [tilespmem:s26+$0x19740];
	v7 =	vcvt.s32.f32 v7;
	[tilespmem:s25+$0x1D7D0] =	vst v1  }
0x68: {  	v1 =	vcvt.s32.f32 v5;
	v5 =	vld [tilespmem:s26+$0x19750];
	[tilespmem:s25+$0x1D7E0] =	vst v0;
	s25 =	smov.u32 s26  }
0x69: {  	v0 =	vcvt.s32.f32 v6;
	v6 =	vld [tilespmem:s25+$0x19760];
	[tilespmem:s25+$0x1D7F0] =	vst v7  }
0x6a: {  	[tilespmem:s25+$0x1D700] =	vst v1;
	v1 =	vcvt.s32.f32 v2;
	v2 =	vld [tilespmem:s25+$0x19770]  }
0x6b: {  	[tilespmem:s25+$0x1D710] =	vst v0;
	v0 =	vcvt.s32.f32 v3;
	v3 =	vld [tilespmem:s25+$0x19780]  }
0x6c: {  	[tilespmem:s25+$0x1D720] =	vst v1;
	v1 =	vcvt.s32.f32 v4;
	v4 =	vld [tilespmem:s25+$0x19790]  }
.Ltmp2:
0x6d: {  	[tilespmem:s25+$0x1D730] =	vst v0;
	v5 =	vcvt.s32.f32 v5;
	v0 =	vld [tilespmem:s25+$0x197A0];
	(pc) =	sbr.rel @p1 .LBB2_5-.Ltmp2, $4  }
0x6e: {  	[tilespmem:s25+$0x1D740] =	vst v1;
	v6 =	vcvt.s32.f32 v6;
	v1 =	vld [tilespmem:s25+$0x197B0]  }
0x6f: {  	[tilespmem:s25+$0x1D750] =	vst v5;
	v7 =	vcvt.s32.f32 v2;
	v2 =	vld [tilespmem:s25+$0x197C0]  }
0x70: {  	[tilespmem:s25+$0x1D760] =	vst v6;
	v5 =	vcvt.s32.f32 v3;
	v3 =	vld [tilespmem:s25+$0x197D0]  }
0x71: {  	s26 =	sshra.s32 s28, $0x2;
	s28 =	sadd.s32 $0x400, s28;
	[tilespmem:s25+$0x1D770] =	vst v7;
	v6 =	vcvt.s32.f32 v4;
	v4 =	vld [tilespmem:s25+$0x197E0]  }
0x72: {  	v7 =	vld [tilespmem:s26+$0x197F0];
	[tilespmem:s25+$0x1D780] =	vst v5;
	v0 =	vcvt.s32.f32 v0  }
0x73: {  	v5 =	vld [tilespmem:s26+$0x19700];
	[tilespmem:s25+$0x1D790] =	vst v6;
	v1 =	vcvt.s32.f32 v1  }
0x74: {  	v6 =	vld [tilespmem:s26+$0x19710];
	[tilespmem:s25+$0x1D7A0] =	vst v0;
	v2 =	vcvt.s32.f32 v2  }
0x75: {  	v0 =	vld [tilespmem:s26+$0x19720];
	[tilespmem:s25+$0x1D7B0] =	vst v1;
	v3 =	vcvt.s32.f32 v3  }
0x76: {  	v1 =	vld [tilespmem:s26+$0x19730];
	[tilespmem:s25+$0x1D7C0] =	vst v2;
	v4 =	vcvt.s32.f32 v4  }
0x77: {  	v2 =	vld [tilespmem:s26+$0x19740];
	[tilespmem:s25+$0x1D7D0] =	vst v3;
	v7 =	vcvt.s32.f32 v7  }
0x78: {  	v3 =	vld [tilespmem:s26+$0x19750];
	[tilespmem:s25+$0x1D7E0] =	vst v4;
	v4 =	vcvt.s32.f32 v5  }
0x79: {  	v5 =	vld [tilespmem:s26+$0x19760];
	[tilespmem:s26+$0x1D7F0] =	vst v7;
	v6 =	vcvt.s32.f32 v6  }
0x7a: {  	[tilespmem:s26+$0x1D700] =	vst v4;
	v4 =	vld [tilespmem:s26+$0x19770];
	v0 =	vcvt.s32.f32 v0  }
0x7b: {  	[tilespmem:s26+$0x1D710] =	vst v6;
	v6 =	vld [tilespmem:s26+$0x19780];
	v1 =	vcvt.s32.f32 v1  }
0x7c: {  	[tilespmem:s26+$0x1D720] =	vst v0;
	v0 =	vld [tilespmem:s26+$0x19790];
	v2 =	vcvt.s32.f32 v2  }
0x7d: {  	[tilespmem:s26+$0x1D730] =	vst v1;
	v1 =	vld [tilespmem:s26+$0x197A0];
	v3 =	vcvt.s32.f32 v3  }
0x7e: {  	[tilespmem:s26+$0x1D740] =	vst v2;
	v2 =	vld [tilespmem:s26+$0x197B0];
	v5 =	vcvt.s32.f32 v5  }
0x7f: {  	[tilespmem:s26+$0x1D750] =	vst v3;
	v3 =	vld [tilespmem:s26+$0x197C0];
	v4 =	vcvt.s32.f32 v4  }
0x80: {  	[tilespmem:s26+$0x1D760] =	vst v5;
	v5 =	vld [tilespmem:s26+$0x197D0];
	v6 =	vcvt.s32.f32 v6  }
0x81: {  	[tilespmem:s26+$0x1D770] =	vst v4;
	v0 =	vcvt.s32.f32 v0;
	v4 =	vld [tilespmem:s26+$0x197E0]  }
0x82: {  	[tilespmem:s26+$0x1D780] =	vst v6;
	v1 =	vcvt.s32.f32 v1  }
0x83: {  	[tilespmem:s26+$0x1D790] =	vst v0;
	v0 =	vcvt.s32.f32 v2  }
0x84: {  	[tilespmem:s26+$0x1D7A0] =	vst v1;
	v1 =	vcvt.s32.f32 v3  }
0x85: {  	[tilespmem:s26+$0x1D7B0] =	vst v0;
	v0 =	vcvt.s32.f32 v5  }
0x86: {  	[tilespmem:s26+$0x1D7C0] =	vst v1;
	v1 =	vcvt.s32.f32 v4  }
0x87: {  	[tilespmem:s26+$0x1D7D0] =	vst v0  }
0x88: {  	[tilespmem:s26+$0x1D7E0] =	vst v1  }
0x89: {  	[hbm4b:s11+s16] =	stream.strided.scatter [tilespmem:s21], [sflag:$0x3], $0x1000, s17, s16, $0x38;
	[tilespmem:$0x1E700] =	vst v63  }
0x8a: {  	_ =	swait.ge [sflag:s19], $0x1000  }
0x8b: {  	[sflag:s19] =	ssyncset.done $0x0  }
0x8c: {  	s25 =	simm.s32 $0x0;
	[sflag:s19] =	ssyncadd.s32 $0xFFFFF000  }
0x8d: {  	v0 =	vld [tilespmem:s25+$0x1A7F0]  }
0x8e: {  	v1 =	vld [tilespmem:s25+$0x1A700]  }
0x8f: {  	v2 =	vld [tilespmem:s25+$0x1A710]  }
0x90: {  	v3 =	vld [tilespmem:s25+$0x1A720]  }
0x91: {  	v6 =	vld [tilespmem:s25+$0x1A750]  }
0x92: {  	v4 =	vld [tilespmem:s25+$0x1A730];
	v0 =	vcvt.s32.f32 v0  }
0x93: {  	v5 =	vld [tilespmem:s25+$0x1A740];
	v1 =	vcvt.s32.f32 v1  }
0x94: {  	v7 =	vld [tilespmem:s25+$0x1A760];
	[tilespmem:s25+$0x1C7F0] =	vst v0;
	v0 =	vcvt.s32.f32 v2  }
0x95: {  	v8 =	vld [tilespmem:s25+$0x1A770];
	[tilespmem:s25+$0x1C700] =	vst v1;
	v1 =	vcvt.s32.f32 v3  }
0x96: {  	v2 =	vcvt.s32.f32 v6;
	[tilespmem:s25+$0x1C710] =	vst v0  }
0x97: {  	v9 =	vld [tilespmem:s25+$0x1A780];
	v0 =	vcvt.s32.f32 v4;
	[tilespmem:s25+$0x1C720] =	vst v1  }
0x98: {  	v4 =	vld [tilespmem:s25+$0x1A790];
	v1 =	vcvt.s32.f32 v5;
	[tilespmem:s25+$0x1C750] =	vst v2  }
0x99: {  	v3 =	vcvt.s32.f32 v7;
	[tilespmem:s25+$0x1C730] =	vst v0;
	v0 =	vld [tilespmem:s25+$0x1A7A0]  }
0x9a: {  	v5 =	vcvt.s32.f32 v8;
	[tilespmem:s25+$0x1C740] =	vst v1;
	v1 =	vld [tilespmem:s25+$0x1A7B0]  }
0x9b: {  	v2 =	vld [tilespmem:s25+$0x1A7C0];
	[tilespmem:s25+$0x1C760] =	vst v3  }
0x9c: {  	v3 =	vld [tilespmem:s25+$0x1A7D0];
	[tilespmem:s25+$0x1C770] =	vst v5;
	v5 =	vcvt.s32.f32 v9  }
0x9d: {  	s28 =	simm.s32 $0x800;
	s26 =	simm.s32 $0x100;
	v6 =	vcvt.s32.f32 v4;
	v4 =	vld [tilespmem:s25+$0x1A7E0]  }
.LBB2_7:
0x9e: {  	p1 =	sne.s32 s28, $0x3C00;
	v7 =	vld [tilespmem:s26+$0x1A7F0];
	[tilespmem:s25+$0x1C780] =	vst v5;
	v0 =	vcvt.s32.f32 v0  }
0x9f: {  	v5 =	vld [tilespmem:s26+$0x1A700];
	[tilespmem:s25+$0x1C790] =	vst v6;
	v1 =	vcvt.s32.f32 v1  }
0xa0: {  	v6 =	vld [tilespmem:s26+$0x1A710];
	[tilespmem:s25+$0x1C7A0] =	vst v0;
	v0 =	vcvt.s32.f32 v2  }
0xa1: {  	v2 =	vld [tilespmem:s26+$0x1A720];
	[tilespmem:s25+$0x1C7B0] =	vst v1;
	v1 =	vcvt.s32.f32 v3  }
0xa2: {  	v3 =	vld [tilespmem:s26+$0x1A730];
	[tilespmem:s25+$0x1C7C0] =	vst v0;
	v0 =	vcvt.s32.f32 v4  }
0xa3: {  	v4 =	vld [tilespmem:s26+$0x1A740];
	v7 =	vcvt.s32.f32 v7;
	[tilespmem:s25+$0x1C7D0] =	vst v1  }
0xa4: {  	v1 =	vcvt.s32.f32 v5;
	v5 =	vld [tilespmem:s26+$0x1A750];
	[tilespmem:s25+$0x1C7E0] =	vst v0;
	s25 =	smov.u32 s26  }
0xa5: {  	v0 =	vcvt.s32.f32 v6;
	v6 =	vld [tilespmem:s25+$0x1A760];
	[tilespmem:s25+$0x1C7F0] =	vst v7  }
0xa6: {  	[tilespmem:s25+$0x1C700] =	vst v1;
	v1 =	vcvt.s32.f32 v2;
	v2 =	vld [tilespmem:s25+$0x1A770]  }
0xa7: {  	[tilespmem:s25+$0x1C710] =	vst v0;
	v0 =	vcvt.s32.f32 v3;
	v3 =	vld [tilespmem:s25+$0x1A780]  }
0xa8: {  	[tilespmem:s25+$0x1C720] =	vst v1;
	v1 =	vcvt.s32.f32 v4;
	v4 =	vld [tilespmem:s25+$0x1A790]  }
.Ltmp3:
0xa9: {  	[tilespmem:s25+$0x1C730] =	vst v0;
	v5 =	vcvt.s32.f32 v5;
	v0 =	vld [tilespmem:s25+$0x1A7A0];
	(pc) =	sbr.rel @p1 .LBB2_7-.Ltmp3, $4  }
0xaa: {  	[tilespmem:s25+$0x1C740] =	vst v1;
	v6 =	vcvt.s32.f32 v6;
	v1 =	vld [tilespmem:s25+$0x1A7B0]  }
0xab: {  	[tilespmem:s25+$0x1C750] =	vst v5;
	v7 =	vcvt.s32.f32 v2;
	v2 =	vld [tilespmem:s25+$0x1A7C0]  }
0xac: {  	[tilespmem:s25+$0x1C760] =	vst v6;
	v5 =	vcvt.s32.f32 v3;
	v3 =	vld [tilespmem:s25+$0x1A7D0]  }
0xad: {  	s26 =	sshra.s32 s28, $0x2;
	s28 =	sadd.s32 $0x400, s28;
	[tilespmem:s25+$0x1C770] =	vst v7;
	v6 =	vcvt.s32.f32 v4;
	v4 =	vld [tilespmem:s25+$0x1A7E0]  }
0xae: {  	v7 =	vld [tilespmem:s26+$0x1A7F0];
	[tilespmem:s25+$0x1C780] =	vst v5;
	v0 =	vcvt.s32.f32 v0  }
0xaf: {  	v5 =	vld [tilespmem:s26+$0x1A700];
	[tilespmem:s25+$0x1C790] =	vst v6;
	v1 =	vcvt.s32.f32 v1  }
0xb0: {  	v6 =	vld [tilespmem:s26+$0x1A710];
	[tilespmem:s25+$0x1C7A0] =	vst v0;
	v2 =	vcvt.s32.f32 v2  }
0xb1: {  	v0 =	vld [tilespmem:s26+$0x1A720];
	[tilespmem:s25+$0x1C7B0] =	vst v1;
	v3 =	vcvt.s32.f32 v3  }
0xb2: {  	v1 =	vld [tilespmem:s26+$0x1A730];
	[tilespmem:s25+$0x1C7C0] =	vst v2;
	v4 =	vcvt.s32.f32 v4  }
0xb3: {  	v2 =	vld [tilespmem:s26+$0x1A740];
	[tilespmem:s25+$0x1C7D0] =	vst v3;
	v7 =	vcvt.s32.f32 v7  }
0xb4: {  	v3 =	vld [tilespmem:s26+$0x1A750];
	[tilespmem:s25+$0x1C7E0] =	vst v4;
	v4 =	vcvt.s32.f32 v5  }
0xb5: {  	v5 =	vld [tilespmem:s26+$0x1A760];
	[tilespmem:s26+$0x1C7F0] =	vst v7;
	v6 =	vcvt.s32.f32 v6  }
0xb6: {  	[tilespmem:s26+$0x1C700] =	vst v4;
	v4 =	vld [tilespmem:s26+$0x1A770];
	v0 =	vcvt.s32.f32 v0  }
0xb7: {  	[tilespmem:s26+$0x1C710] =	vst v6;
	v6 =	vld [tilespmem:s26+$0x1A780];
	v1 =	vcvt.s32.f32 v1  }
0xb8: {  	[tilespmem:s26+$0x1C720] =	vst v0;
	v0 =	vld [tilespmem:s26+$0x1A790];
	v2 =	vcvt.s32.f32 v2  }
0xb9: {  	[tilespmem:s26+$0x1C730] =	vst v1;
	v1 =	vld [tilespmem:s26+$0x1A7A0];
	v3 =	vcvt.s32.f32 v3  }
0xba: {  	[tilespmem:s26+$0x1C740] =	vst v2;
	v2 =	vld [tilespmem:s26+$0x1A7B0];
	v5 =	vcvt.s32.f32 v5  }
0xbb: {  	[tilespmem:s26+$0x1C750] =	vst v3;
	v3 =	vld [tilespmem:s26+$0x1A7C0];
	v4 =	vcvt.s32.f32 v4  }
0xbc: {  	[tilespmem:s26+$0x1C760] =	vst v5;
	v5 =	vld [tilespmem:s26+$0x1A7D0];
	v6 =	vcvt.s32.f32 v6  }
0xbd: {  	[tilespmem:s26+$0x1C770] =	vst v4;
	v0 =	vcvt.s32.f32 v0;
	v4 =	vld [tilespmem:s26+$0x1A7E0]  }
0xbe: {  	[tilespmem:s26+$0x1C780] =	vst v6;
	v1 =	vcvt.s32.f32 v1  }
0xbf: {  	[tilespmem:s26+$0x1C790] =	vst v0;
	v0 =	vcvt.s32.f32 v2  }
0xc0: {  	[tilespmem:s26+$0x1C7A0] =	vst v1;
	v1 =	vcvt.s32.f32 v3  }
0xc1: {  	[tilespmem:s26+$0x1C7B0] =	vst v0;
	v0 =	vcvt.s32.f32 v5  }
0xc2: {  	[tilespmem:s26+$0x1C7C0] =	vst v1;
	v1 =	vcvt.s32.f32 v4  }
0xc3: {  	[tilespmem:s26+$0x1C7D0] =	vst v0  }
0xc4: {  	[tilespmem:s26+$0x1C7E0] =	vst v1  }
0xc5: {  	[hbm4b:s12+s16] =	stream.strided.scatter [tilespmem:s20], [sflag:$0x3], $0x1000, s17, s16, $0x38;
	[tilespmem:$0x1E700] =	vst v63  }
0xc6: {  	_ =	swait.ge [sflag:s19], $0x1000  }
0xc7: {  	[sflag:s19] =	ssyncset.done $0x0  }
0xc8: {  	s25 =	simm.s32 $0x0;
	[sflag:s19] =	ssyncadd.s32 $0xFFFFF000  }
0xc9: {  	v0 =	vld [tilespmem:s25+$0x1B7F0]  }
0xca: {  	v1 =	vld [tilespmem:s25+$0x1B700]  }
0xcb: {  	v2 =	vld [tilespmem:s25+$0x1B710]  }
0xcc: {  	v3 =	vld [tilespmem:s25+$0x1B720]  }
0xcd: {  	v6 =	vld [tilespmem:s25+$0x1B750]  }
0xce: {  	v4 =	vld [tilespmem:s25+$0x1B730];
	v0 =	vcvt.s32.f32 v0  }
0xcf: {  	v5 =	vld [tilespmem:s25+$0x1B740];
	v1 =	vcvt.s32.f32 v1  }
0xd0: {  	v7 =	vld [tilespmem:s25+$0x1B760];
	[tilespmem:s25+$0x1D7F0] =	vst v0;
	v0 =	vcvt.s32.f32 v2  }
0xd1: {  	v8 =	vld [tilespmem:s25+$0x1B770];
	[tilespmem:s25+$0x1D700] =	vst v1;
	v1 =	vcvt.s32.f32 v3  }
0xd2: {  	v2 =	vcvt.s32.f32 v6;
	[tilespmem:s25+$0x1D710] =	vst v0  }
0xd3: {  	v9 =	vld [tilespmem:s25+$0x1B780];
	v0 =	vcvt.s32.f32 v4;
	[tilespmem:s25+$0x1D720] =	vst v1  }
0xd4: {  	v4 =	vld [tilespmem:s25+$0x1B790];
	v1 =	vcvt.s32.f32 v5;
	[tilespmem:s25+$0x1D750] =	vst v2  }
0xd5: {  	v3 =	vcvt.s32.f32 v7;
	[tilespmem:s25+$0x1D730] =	vst v0;
	v0 =	vld [tilespmem:s25+$0x1B7A0]  }
0xd6: {  	v5 =	vcvt.s32.f32 v8;
	[tilespmem:s25+$0x1D740] =	vst v1;
	v1 =	vld [tilespmem:s25+$0x1B7B0]  }
0xd7: {  	v2 =	vld [tilespmem:s25+$0x1B7C0];
	[tilespmem:s25+$0x1D760] =	vst v3  }
0xd8: {  	v3 =	vld [tilespmem:s25+$0x1B7D0];
	[tilespmem:s25+$0x1D770] =	vst v5;
	v5 =	vcvt.s32.f32 v9  }
0xd9: {  	s28 =	simm.s32 $0x800;
	s26 =	simm.s32 $0x100;
	v6 =	vcvt.s32.f32 v4;
	v4 =	vld [tilespmem:s25+$0x1B7E0]  }
.LBB2_9:
0xda: {  	p1 =	sne.s32 s28, $0x3C00;
	v7 =	vld [tilespmem:s26+$0x1B7F0];
	[tilespmem:s25+$0x1D780] =	vst v5;
	v0 =	vcvt.s32.f32 v0  }
0xdb: {  	v5 =	vld [tilespmem:s26+$0x1B700];
	[tilespmem:s25+$0x1D790] =	vst v6;
	v1 =	vcvt.s32.f32 v1  }
0xdc: {  	v6 =	vld [tilespmem:s26+$0x1B710];
	[tilespmem:s25+$0x1D7A0] =	vst v0;
	v0 =	vcvt.s32.f32 v2  }
0xdd: {  	v2 =	vld [tilespmem:s26+$0x1B720];
	[tilespmem:s25+$0x1D7B0] =	vst v1;
	v1 =	vcvt.s32.f32 v3  }
0xde: {  	v3 =	vld [tilespmem:s26+$0x1B730];
	[tilespmem:s25+$0x1D7C0] =	vst v0;
	v0 =	vcvt.s32.f32 v4  }
0xdf: {  	v4 =	vld [tilespmem:s26+$0x1B740];
	v7 =	vcvt.s32.f32 v7;
	[tilespmem:s25+$0x1D7D0] =	vst v1  }
0xe0: {  	v1 =	vcvt.s32.f32 v5;
	v5 =	vld [tilespmem:s26+$0x1B750];
	[tilespmem:s25+$0x1D7E0] =	vst v0;
	s25 =	smov.u32 s26  }
0xe1: {  	v0 =	vcvt.s32.f32 v6;
	v6 =	vld [tilespmem:s25+$0x1B760];
	[tilespmem:s25+$0x1D7F0] =	vst v7  }
0xe2: {  	[tilespmem:s25+$0x1D700] =	vst v1;
	v1 =	vcvt.s32.f32 v2;
	v2 =	vld [tilespmem:s25+$0x1B770]  }
0xe3: {  	[tilespmem:s25+$0x1D710] =	vst v0;
	v0 =	vcvt.s32.f32 v3;
	v3 =	vld [tilespmem:s25+$0x1B780]  }
0xe4: {  	[tilespmem:s25+$0x1D720] =	vst v1;
	v1 =	vcvt.s32.f32 v4;
	v4 =	vld [tilespmem:s25+$0x1B790]  }
.Ltmp4:
0xe5: {  	[tilespmem:s25+$0x1D730] =	vst v0;
	v5 =	vcvt.s32.f32 v5;
	v0 =	vld [tilespmem:s25+$0x1B7A0];
	(pc) =	sbr.rel @p1 .LBB2_9-.Ltmp4, $4  }
0xe6: {  	[tilespmem:s25+$0x1D740] =	vst v1;
	v6 =	vcvt.s32.f32 v6;
	v1 =	vld [tilespmem:s25+$0x1B7B0]  }
0xe7: {  	[tilespmem:s25+$0x1D750] =	vst v5;
	v7 =	vcvt.s32.f32 v2;
	v2 =	vld [tilespmem:s25+$0x1B7C0]  }
0xe8: {  	[tilespmem:s25+$0x1D760] =	vst v6;
	v5 =	vcvt.s32.f32 v3;
	v3 =	vld [tilespmem:s25+$0x1B7D0]  }
0xe9: {  	s26 =	sshra.s32 s28, $0x2;
	s28 =	sadd.s32 $0x400, s28;
	[tilespmem:s25+$0x1D770] =	vst v7;
	v6 =	vcvt.s32.f32 v4;
	v4 =	vld [tilespmem:s25+$0x1B7E0]  }
0xea: {  	v7 =	vld [tilespmem:s26+$0x1B7F0];
	[tilespmem:s25+$0x1D780] =	vst v5;
	v0 =	vcvt.s32.f32 v0  }
0xeb: {  	v5 =	vld [tilespmem:s26+$0x1B700];
	[tilespmem:s25+$0x1D790] =	vst v6;
	v1 =	vcvt.s32.f32 v1  }
0xec: {  	v6 =	vld [tilespmem:s26+$0x1B710];
	[tilespmem:s25+$0x1D7A0] =	vst v0;
	v2 =	vcvt.s32.f32 v2  }
0xed: {  	v0 =	vld [tilespmem:s26+$0x1B720];
	[tilespmem:s25+$0x1D7B0] =	vst v1;
	v3 =	vcvt.s32.f32 v3  }
0xee: {  	v1 =	vld [tilespmem:s26+$0x1B730];
	[tilespmem:s25+$0x1D7C0] =	vst v2;
	v4 =	vcvt.s32.f32 v4  }
0xef: {  	v2 =	vld [tilespmem:s26+$0x1B740];
	[tilespmem:s25+$0x1D7D0] =	vst v3;
	v7 =	vcvt.s32.f32 v7  }
0xf0: {  	v3 =	vld [tilespmem:s26+$0x1B750];
	[tilespmem:s25+$0x1D7E0] =	vst v4;
	v50 =	vcvt.s32.f32 v5  }
0xf1: {  	v51 =	vld [tilespmem:s26+$0x1B760];
	[tilespmem:s26+$0x1D7F0] =	vst v7;
	v6 =	vcvt.s32.f32 v6  }
0xf2: {  	v52 =	vld [tilespmem:s26+$0x1B770];
	[tilespmem:s26+$0x1D700] =	vst v50;
	v0 =	vcvt.s32.f32 v0  }
0xf3: {  	v53 =	vld [tilespmem:s26+$0x1B780];
	[tilespmem:s26+$0x1D710] =	vst v6;
	v1 =	vcvt.s32.f32 v1  }
0xf4: {  	v54 =	vld [tilespmem:s26+$0x1B790];
	[tilespmem:s26+$0x1D720] =	vst v0;
	v2 =	vcvt.s32.f32 v2  }
0xf5: {  	v55 =	vld [tilespmem:s26+$0x1B7A0];
	[tilespmem:s26+$0x1D730] =	vst v1;
	v3 =	vcvt.s32.f32 v3  }
0xf6: {  	v56 =	vld [tilespmem:s26+$0x1B7B0];
	[tilespmem:s26+$0x1D740] =	vst v2;
	v5 =	vcvt.s32.f32 v51  }
0xf7: {  	v57 =	vld [tilespmem:s26+$0x1B7C0];
	v4 =	vcvt.s32.f32 v52;
	[tilespmem:s26+$0x1D750] =	vst v3  }
0xf8: {  	v58 =	vld [tilespmem:s26+$0x1B7D0];
	v6 =	vcvt.s32.f32 v53;
	[tilespmem:s26+$0x1D760] =	vst v5  }
0xf9: {  	v59 =	vld [tilespmem:s26+$0x1B7E0];
	v0 =	vcvt.s32.f32 v54;
	[tilespmem:s26+$0x1D770] =	vst v4  }
0xfa: {  	v1 =	vcvt.s32.f32 v55;
	[tilespmem:s26+$0x1D780] =	vst v6  }
0xfb: {  	v60 =	vcvt.s32.f32 v56;
	[tilespmem:s26+$0x1D790] =	vst v0  }
0xfc: {  	v61 =	vcvt.s32.f32 v57;
	[tilespmem:s26+$0x1D7A0] =	vst v1  }
0xfd: {  	v62 =	vcvt.s32.f32 v58;
	[tilespmem:s26+$0x1D7B0] =	vst v60  }
0xfe: {  	v63 =	vcvt.s32.f32 v59;
	[tilespmem:s26+$0x1D7C0] =	vst v61  }
0xff: {  	[tilespmem:s26+$0x1D7D0] =	vst v62  }
0x100: {  	[tilespmem:s26+$0x1D7E0] =	vst v63  }
0x101: {  	[hbm4b:s13+s16] =	stream.strided.scatter [tilespmem:s21], [sflag:$0x3], $0x1000, s17, s16, $0x38;
	[tilespmem:$0x1E700] =	vst v63  }
0x102: {  	_ =	swait.ge [sflag:s19], $0x1000  }
0x103: {  	[sflag:s19] =	ssyncset.done $0x0  }
0x104: {  	[sflag:s19] =	ssyncadd.s32 $0xFFFFF000  }
.LBB2_11:
0x105: {  	s25 =	simm.s32 $0x0;
	s26 =	simm.s32 $0xFFFFFFFF  }
.LBB2_12:
0x106: {  	s28 =	sadd.s32 s14, s25  }
0x107: {  	s2 =	smov.u32 s26;
	s26 =	sshrl.u32 s28, $0x5  }
0x108: {  	p1 =	seq.s32 s26, s2  }
0x109: {  	s2 =	sadd.s32 @!p1 $0xD, s26  }
0x10a: {  	s29 =	sshll.u32 @!p1 s2, $0xE;
	s2 =	sshll.u32 @!p1 s2, $0x7  }
0x10b: {  	s29 =	sand.u32 @!p1 $0xFFFE0000, s29;
	s2 =	sand.u32 @!p1 $0x380, s2  }
0x10c: {  	s2 =	sor.u32 @!p1 s2, s29  }
0x10d: {  	s30 =	simm.s32 @!p1 $0x400;
	s2 =	sshrl.u32 @!p1 s2, $0x3  }
0x10e: {  	s31 =	simm.s32 @!p1 $0x18700;
	s29 =	simm.s32 @!p1 $0x80;
	s2 =	sadd.s32 @!p1 s1, s2  }
0x10f: {  	[tilespmem:s31], [sflag:$0x3] =	stream.strided.gather @!p1 [hbm4b:s2+s29], $0x4000, s30, s29, $0x38;
	[tilespmem:$0x1E700] =	vst v63  }
0x110: {  	s2 =	sshrl.u32 s28, $0x3  }
0x111: {  	s29 =	sshll.u32 s28, $0x7;
	s2 =	smul.u32 $0xC3800, s2  }
0x112: {  	s30 =	simm.s32 @!p1 $0x3;
	s29 =	sand.u32 $0x380, s29  }
0x113: {  	_ =	swait.ge @!p1 [sflag:s30], $0x4000;
	s2 =	sor.u32 s29, s2  }
0x114: {  	[sflag:s30] =	ssyncset.done @!p1 $0x0;
	s2 =	sshrl.u32 s2, $0x3  }
0x115: {  	[sflag:s30] =	ssyncadd.s32 @!p1 $0xFFFFC000;
	s2 =	sadd.s32 s3, s2  }
0x116: {  	[tilespmem:s5], [sflag:$0x3] =	stream.strided.gather [hbm4b:s2+s16], $0x18700, s17, s16, $0x38;
	[tilespmem:$0x1E700] =	vst v63  }
0x117: {  	_ =	swait.ge [sflag:s19], $0x18700  }
0x118: {  	p1 =	seq.s32 s25, $0x0;
	[sflag:s19] =	ssyncset.done $0x0  }
0x119: {  	s2 =	simm.s32 @!p1 $0x1;
	[sflag:s19] =	ssyncadd.s32 $0xFFFE7900  }
0x11a: {  	_ =	swait.ge @!p1 [sflag:s2], $0x1000  }
0x11b: {  	[sflag:s2] =	ssyncset.done @!p1 $0x0  }
0x11c: {  	s29 =	simm.s32 $0x0;
	[sflag:s2] =	ssyncadd.s32 @!p1 $0xFFFFF000  }
0x11d: {  	v0 =	vld [tilespmem:s29+$0x18700];
	_ =	sdelay $0x5  }
0x11e: {  	v1 =	vld [tilespmem:s29+$0x18710];
	_ =	sdelay $0x1  }
0x11f: {  	v0 =	vld.idx.msk [tilespmem:v0+s5+$0x0], $0xffff;
	_ =	sdelay $0x4  }
0x120: {  	[tilespmem:s29+$0x1C700] =	vst v0;
	v0 =	vld [tilespmem:s29+$0x18720]  }
0x121: {  	v1 =	vld.idx.msk [tilespmem:v1+s5+$0x0], $0xffff;
	_ =	sdelay $0x4  }
0x122: {  	[tilespmem:s29+$0x1C710] =	vst v1;
	v1 =	vld [tilespmem:s29+$0x18730];
	_ =	sdelay $0x1  }
0x123: {  	v0 =	vld.idx.msk [tilespmem:v0+s5+$0x0], $0xffff;
	_ =	sdelay $0x4  }
0x124: {  	[tilespmem:s29+$0x1C720] =	vst v0;
	v0 =	vld [tilespmem:s29+$0x18740]  }
0x125: {  	v1 =	vld.idx.msk [tilespmem:v1+s5+$0x0], $0xffff;
	_ =	sdelay $0x4  }
0x126: {  	[tilespmem:s29+$0x1C730] =	vst v1;
	v1 =	vld [tilespmem:s29+$0x18750];
	_ =	sdelay $0x1  }
0x127: {  	v0 =	vld.idx.msk [tilespmem:v0+s5+$0x0], $0xffff;
	_ =	sdelay $0x4  }
0x128: {  	[tilespmem:s29+$0x1C740] =	vst v0;
	v0 =	vld [tilespmem:s29+$0x18760]  }
0x129: {  	v1 =	vld.idx.msk [tilespmem:v1+s5+$0x0], $0xffff;
	_ =	sdelay $0x4  }
0x12a: {  	[tilespmem:s29+$0x1C750] =	vst v1;
	v1 =	vld [tilespmem:s29+$0x18770];
	_ =	sdelay $0x1  }
0x12b: {  	v0 =	vld.idx.msk [tilespmem:v0+s5+$0x0], $0xffff;
	_ =	sdelay $0x4  }
0x12c: {  	[tilespmem:s29+$0x1C760] =	vst v0;
	v0 =	vld [tilespmem:s29+$0x18780]  }
0x12d: {  	v1 =	vld.idx.msk [tilespmem:v1+s5+$0x0], $0xffff;
	_ =	sdelay $0x4  }
0x12e: {  	[tilespmem:s29+$0x1C770] =	vst v1;
	v1 =	vld [tilespmem:s29+$0x18790];
	_ =	sdelay $0x1  }
0x12f: {  	v0 =	vld.idx.msk [tilespmem:v0+s5+$0x0], $0xffff;
	_ =	sdelay $0x4  }
0x130: {  	[tilespmem:s29+$0x1C780] =	vst v0;
	v0 =	vld [tilespmem:s29+$0x187A0]  }
0x131: {  	v1 =	vld.idx.msk [tilespmem:v1+s5+$0x0], $0xffff;
	_ =	sdelay $0x4  }
0x132: {  	[tilespmem:s29+$0x1C790] =	vst v1;
	v1 =	vld [tilespmem:s29+$0x187B0];
	_ =	sdelay $0x1  }
0x133: {  	v0 =	vld.idx.msk [tilespmem:v0+s5+$0x0], $0xffff;
	_ =	sdelay $0x4  }
0x134: {  	[tilespmem:s29+$0x1C7A0] =	vst v0;
	v0 =	vld [tilespmem:s29+$0x187C0]  }
0x135: {  	v1 =	vld.idx.msk [tilespmem:v1+s5+$0x0], $0xffff;
	_ =	sdelay $0x4  }
0x136: {  	[tilespmem:s29+$0x1C7B0] =	vst v1;
	v1 =	vld [tilespmem:s29+$0x187D0];
	_ =	sdelay $0x1  }
0x137: {  	v0 =	vld.idx.msk [tilespmem:v0+s5+$0x0], $0xffff;
	_ =	sdelay $0x4  }
0x138: {  	v2 =	vld [tilespmem:s29+$0x187E0];
	[tilespmem:s29+$0x1C7C0] =	vst v0  }
0x139: {  	v0 =	vld.idx.msk [tilespmem:v1+s5+$0x0], $0xffff;
	_ =	sdelay $0x4  }
0x13a: {  	[tilespmem:s29+$0x1C7D0] =	vst v0;
	v0 =	vld [tilespmem:s29+$0x187F0];
	_ =	sdelay $0x1  }
0x13b: {  	v1 =	vld.idx.msk [tilespmem:v2+s5+$0x0], $0xffff;
	_ =	sdelay $0x3  }
0x13c: {  	s31 =	simm.s32 $0x100;
	s30 =	simm.s32 $0x800  }
.LBB2_13:
0x13d: {  	p2 =	sne.s32 s30, $0x3C00;
	v2 =	vld [tilespmem:s31+$0x18700];
	[tilespmem:s29+$0x1C7E0] =	vst v1  }
0x13e: {  	v0 =	vld.idx.msk [tilespmem:v0+s5+$0x0], $0xffff;
	_ =	sdelay $0x5  }
0x13f: {  	v1 =	vld [tilespmem:s31+$0x18710];
	[tilespmem:s29+$0x1C7F0] =	vst v0;
	s29 =	smov.u32 s31  }
0x140: {  	v0 =	vld.idx.msk [tilespmem:v2+s5+$0x0], $0xffff;
	_ =	sdelay $0x5  }
0x141: {  	[tilespmem:s29+$0x1C700] =	vst v0;
	v0 =	vld [tilespmem:s29+$0x18720]  }
0x142: {  	v1 =	vld.idx.msk [tilespmem:v1+s5+$0x0], $0xffff;
	_ =	sdelay $0x5  }
0x143: {  	[tilespmem:s29+$0x1C710] =	vst v1;
	v1 =	vld [tilespmem:s29+$0x18730]  }
0x144: {  	v0 =	vld.idx.msk [tilespmem:v0+s5+$0x0], $0xffff;
	_ =	sdelay $0x5  }
0x145: {  	[tilespmem:s29+$0x1C720] =	vst v0;
	v0 =	vld [tilespmem:s29+$0x18740]  }
0x146: {  	v1 =	vld.idx.msk [tilespmem:v1+s5+$0x0], $0xffff;
	_ =	sdelay $0x5  }
0x147: {  	[tilespmem:s29+$0x1C730] =	vst v1;
	v1 =	vld [tilespmem:s29+$0x18750]  }
0x148: {  	v0 =	vld.idx.msk [tilespmem:v0+s5+$0x0], $0xffff;
	_ =	sdelay $0x5  }
0x149: {  	[tilespmem:s29+$0x1C740] =	vst v0;
	v0 =	vld [tilespmem:s29+$0x18760]  }
0x14a: {  	v1 =	vld.idx.msk [tilespmem:v1+s5+$0x0], $0xffff;
	_ =	sdelay $0x5  }
0x14b: {  	[tilespmem:s29+$0x1C750] =	vst v1;
	v1 =	vld [tilespmem:s29+$0x18770]  }
0x14c: {  	v0 =	vld.idx.msk [tilespmem:v0+s5+$0x0], $0xffff;
	_ =	sdelay $0x5  }
0x14d: {  	[tilespmem:s29+$0x1C760] =	vst v0;
	v0 =	vld [tilespmem:s29+$0x18780]  }
0x14e: {  	v1 =	vld.idx.msk [tilespmem:v1+s5+$0x0], $0xffff;
	_ =	sdelay $0x5  }
0x14f: {  	[tilespmem:s29+$0x1C770] =	vst v1;
	v1 =	vld [tilespmem:s29+$0x18790]  }
0x150: {  	v0 =	vld.idx.msk [tilespmem:v0+s5+$0x0], $0xffff;
	_ =	sdelay $0x5  }
0x151: {  	[tilespmem:s29+$0x1C780] =	vst v0;
	v0 =	vld [tilespmem:s29+$0x187A0]  }
0x152: {  	v1 =	vld.idx.msk [tilespmem:v1+s5+$0x0], $0xffff;
	_ =	sdelay $0x5  }
0x153: {  	[tilespmem:s29+$0x1C790] =	vst v1;
	v1 =	vld [tilespmem:s29+$0x187B0]  }
0x154: {  	v0 =	vld.idx.msk [tilespmem:v0+s5+$0x0], $0xffff;
	_ =	sdelay $0x5  }
0x155: {  	[tilespmem:s29+$0x1C7A0] =	vst v0;
	v0 =	vld [tilespmem:s29+$0x187C0]  }
0x156: {  	v1 =	vld.idx.msk [tilespmem:v1+s5+$0x0], $0xffff;
	_ =	sdelay $0x5  }
0x157: {  	[tilespmem:s29+$0x1C7B0] =	vst v1;
	v1 =	vld [tilespmem:s29+$0x187D0]  }
0x158: {  	v0 =	vld.idx.msk [tilespmem:v0+s5+$0x0], $0xffff;
	_ =	sdelay $0x5  }
0x159: {  	[tilespmem:s29+$0x1C7C0] =	vst v0;
	v2 =	vld [tilespmem:s29+$0x187E0]  }
0x15a: {  	v0 =	vld.idx.msk [tilespmem:v1+s5+$0x0], $0xffff;
	_ =	sdelay $0x5  }
0x15b: {  	[tilespmem:s29+$0x1C7D0] =	vst v0;
	v0 =	vld [tilespmem:s29+$0x187F0]  }
0x15c: {  	v1 =	vld.idx.msk [tilespmem:v2+s5+$0x0], $0xffff  }
.Ltmp5:
0x15d: {  	(pc) =	sbr.rel @p2 .LBB2_13-.Ltmp5, $2  }
0x15e: {  	_ =	sdelay $0x2  }
0x15f: {  	s31 =	sshra.s32 s30, $0x2;
	s30 =	sadd.s32 $0x400, s30  }
0x160: {  	_ =	sdelay $0x1  }
0x161: {  	v2 =	vld [tilespmem:s31+$0x18700]  }
0x162: {  	[tilespmem:s29+$0x1C7E0] =	vst v1  }
0x163: {  	v0 =	vld.idx.msk [tilespmem:v0+s5+$0x0], $0xffff;
	_ =	sdelay $0x3  }
0x164: {  	v1 =	vld [tilespmem:s31+$0x18710]  }
0x165: {  	[tilespmem:s29+$0x1C7F0] =	vst v0  }
0x166: {  	v0 =	vld.idx.msk [tilespmem:v2+s5+$0x0], $0xffff;
	_ =	sdelay $0x4  }
0x167: {  	[tilespmem:s31+$0x1C700] =	vst v0;
	v0 =	vld [tilespmem:s31+$0x18720]  }
0x168: {  	v1 =	vld.idx.msk [tilespmem:v1+s5+$0x0], $0xffff;
	_ =	sdelay $0x4  }
0x169: {  	[tilespmem:s31+$0x1C710] =	vst v1;
	v1 =	vld [tilespmem:s31+$0x18730];
	_ =	sdelay $0x1  }
0x16a: {  	v0 =	vld.idx.msk [tilespmem:v0+s5+$0x0], $0xffff;
	_ =	sdelay $0x4  }
0x16b: {  	[tilespmem:s31+$0x1C720] =	vst v0;
	v0 =	vld [tilespmem:s31+$0x18740]  }
0x16c: {  	v1 =	vld.idx.msk [tilespmem:v1+s5+$0x0], $0xffff;
	_ =	sdelay $0x4  }
0x16d: {  	[tilespmem:s31+$0x1C730] =	vst v1;
	v1 =	vld [tilespmem:s31+$0x18750];
	_ =	sdelay $0x1  }
0x16e: {  	v0 =	vld.idx.msk [tilespmem:v0+s5+$0x0], $0xffff;
	_ =	sdelay $0x4  }
0x16f: {  	[tilespmem:s31+$0x1C740] =	vst v0;
	v0 =	vld [tilespmem:s31+$0x18760]  }
0x170: {  	v1 =	vld.idx.msk [tilespmem:v1+s5+$0x0], $0xffff;
	_ =	sdelay $0x4  }
0x171: {  	[tilespmem:s31+$0x1C750] =	vst v1;
	v1 =	vld [tilespmem:s31+$0x18770];
	_ =	sdelay $0x1  }
0x172: {  	v0 =	vld.idx.msk [tilespmem:v0+s5+$0x0], $0xffff;
	_ =	sdelay $0x4  }
0x173: {  	[tilespmem:s31+$0x1C760] =	vst v0;
	v0 =	vld [tilespmem:s31+$0x18780]  }
0x174: {  	v1 =	vld.idx.msk [tilespmem:v1+s5+$0x0], $0xffff;
	_ =	sdelay $0x4  }
0x175: {  	[tilespmem:s31+$0x1C770] =	vst v1;
	v1 =	vld [tilespmem:s31+$0x18790];
	_ =	sdelay $0x1  }
0x176: {  	v0 =	vld.idx.msk [tilespmem:v0+s5+$0x0], $0xffff;
	_ =	sdelay $0x4  }
0x177: {  	[tilespmem:s31+$0x1C780] =	vst v0;
	v0 =	vld [tilespmem:s31+$0x187A0]  }
0x178: {  	v1 =	vld.idx.msk [tilespmem:v1+s5+$0x0], $0xffff;
	_ =	sdelay $0x4  }
0x179: {  	[tilespmem:s31+$0x1C790] =	vst v1;
	v1 =	vld [tilespmem:s31+$0x187B0];
	_ =	sdelay $0x1  }
0x17a: {  	v0 =	vld.idx.msk [tilespmem:v0+s5+$0x0], $0xffff;
	_ =	sdelay $0x4  }
0x17b: {  	[tilespmem:s31+$0x1C7A0] =	vst v0;
	v0 =	vld [tilespmem:s31+$0x187C0]  }
0x17c: {  	v1 =	vld.idx.msk [tilespmem:v1+s5+$0x0], $0xffff;
	_ =	sdelay $0x4  }
0x17d: {  	[tilespmem:s31+$0x1C7B0] =	vst v1;
	v1 =	vld [tilespmem:s31+$0x187D0];
	_ =	sdelay $0x1  }
0x17e: {  	v0 =	vld.idx.msk [tilespmem:v0+s5+$0x0], $0xffff;
	_ =	sdelay $0x4  }
0x17f: {  	[tilespmem:s31+$0x1C7C0] =	vst v0;
	v0 =	vld [tilespmem:s31+$0x187E0]  }
0x180: {  	v1 =	vld.idx.msk [tilespmem:v1+s5+$0x0], $0xffff;
	_ =	sdelay $0x4  }
0x181: {  	[tilespmem:s31+$0x1C7D0] =	vst v1;
	v1 =	vld [tilespmem:s31+$0x187F0];
	_ =	sdelay $0x1  }
0x182: {  	v0 =	vld.idx.msk [tilespmem:v0+s5+$0x0], $0xffff;
	_ =	sdelay $0x4  }
0x183: {  	[tilespmem:s31+$0x1C7E0] =	vst v0  }
0x184: {  	v0 =	vld.idx.msk [tilespmem:v1+s5+$0x0], $0xffff  }
0x185: {  	s2 =	sadd.s32 $0xD, s28  }
0x186: {  	s28 =	sshll.u32 s2, $0xB;
	s2 =	sshll.u32 s2, $0x4  }
0x187: {  	s28 =	sand.u32 $0xFFFC000, s28;
	s2 =	sand.u32 $0x70, s2  }
0x188: {  	s28 =	sor.u32 s2, s28  }
0x189: {  	s2 =	sadd.s32 s4, s28;
	[tilespmem:s31+$0x1C7F0] =	vst v0  }
0x18a: {  	[hbm4b:s2+s16] =	stream.strided.scatter [tilespmem:s20], [sflag:$0x1], $0x1000, s17, s16, $0x38;
	[tilespmem:$0x1E700] =	vst v63  }
0x18b: {  	s2 =	simm.s32 @!p1 $0x2  }
0x18c: {  	_ =	swait.ge @!p1 [sflag:s2], $0x1000  }
0x18d: {  	[sflag:s2] =	ssyncset.done @!p1 $0x0  }
0x18e: {  	s29 =	simm.s32 $0x0;
	[sflag:s2] =	ssyncadd.s32 @!p1 $0xFFFFF000  }
0x18f: {  	v0 =	vld [tilespmem:s29+$0x19700];
	_ =	sdelay $0x5  }
0x190: {  	v1 =	vld [tilespmem:s29+$0x19710];
	_ =	sdelay $0x1  }
0x191: {  	v0 =	vld.idx.msk [tilespmem:v0+s5+$0x0], $0xffff;
	_ =	sdelay $0x4  }
0x192: {  	[tilespmem:s29+$0x1D700] =	vst v0;
	v0 =	vld [tilespmem:s29+$0x19720]  }
0x193: {  	v1 =	vld.idx.msk [tilespmem:v1+s5+$0x0], $0xffff;
	_ =	sdelay $0x4  }
0x194: {  	[tilespmem:s29+$0x1D710] =	vst v1;
	v1 =	vld [tilespmem:s29+$0x19730];
	_ =	sdelay $0x1  }
0x195: {  	v0 =	vld.idx.msk [tilespmem:v0+s5+$0x0], $0xffff;
	_ =	sdelay $0x4  }
0x196: {  	[tilespmem:s29+$0x1D720] =	vst v0;
	v0 =	vld [tilespmem:s29+$0x19740]  }
0x197: {  	v1 =	vld.idx.msk [tilespmem:v1+s5+$0x0], $0xffff;
	_ =	sdelay $0x4  }
0x198: {  	[tilespmem:s29+$0x1D730] =	vst v1;
	v1 =	vld [tilespmem:s29+$0x19750];
	_ =	sdelay $0x1  }
0x199: {  	v0 =	vld.idx.msk [tilespmem:v0+s5+$0x0], $0xffff;
	_ =	sdelay $0x4  }
0x19a: {  	[tilespmem:s29+$0x1D740] =	vst v0;
	v0 =	vld [tilespmem:s29+$0x19760]  }
0x19b: {  	v1 =	vld.idx.msk [tilespmem:v1+s5+$0x0], $0xffff;
	_ =	sdelay $0x4  }
0x19c: {  	[tilespmem:s29+$0x1D750] =	vst v1;
	v1 =	vld [tilespmem:s29+$0x19770];
	_ =	sdelay $0x1  }
0x19d: {  	v0 =	vld.idx.msk [tilespmem:v0+s5+$0x0], $0xffff;
	_ =	sdelay $0x4  }
0x19e: {  	[tilespmem:s29+$0x1D760] =	vst v0;
	v0 =	vld [tilespmem:s29+$0x19780]  }
0x19f: {  	v1 =	vld.idx.msk [tilespmem:v1+s5+$0x0], $0xffff;
	_ =	sdelay $0x4  }
0x1a0: {  	[tilespmem:s29+$0x1D770] =	vst v1;
	v1 =	vld [tilespmem:s29+$0x19790];
	_ =	sdelay $0x1  }
0x1a1: {  	v0 =	vld.idx.msk [tilespmem:v0+s5+$0x0], $0xffff;
	_ =	sdelay $0x4  }
0x1a2: {  	[tilespmem:s29+$0x1D780] =	vst v0;
	v0 =	vld [tilespmem:s29+$0x197A0]  }
0x1a3: {  	v1 =	vld.idx.msk [tilespmem:v1+s5+$0x0], $0xffff;
	_ =	sdelay $0x4  }
0x1a4: {  	[tilespmem:s29+$0x1D790] =	vst v1;
	v1 =	vld [tilespmem:s29+$0x197B0];
	_ =	sdelay $0x1  }
0x1a5: {  	v0 =	vld.idx.msk [tilespmem:v0+s5+$0x0], $0xffff;
	_ =	sdelay $0x4  }
0x1a6: {  	[tilespmem:s29+$0x1D7A0] =	vst v0;
	v0 =	vld [tilespmem:s29+$0x197C0]  }
0x1a7: {  	v1 =	vld.idx.msk [tilespmem:v1+s5+$0x0], $0xffff;
	_ =	sdelay $0x4  }
0x1a8: {  	[tilespmem:s29+$0x1D7B0] =	vst v1;
	v1 =	vld [tilespmem:s29+$0x197D0];
	_ =	sdelay $0x1  }
0x1a9: {  	v0 =	vld.idx.msk [tilespmem:v0+s5+$0x0], $0xffff;
	_ =	sdelay $0x4  }
0x1aa: {  	v2 =	vld [tilespmem:s29+$0x197E0];
	[tilespmem:s29+$0x1D7C0] =	vst v0  }
0x1ab: {  	v0 =	vld.idx.msk [tilespmem:v1+s5+$0x0], $0xffff;
	_ =	sdelay $0x4  }
0x1ac: {  	[tilespmem:s29+$0x1D7D0] =	vst v0;
	v0 =	vld [tilespmem:s29+$0x197F0];
	_ =	sdelay $0x1  }
0x1ad: {  	v1 =	vld.idx.msk [tilespmem:v2+s5+$0x0], $0xffff;
	_ =	sdelay $0x3  }
0x1ae: {  	s30 =	simm.s32 $0x800;
	s31 =	simm.s32 $0x100  }
.LBB2_15:
0x1af: {  	p1 =	sne.s32 s30, $0x3C00;
	v2 =	vld [tilespmem:s31+$0x19700];
	[tilespmem:s29+$0x1D7E0] =	vst v1  }
0x1b0: {  	v0 =	vld.idx.msk [tilespmem:v0+s5+$0x0], $0xffff;
	_ =	sdelay $0x5  }
0x1b1: {  	v1 =	vld [tilespmem:s31+$0x19710];
	[tilespmem:s29+$0x1D7F0] =	vst v0;
	s29 =	smov.u32 s31  }
0x1b2: {  	v0 =	vld.idx.msk [tilespmem:v2+s5+$0x0], $0xffff;
	_ =	sdelay $0x5  }
0x1b3: {  	[tilespmem:s29+$0x1D700] =	vst v0;
	v0 =	vld [tilespmem:s29+$0x19720]  }
0x1b4: {  	v1 =	vld.idx.msk [tilespmem:v1+s5+$0x0], $0xffff;
	_ =	sdelay $0x5  }
0x1b5: {  	[tilespmem:s29+$0x1D710] =	vst v1;
	v1 =	vld [tilespmem:s29+$0x19730]  }
0x1b6: {  	v0 =	vld.idx.msk [tilespmem:v0+s5+$0x0], $0xffff;
	_ =	sdelay $0x5  }
0x1b7: {  	[tilespmem:s29+$0x1D720] =	vst v0;
	v0 =	vld [tilespmem:s29+$0x19740]  }
0x1b8: {  	v1 =	vld.idx.msk [tilespmem:v1+s5+$0x0], $0xffff;
	_ =	sdelay $0x5  }
0x1b9: {  	[tilespmem:s29+$0x1D730] =	vst v1;
	v1 =	vld [tilespmem:s29+$0x19750]  }
0x1ba: {  	v0 =	vld.idx.msk [tilespmem:v0+s5+$0x0], $0xffff;
	_ =	sdelay $0x5  }
0x1bb: {  	[tilespmem:s29+$0x1D740] =	vst v0;
	v0 =	vld [tilespmem:s29+$0x19760]  }
0x1bc: {  	v1 =	vld.idx.msk [tilespmem:v1+s5+$0x0], $0xffff;
	_ =	sdelay $0x5  }
0x1bd: {  	[tilespmem:s29+$0x1D750] =	vst v1;
	v1 =	vld [tilespmem:s29+$0x19770]  }
0x1be: {  	v0 =	vld.idx.msk [tilespmem:v0+s5+$0x0], $0xffff;
	_ =	sdelay $0x5  }
0x1bf: {  	[tilespmem:s29+$0x1D760] =	vst v0;
	v0 =	vld [tilespmem:s29+$0x19780]  }
0x1c0: {  	v1 =	vld.idx.msk [tilespmem:v1+s5+$0x0], $0xffff;
	_ =	sdelay $0x5  }
0x1c1: {  	[tilespmem:s29+$0x1D770] =	vst v1;
	v1 =	vld [tilespmem:s29+$0x19790]  }
0x1c2: {  	v0 =	vld.idx.msk [tilespmem:v0+s5+$0x0], $0xffff;
	_ =	sdelay $0x5  }
0x1c3: {  	[tilespmem:s29+$0x1D780] =	vst v0;
	v0 =	vld [tilespmem:s29+$0x197A0]  }
0x1c4: {  	v1 =	vld.idx.msk [tilespmem:v1+s5+$0x0], $0xffff;
	_ =	sdelay $0x5  }
0x1c5: {  	[tilespmem:s29+$0x1D790] =	vst v1;
	v1 =	vld [tilespmem:s29+$0x197B0]  }
0x1c6: {  	v0 =	vld.idx.msk [tilespmem:v0+s5+$0x0], $0xffff;
	_ =	sdelay $0x5  }
0x1c7: {  	[tilespmem:s29+$0x1D7A0] =	vst v0;
	v0 =	vld [tilespmem:s29+$0x197C0]  }
0x1c8: {  	v1 =	vld.idx.msk [tilespmem:v1+s5+$0x0], $0xffff;
	_ =	sdelay $0x5  }
0x1c9: {  	[tilespmem:s29+$0x1D7B0] =	vst v1;
	v1 =	vld [tilespmem:s29+$0x197D0]  }
0x1ca: {  	v0 =	vld.idx.msk [tilespmem:v0+s5+$0x0], $0xffff;
	_ =	sdelay $0x5  }
0x1cb: {  	[tilespmem:s29+$0x1D7C0] =	vst v0;
	v2 =	vld [tilespmem:s29+$0x197E0]  }
0x1cc: {  	v0 =	vld.idx.msk [tilespmem:v1+s5+$0x0], $0xffff;
	_ =	sdelay $0x5  }
0x1cd: {  	[tilespmem:s29+$0x1D7D0] =	vst v0;
	v0 =	vld [tilespmem:s29+$0x197F0]  }
0x1ce: {  	v1 =	vld.idx.msk [tilespmem:v2+s5+$0x0], $0xffff  }
.Ltmp6:
0x1cf: {  	(pc) =	sbr.rel @p1 .LBB2_15-.Ltmp6, $2  }
0x1d0: {  	_ =	sdelay $0x2  }
0x1d1: {  	s31 =	sshra.s32 s30, $0x2;
	s30 =	sadd.s32 $0x400, s30  }
0x1d2: {  	_ =	sdelay $0x1  }
0x1d3: {  	v2 =	vld [tilespmem:s31+$0x19700]  }
0x1d4: {  	[tilespmem:s29+$0x1D7E0] =	vst v1  }
0x1d5: {  	v0 =	vld.idx.msk [tilespmem:v0+s5+$0x0], $0xffff;
	_ =	sdelay $0x3  }
0x1d6: {  	v1 =	vld [tilespmem:s31+$0x19710]  }
0x1d7: {  	[tilespmem:s29+$0x1D7F0] =	vst v0  }
0x1d8: {  	v0 =	vld.idx.msk [tilespmem:v2+s5+$0x0], $0xffff;
	_ =	sdelay $0x4  }
0x1d9: {  	[tilespmem:s31+$0x1D700] =	vst v0;
	v0 =	vld [tilespmem:s31+$0x19720]  }
0x1da: {  	v1 =	vld.idx.msk [tilespmem:v1+s5+$0x0], $0xffff;
	_ =	sdelay $0x4  }
0x1db: {  	[tilespmem:s31+$0x1D710] =	vst v1;
	v1 =	vld [tilespmem:s31+$0x19730];
	_ =	sdelay $0x1  }
0x1dc: {  	v0 =	vld.idx.msk [tilespmem:v0+s5+$0x0], $0xffff;
	_ =	sdelay $0x4  }
0x1dd: {  	[tilespmem:s31+$0x1D720] =	vst v0;
	v0 =	vld [tilespmem:s31+$0x19740]  }
0x1de: {  	v1 =	vld.idx.msk [tilespmem:v1+s5+$0x0], $0xffff;
	_ =	sdelay $0x4  }
0x1df: {  	[tilespmem:s31+$0x1D730] =	vst v1;
	v1 =	vld [tilespmem:s31+$0x19750];
	_ =	sdelay $0x1  }
0x1e0: {  	v0 =	vld.idx.msk [tilespmem:v0+s5+$0x0], $0xffff;
	_ =	sdelay $0x4  }
0x1e1: {  	[tilespmem:s31+$0x1D740] =	vst v0;
	v0 =	vld [tilespmem:s31+$0x19760]  }
0x1e2: {  	v1 =	vld.idx.msk [tilespmem:v1+s5+$0x0], $0xffff;
	_ =	sdelay $0x4  }
0x1e3: {  	[tilespmem:s31+$0x1D750] =	vst v1;
	v1 =	vld [tilespmem:s31+$0x19770];
	_ =	sdelay $0x1  }
0x1e4: {  	v0 =	vld.idx.msk [tilespmem:v0+s5+$0x0], $0xffff;
	_ =	sdelay $0x4  }
0x1e5: {  	[tilespmem:s31+$0x1D760] =	vst v0;
	v0 =	vld [tilespmem:s31+$0x19780]  }
0x1e6: {  	v1 =	vld.idx.msk [tilespmem:v1+s5+$0x0], $0xffff;
	_ =	sdelay $0x4  }
0x1e7: {  	[tilespmem:s31+$0x1D770] =	vst v1;
	v1 =	vld [tilespmem:s31+$0x19790];
	_ =	sdelay $0x1  }
0x1e8: {  	v0 =	vld.idx.msk [tilespmem:v0+s5+$0x0], $0xffff;
	_ =	sdelay $0x4  }
0x1e9: {  	[tilespmem:s31+$0x1D780] =	vst v0;
	v0 =	vld [tilespmem:s31+$0x197A0]  }
0x1ea: {  	v1 =	vld.idx.msk [tilespmem:v1+s5+$0x0], $0xffff;
	_ =	sdelay $0x4  }
0x1eb: {  	[tilespmem:s31+$0x1D790] =	vst v1;
	v1 =	vld [tilespmem:s31+$0x197B0];
	_ =	sdelay $0x1  }
0x1ec: {  	v0 =	vld.idx.msk [tilespmem:v0+s5+$0x0], $0xffff;
	_ =	sdelay $0x4  }
0x1ed: {  	[tilespmem:s31+$0x1D7A0] =	vst v0;
	v0 =	vld [tilespmem:s31+$0x197C0]  }
0x1ee: {  	v1 =	vld.idx.msk [tilespmem:v1+s5+$0x0], $0xffff;
	_ =	sdelay $0x4  }
0x1ef: {  	[tilespmem:s31+$0x1D7B0] =	vst v1;
	v1 =	vld [tilespmem:s31+$0x197D0];
	_ =	sdelay $0x1  }
0x1f0: {  	v0 =	vld.idx.msk [tilespmem:v0+s5+$0x0], $0xffff;
	_ =	sdelay $0x4  }
0x1f1: {  	[tilespmem:s31+$0x1D7C0] =	vst v0;
	v0 =	vld [tilespmem:s31+$0x197E0]  }
0x1f2: {  	v1 =	vld.idx.msk [tilespmem:v1+s5+$0x0], $0xffff;
	_ =	sdelay $0x4  }
0x1f3: {  	[tilespmem:s31+$0x1D7D0] =	vst v1;
	v1 =	vld [tilespmem:s31+$0x197F0];
	_ =	sdelay $0x1  }
0x1f4: {  	v0 =	vld.idx.msk [tilespmem:v0+s5+$0x0], $0xffff;
	_ =	sdelay $0x4  }
0x1f5: {  	[tilespmem:s31+$0x1D7E0] =	vst v0  }
0x1f6: {  	v0 =	vld.idx.msk [tilespmem:v1+s5+$0x0], $0xffff;
	_ =	sdelay $0x4  }
0x1f7: {  	s2 =	sadd.s32 s28, s8;
	[tilespmem:s31+$0x1D7F0] =	vst v0  }
0x1f8: {  	[hbm4b:s2+s16] =	stream.strided.scatter [tilespmem:s21], [sflag:$0x2], $0x1000, s17, s16, $0x38;
	[tilespmem:$0x1E700] =	vst v63  }
0x1f9: {  	_ =	swait.ge [sflag:s22], $0x1000  }
0x1fa: {  	[sflag:s22] =	ssyncset.done $0x0  }
0x1fb: {  	s30 =	simm.s32 $0x0;
	[sflag:s22] =	ssyncadd.s32 $0xFFFFF000  }
0x1fc: {  	v0 =	vld [tilespmem:s30+$0x1A700];
	_ =	sdelay $0x5  }
0x1fd: {  	v1 =	vld [tilespmem:s30+$0x1A710];
	_ =	sdelay $0x1  }
0x1fe: {  	v0 =	vld.idx.msk [tilespmem:v0+s5+$0x0], $0xffff;
	_ =	sdelay $0x4  }
0x1ff: {  	[tilespmem:s30+$0x1C700] =	vst v0;
	v0 =	vld [tilespmem:s30+$0x1A720]  }
0x200: {  	v1 =	vld.idx.msk [tilespmem:v1+s5+$0x0], $0xffff;
	_ =	sdelay $0x4  }
0x201: {  	[tilespmem:s30+$0x1C710] =	vst v1;
	v1 =	vld [tilespmem:s30+$0x1A730];
	_ =	sdelay $0x1  }
0x202: {  	v0 =	vld.idx.msk [tilespmem:v0+s5+$0x0], $0xffff;
	_ =	sdelay $0x4  }
0x203: {  	[tilespmem:s30+$0x1C720] =	vst v0;
	v0 =	vld [tilespmem:s30+$0x1A740]  }
0x204: {  	v1 =	vld.idx.msk [tilespmem:v1+s5+$0x0], $0xffff;
	_ =	sdelay $0x4  }
0x205: {  	[tilespmem:s30+$0x1C730] =	vst v1;
	v1 =	vld [tilespmem:s30+$0x1A750];
	_ =	sdelay $0x1  }
0x206: {  	v0 =	vld.idx.msk [tilespmem:v0+s5+$0x0], $0xffff;
	_ =	sdelay $0x4  }
0x207: {  	[tilespmem:s30+$0x1C740] =	vst v0;
	v0 =	vld [tilespmem:s30+$0x1A760]  }
0x208: {  	v1 =	vld.idx.msk [tilespmem:v1+s5+$0x0], $0xffff;
	_ =	sdelay $0x4  }
0x209: {  	[tilespmem:s30+$0x1C750] =	vst v1;
	v1 =	vld [tilespmem:s30+$0x1A770];
	_ =	sdelay $0x1  }
0x20a: {  	v0 =	vld.idx.msk [tilespmem:v0+s5+$0x0], $0xffff;
	_ =	sdelay $0x4  }
0x20b: {  	[tilespmem:s30+$0x1C760] =	vst v0;
	v0 =	vld [tilespmem:s30+$0x1A780]  }
0x20c: {  	v1 =	vld.idx.msk [tilespmem:v1+s5+$0x0], $0xffff;
	_ =	sdelay $0x4  }
0x20d: {  	[tilespmem:s30+$0x1C770] =	vst v1;
	v1 =	vld [tilespmem:s30+$0x1A790];
	_ =	sdelay $0x1  }
0x20e: {  	v0 =	vld.idx.msk [tilespmem:v0+s5+$0x0], $0xffff;
	_ =	sdelay $0x4  }
0x20f: {  	[tilespmem:s30+$0x1C780] =	vst v0;
	v0 =	vld [tilespmem:s30+$0x1A7A0]  }
0x210: {  	v1 =	vld.idx.msk [tilespmem:v1+s5+$0x0], $0xffff;
	_ =	sdelay $0x4  }
0x211: {  	[tilespmem:s30+$0x1C790] =	vst v1;
	v1 =	vld [tilespmem:s30+$0x1A7B0];
	_ =	sdelay $0x1  }
0x212: {  	v0 =	vld.idx.msk [tilespmem:v0+s5+$0x0], $0xffff;
	_ =	sdelay $0x4  }
0x213: {  	[tilespmem:s30+$0x1C7A0] =	vst v0;
	v0 =	vld [tilespmem:s30+$0x1A7C0]  }
0x214: {  	v1 =	vld.idx.msk [tilespmem:v1+s5+$0x0], $0xffff;
	_ =	sdelay $0x4  }
0x215: {  	[tilespmem:s30+$0x1C7B0] =	vst v1;
	v1 =	vld [tilespmem:s30+$0x1A7D0];
	_ =	sdelay $0x1  }
0x216: {  	v0 =	vld.idx.msk [tilespmem:v0+s5+$0x0], $0xffff;
	_ =	sdelay $0x4  }
0x217: {  	v2 =	vld [tilespmem:s30+$0x1A7E0];
	[tilespmem:s30+$0x1C7C0] =	vst v0  }
0x218: {  	v0 =	vld.idx.msk [tilespmem:v1+s5+$0x0], $0xffff;
	_ =	sdelay $0x4  }
0x219: {  	[tilespmem:s30+$0x1C7D0] =	vst v0;
	v0 =	vld [tilespmem:s30+$0x1A7F0];
	_ =	sdelay $0x1  }
0x21a: {  	v1 =	vld.idx.msk [tilespmem:v2+s5+$0x0], $0xffff;
	_ =	sdelay $0x3  }
0x21b: {  	s29 =	sadd.s32 s28, s9;
	s31 =	simm.s32 $0x800;
	s2 =	simm.s32 $0x100  }
.LBB2_17:
0x21c: {  	p1 =	sne.s32 s31, $0x3C00;
	v2 =	vld [tilespmem:s2+$0x1A700];
	[tilespmem:s30+$0x1C7E0] =	vst v1  }
0x21d: {  	v0 =	vld.idx.msk [tilespmem:v0+s5+$0x0], $0xffff;
	_ =	sdelay $0x5  }
0x21e: {  	v1 =	vld [tilespmem:s2+$0x1A710];
	[tilespmem:s30+$0x1C7F0] =	vst v0;
	s30 =	smov.u32 s2  }
0x21f: {  	v0 =	vld.idx.msk [tilespmem:v2+s5+$0x0], $0xffff;
	_ =	sdelay $0x5  }
0x220: {  	[tilespmem:s30+$0x1C700] =	vst v0;
	v0 =	vld [tilespmem:s30+$0x1A720]  }
0x221: {  	v1 =	vld.idx.msk [tilespmem:v1+s5+$0x0], $0xffff;
	_ =	sdelay $0x5  }
0x222: {  	[tilespmem:s30+$0x1C710] =	vst v1;
	v1 =	vld [tilespmem:s30+$0x1A730]  }
0x223: {  	v0 =	vld.idx.msk [tilespmem:v0+s5+$0x0], $0xffff;
	_ =	sdelay $0x5  }
0x224: {  	[tilespmem:s30+$0x1C720] =	vst v0;
	v0 =	vld [tilespmem:s30+$0x1A740]  }
0x225: {  	v1 =	vld.idx.msk [tilespmem:v1+s5+$0x0], $0xffff;
	_ =	sdelay $0x5  }
0x226: {  	[tilespmem:s30+$0x1C730] =	vst v1;
	v1 =	vld [tilespmem:s30+$0x1A750]  }
0x227: {  	v0 =	vld.idx.msk [tilespmem:v0+s5+$0x0], $0xffff;
	_ =	sdelay $0x5  }
0x228: {  	[tilespmem:s30+$0x1C740] =	vst v0;
	v0 =	vld [tilespmem:s30+$0x1A760]  }
0x229: {  	v1 =	vld.idx.msk [tilespmem:v1+s5+$0x0], $0xffff;
	_ =	sdelay $0x5  }
0x22a: {  	[tilespmem:s30+$0x1C750] =	vst v1;
	v1 =	vld [tilespmem:s30+$0x1A770]  }
0x22b: {  	v0 =	vld.idx.msk [tilespmem:v0+s5+$0x0], $0xffff;
	_ =	sdelay $0x5  }
0x22c: {  	[tilespmem:s30+$0x1C760] =	vst v0;
	v0 =	vld [tilespmem:s30+$0x1A780]  }
0x22d: {  	v1 =	vld.idx.msk [tilespmem:v1+s5+$0x0], $0xffff;
	_ =	sdelay $0x5  }
0x22e: {  	[tilespmem:s30+$0x1C770] =	vst v1;
	v1 =	vld [tilespmem:s30+$0x1A790]  }
0x22f: {  	v0 =	vld.idx.msk [tilespmem:v0+s5+$0x0], $0xffff;
	_ =	sdelay $0x5  }
0x230: {  	[tilespmem:s30+$0x1C780] =	vst v0;
	v0 =	vld [tilespmem:s30+$0x1A7A0]  }
0x231: {  	v1 =	vld.idx.msk [tilespmem:v1+s5+$0x0], $0xffff;
	_ =	sdelay $0x5  }
0x232: {  	[tilespmem:s30+$0x1C790] =	vst v1;
	v1 =	vld [tilespmem:s30+$0x1A7B0]  }
0x233: {  	v0 =	vld.idx.msk [tilespmem:v0+s5+$0x0], $0xffff;
	_ =	sdelay $0x5  }
0x234: {  	[tilespmem:s30+$0x1C7A0] =	vst v0;
	v0 =	vld [tilespmem:s30+$0x1A7C0]  }
0x235: {  	v1 =	vld.idx.msk [tilespmem:v1+s5+$0x0], $0xffff;
	_ =	sdelay $0x5  }
0x236: {  	[tilespmem:s30+$0x1C7B0] =	vst v1;
	v1 =	vld [tilespmem:s30+$0x1A7D0]  }
0x237: {  	v0 =	vld.idx.msk [tilespmem:v0+s5+$0x0], $0xffff;
	_ =	sdelay $0x5  }
0x238: {  	[tilespmem:s30+$0x1C7C0] =	vst v0;
	v2 =	vld [tilespmem:s30+$0x1A7E0]  }
0x239: {  	v0 =	vld.idx.msk [tilespmem:v1+s5+$0x0], $0xffff;
	_ =	sdelay $0x5  }
0x23a: {  	[tilespmem:s30+$0x1C7D0] =	vst v0;
	v0 =	vld [tilespmem:s30+$0x1A7F0]  }
0x23b: {  	v1 =	vld.idx.msk [tilespmem:v2+s5+$0x0], $0xffff  }
.Ltmp7:
0x23c: {  	(pc) =	sbr.rel @p1 .LBB2_17-.Ltmp7, $2  }
0x23d: {  	_ =	sdelay $0x2  }
0x23e: {  	s2 =	sshra.s32 s31, $0x2;
	s31 =	sadd.s32 $0x400, s31  }
0x23f: {  	_ =	sdelay $0x1  }
0x240: {  	v2 =	vld [tilespmem:s2+$0x1A700]  }
0x241: {  	[tilespmem:s30+$0x1C7E0] =	vst v1  }
0x242: {  	v0 =	vld.idx.msk [tilespmem:v0+s5+$0x0], $0xffff;
	_ =	sdelay $0x3  }
0x243: {  	v1 =	vld [tilespmem:s2+$0x1A710]  }
0x244: {  	[tilespmem:s30+$0x1C7F0] =	vst v0  }
0x245: {  	v0 =	vld.idx.msk [tilespmem:v2+s5+$0x0], $0xffff;
	_ =	sdelay $0x4  }
0x246: {  	[tilespmem:s2+$0x1C700] =	vst v0;
	v0 =	vld [tilespmem:s2+$0x1A720]  }
0x247: {  	v1 =	vld.idx.msk [tilespmem:v1+s5+$0x0], $0xffff;
	_ =	sdelay $0x4  }
0x248: {  	[tilespmem:s2+$0x1C710] =	vst v1;
	v1 =	vld [tilespmem:s2+$0x1A730];
	_ =	sdelay $0x1  }
0x249: {  	v0 =	vld.idx.msk [tilespmem:v0+s5+$0x0], $0xffff;
	_ =	sdelay $0x4  }
0x24a: {  	[tilespmem:s2+$0x1C720] =	vst v0;
	v0 =	vld [tilespmem:s2+$0x1A740]  }
0x24b: {  	v1 =	vld.idx.msk [tilespmem:v1+s5+$0x0], $0xffff;
	_ =	sdelay $0x4  }
0x24c: {  	[tilespmem:s2+$0x1C730] =	vst v1;
	v1 =	vld [tilespmem:s2+$0x1A750];
	_ =	sdelay $0x1  }
0x24d: {  	v0 =	vld.idx.msk [tilespmem:v0+s5+$0x0], $0xffff;
	_ =	sdelay $0x4  }
0x24e: {  	[tilespmem:s2+$0x1C740] =	vst v0;
	v0 =	vld [tilespmem:s2+$0x1A760]  }
0x24f: {  	v1 =	vld.idx.msk [tilespmem:v1+s5+$0x0], $0xffff;
	_ =	sdelay $0x4  }
0x250: {  	[tilespmem:s2+$0x1C750] =	vst v1;
	v1 =	vld [tilespmem:s2+$0x1A770];
	_ =	sdelay $0x1  }
0x251: {  	v0 =	vld.idx.msk [tilespmem:v0+s5+$0x0], $0xffff;
	_ =	sdelay $0x4  }
0x252: {  	[tilespmem:s2+$0x1C760] =	vst v0;
	v0 =	vld [tilespmem:s2+$0x1A780]  }
0x253: {  	v1 =	vld.idx.msk [tilespmem:v1+s5+$0x0], $0xffff;
	_ =	sdelay $0x4  }
0x254: {  	[tilespmem:s2+$0x1C770] =	vst v1;
	v1 =	vld [tilespmem:s2+$0x1A790];
	_ =	sdelay $0x1  }
0x255: {  	v0 =	vld.idx.msk [tilespmem:v0+s5+$0x0], $0xffff;
	_ =	sdelay $0x4  }
0x256: {  	[tilespmem:s2+$0x1C780] =	vst v0;
	v0 =	vld [tilespmem:s2+$0x1A7A0]  }
0x257: {  	v1 =	vld.idx.msk [tilespmem:v1+s5+$0x0], $0xffff;
	_ =	sdelay $0x4  }
0x258: {  	[tilespmem:s2+$0x1C790] =	vst v1;
	v1 =	vld [tilespmem:s2+$0x1A7B0];
	_ =	sdelay $0x1  }
0x259: {  	v0 =	vld.idx.msk [tilespmem:v0+s5+$0x0], $0xffff;
	_ =	sdelay $0x4  }
0x25a: {  	[tilespmem:s2+$0x1C7A0] =	vst v0;
	v0 =	vld [tilespmem:s2+$0x1A7C0]  }
0x25b: {  	v1 =	vld.idx.msk [tilespmem:v1+s5+$0x0], $0xffff;
	_ =	sdelay $0x4  }
0x25c: {  	[tilespmem:s2+$0x1C7B0] =	vst v1;
	v1 =	vld [tilespmem:s2+$0x1A7D0];
	_ =	sdelay $0x1  }
0x25d: {  	v0 =	vld.idx.msk [tilespmem:v0+s5+$0x0], $0xffff;
	_ =	sdelay $0x4  }
0x25e: {  	[tilespmem:s2+$0x1C7C0] =	vst v0;
	v0 =	vld [tilespmem:s2+$0x1A7E0]  }
0x25f: {  	v1 =	vld.idx.msk [tilespmem:v1+s5+$0x0], $0xffff;
	_ =	sdelay $0x4  }
0x260: {  	[tilespmem:s2+$0x1C7D0] =	vst v1;
	v1 =	vld [tilespmem:s2+$0x1A7F0];
	_ =	sdelay $0x1  }
0x261: {  	v0 =	vld.idx.msk [tilespmem:v0+s5+$0x0], $0xffff;
	_ =	sdelay $0x4  }
0x262: {  	[tilespmem:s2+$0x1C7E0] =	vst v0  }
0x263: {  	v0 =	vld.idx.msk [tilespmem:v1+s5+$0x0], $0xffff;
	_ =	sdelay $0x4  }
0x264: {  	[tilespmem:s2+$0x1C7F0] =	vst v0  }
0x265: {  	[hbm4b:s29+s16] =	stream.strided.scatter [tilespmem:s20], [sflag:$0x1], $0x1000, s17, s16, $0x38;
	[tilespmem:$0x1E700] =	vst v63  }
0x266: {  	_ =	swait.ge [sflag:s23], $0x1000  }
0x267: {  	[sflag:s23] =	ssyncset.done $0x0  }
0x268: {  	s29 =	simm.s32 $0x0;
	[sflag:s23] =	ssyncadd.s32 $0xFFFFF000  }
0x269: {  	v0 =	vld [tilespmem:s29+$0x1B700];
	_ =	sdelay $0x5  }
0x26a: {  	v1 =	vld [tilespmem:s29+$0x1B710];
	_ =	sdelay $0x1  }
0x26b: {  	v0 =	vld.idx.msk [tilespmem:v0+s5+$0x0], $0xffff;
	_ =	sdelay $0x4  }
0x26c: {  	[tilespmem:s29+$0x1D700] =	vst v0;
	v0 =	vld [tilespmem:s29+$0x1B720]  }
0x26d: {  	v1 =	vld.idx.msk [tilespmem:v1+s5+$0x0], $0xffff;
	_ =	sdelay $0x4  }
0x26e: {  	[tilespmem:s29+$0x1D710] =	vst v1;
	v1 =	vld [tilespmem:s29+$0x1B730];
	_ =	sdelay $0x1  }
0x26f: {  	v0 =	vld.idx.msk [tilespmem:v0+s5+$0x0], $0xffff;
	_ =	sdelay $0x4  }
0x270: {  	[tilespmem:s29+$0x1D720] =	vst v0;
	v0 =	vld [tilespmem:s29+$0x1B740]  }
0x271: {  	v1 =	vld.idx.msk [tilespmem:v1+s5+$0x0], $0xffff;
	_ =	sdelay $0x4  }
0x272: {  	[tilespmem:s29+$0x1D730] =	vst v1;
	v1 =	vld [tilespmem:s29+$0x1B750];
	_ =	sdelay $0x1  }
0x273: {  	v0 =	vld.idx.msk [tilespmem:v0+s5+$0x0], $0xffff;
	_ =	sdelay $0x4  }
0x274: {  	[tilespmem:s29+$0x1D740] =	vst v0;
	v0 =	vld [tilespmem:s29+$0x1B760]  }
0x275: {  	v1 =	vld.idx.msk [tilespmem:v1+s5+$0x0], $0xffff;
	_ =	sdelay $0x4  }
0x276: {  	[tilespmem:s29+$0x1D750] =	vst v1;
	v1 =	vld [tilespmem:s29+$0x1B770];
	_ =	sdelay $0x1  }
0x277: {  	v0 =	vld.idx.msk [tilespmem:v0+s5+$0x0], $0xffff;
	_ =	sdelay $0x4  }
0x278: {  	[tilespmem:s29+$0x1D760] =	vst v0;
	v0 =	vld [tilespmem:s29+$0x1B780]  }
0x279: {  	v1 =	vld.idx.msk [tilespmem:v1+s5+$0x0], $0xffff;
	_ =	sdelay $0x4  }
0x27a: {  	[tilespmem:s29+$0x1D770] =	vst v1;
	v1 =	vld [tilespmem:s29+$0x1B790];
	_ =	sdelay $0x1  }
0x27b: {  	v0 =	vld.idx.msk [tilespmem:v0+s5+$0x0], $0xffff;
	_ =	sdelay $0x4  }
0x27c: {  	[tilespmem:s29+$0x1D780] =	vst v0;
	v0 =	vld [tilespmem:s29+$0x1B7A0]  }
0x27d: {  	v1 =	vld.idx.msk [tilespmem:v1+s5+$0x0], $0xffff;
	_ =	sdelay $0x4  }
0x27e: {  	[tilespmem:s29+$0x1D790] =	vst v1;
	v1 =	vld [tilespmem:s29+$0x1B7B0];
	_ =	sdelay $0x1  }
0x27f: {  	v0 =	vld.idx.msk [tilespmem:v0+s5+$0x0], $0xffff;
	_ =	sdelay $0x4  }
0x280: {  	[tilespmem:s29+$0x1D7A0] =	vst v0;
	v0 =	vld [tilespmem:s29+$0x1B7C0]  }
0x281: {  	v1 =	vld.idx.msk [tilespmem:v1+s5+$0x0], $0xffff;
	_ =	sdelay $0x4  }
0x282: {  	[tilespmem:s29+$0x1D7B0] =	vst v1;
	v1 =	vld [tilespmem:s29+$0x1B7D0];
	_ =	sdelay $0x1  }
0x283: {  	v0 =	vld.idx.msk [tilespmem:v0+s5+$0x0], $0xffff;
	_ =	sdelay $0x4  }
0x284: {  	v2 =	vld [tilespmem:s29+$0x1B7E0];
	[tilespmem:s29+$0x1D7C0] =	vst v0  }
0x285: {  	v0 =	vld.idx.msk [tilespmem:v1+s5+$0x0], $0xffff;
	_ =	sdelay $0x4  }
0x286: {  	[tilespmem:s29+$0x1D7D0] =	vst v0;
	v0 =	vld [tilespmem:s29+$0x1B7F0];
	_ =	sdelay $0x1  }
0x287: {  	v1 =	vld.idx.msk [tilespmem:v2+s5+$0x0], $0xffff;
	_ =	sdelay $0x3  }
0x288: {  	s28 =	sadd.s32 s28, s10;
	s30 =	simm.s32 $0x800;
	s2 =	simm.s32 $0x100  }
.LBB2_19:
0x289: {  	p1 =	sne.s32 s30, $0x3C00;
	v2 =	vld [tilespmem:s2+$0x1B700];
	[tilespmem:s29+$0x1D7E0] =	vst v1  }
0x28a: {  	v0 =	vld.idx.msk [tilespmem:v0+s5+$0x0], $0xffff;
	_ =	sdelay $0x5  }
0x28b: {  	v1 =	vld [tilespmem:s2+$0x1B710];
	[tilespmem:s29+$0x1D7F0] =	vst v0;
	s29 =	smov.u32 s2  }
0x28c: {  	v0 =	vld.idx.msk [tilespmem:v2+s5+$0x0], $0xffff;
	_ =	sdelay $0x5  }
0x28d: {  	[tilespmem:s29+$0x1D700] =	vst v0;
	v0 =	vld [tilespmem:s29+$0x1B720]  }
0x28e: {  	v1 =	vld.idx.msk [tilespmem:v1+s5+$0x0], $0xffff;
	_ =	sdelay $0x5  }
0x28f: {  	[tilespmem:s29+$0x1D710] =	vst v1;
	v1 =	vld [tilespmem:s29+$0x1B730]  }
0x290: {  	v0 =	vld.idx.msk [tilespmem:v0+s5+$0x0], $0xffff;
	_ =	sdelay $0x5  }
0x291: {  	[tilespmem:s29+$0x1D720] =	vst v0;
	v0 =	vld [tilespmem:s29+$0x1B740]  }
0x292: {  	v1 =	vld.idx.msk [tilespmem:v1+s5+$0x0], $0xffff;
	_ =	sdelay $0x5  }
0x293: {  	[tilespmem:s29+$0x1D730] =	vst v1;
	v1 =	vld [tilespmem:s29+$0x1B750]  }
0x294: {  	v0 =	vld.idx.msk [tilespmem:v0+s5+$0x0], $0xffff;
	_ =	sdelay $0x5  }
0x295: {  	[tilespmem:s29+$0x1D740] =	vst v0;
	v0 =	vld [tilespmem:s29+$0x1B760]  }
0x296: {  	v1 =	vld.idx.msk [tilespmem:v1+s5+$0x0], $0xffff;
	_ =	sdelay $0x5  }
0x297: {  	[tilespmem:s29+$0x1D750] =	vst v1;
	v1 =	vld [tilespmem:s29+$0x1B770]  }
0x298: {  	v0 =	vld.idx.msk [tilespmem:v0+s5+$0x0], $0xffff;
	_ =	sdelay $0x5  }
0x299: {  	[tilespmem:s29+$0x1D760] =	vst v0;
	v0 =	vld [tilespmem:s29+$0x1B780]  }
0x29a: {  	v1 =	vld.idx.msk [tilespmem:v1+s5+$0x0], $0xffff;
	_ =	sdelay $0x5  }
0x29b: {  	[tilespmem:s29+$0x1D770] =	vst v1;
	v1 =	vld [tilespmem:s29+$0x1B790]  }
0x29c: {  	v0 =	vld.idx.msk [tilespmem:v0+s5+$0x0], $0xffff;
	_ =	sdelay $0x5  }
0x29d: {  	[tilespmem:s29+$0x1D780] =	vst v0;
	v0 =	vld [tilespmem:s29+$0x1B7A0]  }
0x29e: {  	v1 =	vld.idx.msk [tilespmem:v1+s5+$0x0], $0xffff;
	_ =	sdelay $0x5  }
0x29f: {  	[tilespmem:s29+$0x1D790] =	vst v1;
	v1 =	vld [tilespmem:s29+$0x1B7B0]  }
0x2a0: {  	v0 =	vld.idx.msk [tilespmem:v0+s5+$0x0], $0xffff;
	_ =	sdelay $0x5  }
0x2a1: {  	[tilespmem:s29+$0x1D7A0] =	vst v0;
	v0 =	vld [tilespmem:s29+$0x1B7C0]  }
0x2a2: {  	v1 =	vld.idx.msk [tilespmem:v1+s5+$0x0], $0xffff;
	_ =	sdelay $0x5  }
0x2a3: {  	[tilespmem:s29+$0x1D7B0] =	vst v1;
	v1 =	vld [tilespmem:s29+$0x1B7D0]  }
0x2a4: {  	v0 =	vld.idx.msk [tilespmem:v0+s5+$0x0], $0xffff;
	_ =	sdelay $0x5  }
0x2a5: {  	[tilespmem:s29+$0x1D7C0] =	vst v0;
	v2 =	vld [tilespmem:s29+$0x1B7E0]  }
0x2a6: {  	v0 =	vld.idx.msk [tilespmem:v1+s5+$0x0], $0xffff;
	_ =	sdelay $0x5  }
0x2a7: {  	[tilespmem:s29+$0x1D7D0] =	vst v0;
	v0 =	vld [tilespmem:s29+$0x1B7F0]  }
0x2a8: {  	v1 =	vld.idx.msk [tilespmem:v2+s5+$0x0], $0xffff  }
.Ltmp8:
0x2a9: {  	(pc) =	sbr.rel @p1 .LBB2_19-.Ltmp8, $2  }
0x2aa: {  	_ =	sdelay $0x2  }
0x2ab: {  	s2 =	sshra.s32 s30, $0x2;
	s30 =	sadd.s32 $0x400, s30  }
0x2ac: {  	_ =	sdelay $0x1  }
0x2ad: {  	v2 =	vld [tilespmem:s2+$0x1B700]  }
0x2ae: {  	[tilespmem:s29+$0x1D7E0] =	vst v1  }
0x2af: {  	v0 =	vld.idx.msk [tilespmem:v0+s5+$0x0], $0xffff;
	_ =	sdelay $0x3  }
0x2b0: {  	v1 =	vld [tilespmem:s2+$0x1B710]  }
0x2b1: {  	[tilespmem:s29+$0x1D7F0] =	vst v0  }
0x2b2: {  	v0 =	vld.idx.msk [tilespmem:v2+s5+$0x0], $0xffff;
	_ =	sdelay $0x3  }
0x2b3: {  	v50 =	vld [tilespmem:s2+$0x1B720]  }
0x2b4: {  	[tilespmem:s2+$0x1D700] =	vst v0  }
0x2b5: {  	v1 =	vld.idx.msk [tilespmem:v1+s5+$0x0], $0xffff;
	_ =	sdelay $0x3  }
0x2b6: {  	v51 =	vld [tilespmem:s2+$0x1B730]  }
0x2b7: {  	[tilespmem:s2+$0x1D710] =	vst v1  }
0x2b8: {  	v0 =	vld.idx.msk [tilespmem:v50+s5+$0x0], $0xffff;
	_ =	sdelay $0x3  }
0x2b9: {  	v52 =	vld [tilespmem:s2+$0x1B740]  }
0x2ba: {  	[tilespmem:s2+$0x1D720] =	vst v0  }
0x2bb: {  	v1 =	vld.idx.msk [tilespmem:v51+s5+$0x0], $0xffff;
	_ =	sdelay $0x3  }
0x2bc: {  	v53 =	vld [tilespmem:s2+$0x1B750]  }
0x2bd: {  	[tilespmem:s2+$0x1D730] =	vst v1  }
0x2be: {  	v0 =	vld.idx.msk [tilespmem:v52+s5+$0x0], $0xffff;
	_ =	sdelay $0x3  }
0x2bf: {  	v54 =	vld [tilespmem:s2+$0x1B760]  }
0x2c0: {  	[tilespmem:s2+$0x1D740] =	vst v0  }
0x2c1: {  	v1 =	vld.idx.msk [tilespmem:v53+s5+$0x0], $0xffff;
	_ =	sdelay $0x3  }
0x2c2: {  	v55 =	vld [tilespmem:s2+$0x1B770]  }
0x2c3: {  	[tilespmem:s2+$0x1D750] =	vst v1  }
0x2c4: {  	v0 =	vld.idx.msk [tilespmem:v54+s5+$0x0], $0xffff;
	_ =	sdelay $0x3  }
0x2c5: {  	v56 =	vld [tilespmem:s2+$0x1B780]  }
0x2c6: {  	[tilespmem:s2+$0x1D760] =	vst v0  }
0x2c7: {  	v1 =	vld.idx.msk [tilespmem:v55+s5+$0x0], $0xffff;
	_ =	sdelay $0x3  }
0x2c8: {  	v57 =	vld [tilespmem:s2+$0x1B790]  }
0x2c9: {  	[tilespmem:s2+$0x1D770] =	vst v1  }
0x2ca: {  	v0 =	vld.idx.msk [tilespmem:v56+s5+$0x0], $0xffff;
	_ =	sdelay $0x3  }
0x2cb: {  	v58 =	vld [tilespmem:s2+$0x1B7A0]  }
0x2cc: {  	[tilespmem:s2+$0x1D780] =	vst v0  }
0x2cd: {  	v1 =	vld.idx.msk [tilespmem:v57+s5+$0x0], $0xffff;
	_ =	sdelay $0x3  }
0x2ce: {  	v59 =	vld [tilespmem:s2+$0x1B7B0]  }
0x2cf: {  	[tilespmem:s2+$0x1D790] =	vst v1  }
0x2d0: {  	v0 =	vld.idx.msk [tilespmem:v58+s5+$0x0], $0xffff;
	_ =	sdelay $0x3  }
0x2d1: {  	v60 =	vld [tilespmem:s2+$0x1B7C0]  }
0x2d2: {  	[tilespmem:s2+$0x1D7A0] =	vst v0  }
0x2d3: {  	v1 =	vld.idx.msk [tilespmem:v59+s5+$0x0], $0xffff;
	_ =	sdelay $0x3  }
0x2d4: {  	v61 =	vld [tilespmem:s2+$0x1B7D0]  }
0x2d5: {  	[tilespmem:s2+$0x1D7B0] =	vst v1  }
0x2d6: {  	v0 =	vld.idx.msk [tilespmem:v60+s5+$0x0], $0xffff;
	_ =	sdelay $0x3  }
0x2d7: {  	v62 =	vld [tilespmem:s2+$0x1B7E0]  }
0x2d8: {  	[tilespmem:s2+$0x1D7C0] =	vst v0  }
0x2d9: {  	v1 =	vld.idx.msk [tilespmem:v61+s5+$0x0], $0xffff;
	_ =	sdelay $0x3  }
0x2da: {  	v63 =	vld [tilespmem:s2+$0x1B7F0]  }
0x2db: {  	[tilespmem:s2+$0x1D7D0] =	vst v1  }
0x2dc: {  	v0 =	vld.idx.msk [tilespmem:v62+s5+$0x0], $0xffff;
	_ =	sdelay $0x4  }
0x2dd: {  	[tilespmem:s2+$0x1D7E0] =	vst v0  }
0x2de: {  	s25 =	sadd.s32 $0x1, s25;
	v0 =	vld.idx.msk [tilespmem:v63+s5+$0x0], $0xffff  }
0x2df: {  	p1 =	sne.s32 s25, $0x1A  }
.Ltmp9:
0x2e0: {  	_ = 	snop;
	(pc) =	sbr.rel @p1 .LBB2_12-.Ltmp9, $3  }
0x2e1: {  	_ =	sdelay $0x1  }
0x2e2: {  	[tilespmem:s2+$0x1D7F0] =	vst v0  }
0x2e3: {  	[hbm4b:s28+s16] =	stream.strided.scatter [tilespmem:s21], [sflag:$0x2], $0x1000, s17, s16, $0x38;
	[tilespmem:$0x1E700] =	vst v63  }
0x2e4: {  	s24 =	sadd.s32 $0x1, s24  }
0x2e5: {  	_ =	swait.ge [sflag:s22], $0x1000;
	p1 =	sne.s32 s24, s15  }
.Ltmp10:
0x2e6: {  	[sflag:s22] =	ssyncset.done $0x0;
	(pc) =	sbr.rel @p1 .LBB2_1-.Ltmp10, $4  }
0x2e7: {  	[sflag:s22] =	ssyncadd.s32 $0xFFFFF000  }
0x2e8: {  	_ =	swait.ge [sflag:s23], $0x1000  }
0x2e9: {  	[sflag:s23] =	ssyncset.done $0x0  }
0x2ea: {  	[sflag:s23] =	ssyncadd.s32 $0xFFFFF000  }
0x2eb: {  	_ =	sfence.sel $0x180000  }
0x2ec: {  	[bflag:$0x0] =	sbarrier.arrive $0xFFFF  }
0x2ed: {  	_ =	strace $0x90000047  }
0x2ee: {  	[bflag:$0x2] =	sbarrier.arrive $0xFFFF  }
0x2ef: {  	p0 =	sne.s32 s0, $0x0;
	s0 =	rddreg [dreg:$0x3]  }
0x2f0: {  	s0 =	sadd.s32 @!p0 $0x100000, s0  }
0x2f1: {  	[sflag:s0] =	ssyncadd.tile.s32 @!p0 $0x1;
	_ =	shalt  }
.Lfunc_end2:
_tile_overlayer_lowered:
.L_overlay_start_2:
0x2f2: {  	(tag) =	ssettag $0x2  }
0x2f3: {  	s0 =	rddreg [dreg:$0x0];
	s2 =	stileid.u32  }
0x2f4: {  	s1 =	rddreg [dreg:$0x1];
	p0 =	sne.s32 s2, $0x0  }
0x2f5: {  	s3 =	rddreg [dreg:$0x2];
	[bflag:$0x3] =	sbarrier.arrive $0xFFFF;
	s2 =	simm.s32 @!p0 $0x1C03  }
0x2f6: {  	[timem:s3], [sflag:s2] =	dma.local @!p0 [hbm:s0], s1  }
0x2f7: {  	s0 =	simm.s32 @!p0 $0x3  }
0x2f8: {  	_ =	swait.ge @!p0 [sflag:s0], s1  }
0x2f9: {  	s1 =	ssub.s32 @!p0 $0x0, s1;
	[sflag:s0] =	ssyncset.done @!p0 $0x0  }
0x2fa: {  	[sflag:s0] =	ssyncadd.s32 @!p0 s1  }
0x2fb: {  	[bflag:$0x3] =	sbarrier.arrive $0xFFFF  }
0x2fc: {  	_ =	shalt  }

</sc_bundles>
